<compile_context>
chip_gen: v7x
topology: tpu7x:2x2x1
jax: 0.10.2.dev20260603
libtpu: 0.0.44.dev20260713+nightly
codegen_flags: <defaults>
</compile_context>

<pallas_src>
import functools

import jax
import jax.numpy as jnp
from jax import lax
from jax.experimental import pallas as pl
from jax.experimental.pallas import tpu as pltpu
from jax.experimental.pallas import tpu_sc as plsc

_NEG = -1e30

_NC = 2
_NS = 16
_NW = _NC * _NS



def _gather_target_rows(tgt, w0, w1, w2, *, cut0, cut1):
    n = tgt.shape[0]
    d = w0.shape[1]
    k1 = w1.shape[1]
    k2 = w2.shape[1]
    rpt = n // _NW
    mesh = plsc.VectorSubcoreMesh(core_axis_name="c", subcore_axis_name="s")

    @functools.partial(
        pl.kernel,
        out_type=[
            jax.ShapeDtypeStruct((n, d), jnp.float32),
            jax.ShapeDtypeStruct((n, k1), jnp.float32),
            jax.ShapeDtypeStruct((n, k2), jnp.float32),
        ],
        mesh=mesh,
        scratch_types=[
            pltpu.VMEM((rpt,), jnp.int32),
            pltpu.VMEM((rpt,), jnp.int32),
            pltpu.VMEM((rpt,), jnp.int32),
            pltpu.VMEM((rpt,), jnp.int32),
            pltpu.VMEM((16, d), jnp.float32),
            pltpu.VMEM((rpt, k1), jnp.float32),
            pltpu.VMEM((rpt, k2), jnp.float32),
            pltpu.SemaphoreType.DMA,
        ],
    )
    def kern(tgt_hbm, w0_hbm, w1_hbm, w2_hbm, g0_hbm, g1_hbm, g2_hbm,
             tv, i0, i1, i2, bufa, bufb, bufc, sem):
        wid = lax.axis_index("s") * _NC + lax.axis_index("c")
        base = wid * rpt
        pltpu.sync_copy(tgt_hbm.at[pl.ds(base, rpt)], tv)
        zero16 = jnp.zeros((16,), jnp.int32)
        for k in range(rpt // 16):
            sl = pl.ds(k * 16, 16)
            t = tv[sl]
            i0[sl] = jnp.where(t < cut0, t, zero16)
            i1[sl] = jnp.where((t >= cut0) & (t < cut1), t - cut0, zero16)
            i2[sl] = jnp.where(t >= cut1, t - cut1, zero16)
        for c in range(rpt // 16):
            pltpu.async_copy(w0_hbm.at[i0.at[pl.ds(c * 16, 16)]], bufa,
                             sem).wait()
            pltpu.sync_copy(bufa, g0_hbm.at[pl.ds(base + c * 16, 16), :])
        for c in range(rpt // 128):
            sl = pl.ds(c * 128, 128)
            pltpu.async_copy(w1_hbm.at[i1.at[sl]], bufb.at[sl, :],
                             sem).wait()
            pltpu.async_copy(w2_hbm.at[i2.at[sl]], bufc.at[sl, :],
                             sem).wait()
        pltpu.sync_copy(bufb, g1_hbm.at[pl.ds(base, rpt), :])
        pltpu.sync_copy(bufc, g2_hbm.at[pl.ds(base, rpt), :])

    return kern(tgt, w0, w1, w2)



def _proj_body(x_ref, p0_ref, p1_ref, p2_ref, o0_ref, o1_ref, o2_ref):
    x = x_ref[...]
    for p_ref, o_ref in ((p0_ref, o0_ref), (p1_ref, o1_ref),
                         (p2_ref, o2_ref)):
        o_ref[...] = jax.lax.dot_general(
            x, p_ref[...], (((1,), (0,)), ((), ())),
            preferred_element_type=jnp.float32).astype(jnp.bfloat16)


def _project(x, p0, p1, p2, *, blk_r, interpret=False):
    n, d = x.shape
    k1 = p1.shape[1]
    k2 = p2.shape[1]
    return pl.pallas_call(
        _proj_body,
        grid=(n // blk_r,),
        in_specs=[
            pl.BlockSpec((blk_r, d), lambda r: (r, 0)),
            pl.BlockSpec((d, d), lambda r: (0, 0)),
            pl.BlockSpec((d, k1), lambda r: (0, 0)),
            pl.BlockSpec((d, k2), lambda r: (0, 0)),
        ],
        out_specs=[
            pl.BlockSpec((blk_r, d), lambda r: (r, 0)),
            pl.BlockSpec((blk_r, k1), lambda r: (r, 0)),
            pl.BlockSpec((blk_r, k2), lambda r: (r, 0)),
        ],
        out_shape=[
            jax.ShapeDtypeStruct((n, d), jnp.bfloat16),
            jax.ShapeDtypeStruct((n, k1), jnp.bfloat16),
            jax.ShapeDtypeStruct((n, k2), jnp.bfloat16),
        ],
        compiler_params=pltpu.CompilerParams(
            dimension_semantics=("arbitrary",)),
        interpret=interpret,
    )(x, p0, p1, p2)


def _final_body(tgt_ref, l0_ref, cl_ref, l1_ref, l2_ref, ph0_ref, g0_ref,
                ph1_ref, g1_ref, ph2_ref, g2_ref, out_ref, *, cut0, cut1):
    t0 = jnp.sum(ph0_ref[...].astype(jnp.float32) * g0_ref[...],
                 axis=1, keepdims=True)
    t1 = jnp.sum(ph1_ref[...].astype(jnp.float32) * g1_ref[...],
                 axis=1, keepdims=True)
    k2 = ph2_ref.shape[1]
    t2 = jnp.sum(ph2_ref[...].astype(jnp.float32) * g2_ref[:, :k2],
                 axis=1, keepdims=True)
    tg = tgt_ref[...]
    cl0 = cl_ref[:, 0:1]
    cl1 = cl_ref[:, 1:2]
    th = jnp.where(tg < cut0, t0, jnp.where(tg >= cut1, cl0, cl1))
    nll = l0_ref[...] - th
    nll += jnp.where((tg >= cut0) & (tg < cut1), l1_ref[...] - t1, 0.0)
    nll += jnp.where(tg >= cut1, l2_ref[...] - t2, 0.0)
    out_ref[...] = nll


def _final(tgt, l0, cl, l1, l2, ph0, g0, ph1, g1, ph2, g2, *, cut0, cut1,
           blk_r, interpret=False):
    n, d = ph0.shape
    body = functools.partial(_final_body, cut0=cut0, cut1=cut1)

    def spec(a):
        return pl.BlockSpec((blk_r, a.shape[1]), lambda r: (r, 0))

    args = (tgt, l0, cl, l1, l2, ph0, g0, ph1, g1, ph2, g2)
    return pl.pallas_call(
        body,
        grid=(n // blk_r,),
        in_specs=[spec(a) for a in args],
        out_specs=pl.BlockSpec((blk_r, 1), lambda r: (r, 0)),
        out_shape=jax.ShapeDtypeStruct((n, 1), jnp.float32),
        compiler_params=pltpu.CompilerParams(
            dimension_semantics=("arbitrary",)),
        interpret=interpret,
    )(*args)


def _sweep(ph, w, b, extra_inputs, extras_fn, *, blk_r, blk_c, sub,
           n_out=1, interpret=False):
    n, k = ph.shape
    n_cols = w.shape[0]
    n_rblk = n // blk_r
    n_cblk = pl.cdiv(n_cols, blk_c)

    def body(ph_ref, w_ref, b_ref, *rest):
        extra_refs = rest[:len(extra_inputs)]
        out_refs = list(rest[len(extra_inputs):len(extra_inputs) + n_out])
        s_ref = rest[len(extra_inputs) + n_out]
        c = pl.program_id(1)
        n_sub = blk_r // sub

        @pl.when(c == 0)
        def _init():
            s_ref[...] = jnp.zeros_like(s_ref)

        def accum(i, masked):
            rs = pl.ds(i * sub, sub)
            logits = jax.lax.dot_general(
                ph_ref[rs, :], w_ref[...], (((1,), (1,)), ((), ())),
                preferred_element_type=jnp.float32) + b_ref[...]
            if masked:
                col = c * blk_c + jax.lax.broadcasted_iota(
                    jnp.int32, (sub, blk_c), 1)
                e = jnp.exp(jnp.where(col < n_cols, logits, _NEG))
            else:
                e = jnp.exp(logits)
            s_ref[rs, :] += jnp.sum(e, axis=1, keepdims=True)

        @pl.when(c < n_cblk - 1)
        def _full():
            jax.lax.fori_loop(0, n_sub,
                              lambda i, _: (accum(i, False), 0)[1], 0)

        @pl.when(c == n_cblk - 1)
        def _last():
            jax.lax.fori_loop(0, n_sub,
                              lambda i, _: (accum(i, True), 0)[1], 0)
            extras_fn(ph_ref, s_ref, out_refs, extra_refs)

    def small_spec(a):
        if a.ndim == 2 and a.shape[0] <= 8:
            return pl.BlockSpec(a.shape, lambda r, c: (0, 0))
        return pl.BlockSpec((blk_r, a.shape[1]), lambda r, c: (r, 0))

    return pl.pallas_call(
        body,
        grid=(n_rblk, n_cblk),
        in_specs=[
            pl.BlockSpec((blk_r, k), lambda r, c: (r, 0)),
            pl.BlockSpec((blk_c, k), lambda r, c: (c, 0)),
            pl.BlockSpec((1, blk_c), lambda r, c: (0, c)),
        ] + [small_spec(a) for a in extra_inputs],
        out_specs=([pl.BlockSpec((blk_r, 1), lambda r, c: (r, 0)),
                    pl.BlockSpec((blk_r, 2), lambda r, c: (r, 0))][:n_out]
                   if n_out > 1 else
                   pl.BlockSpec((blk_r, 1), lambda r, c: (r, 0))),
        out_shape=([jax.ShapeDtypeStruct((n, 1), jnp.float32),
                    jax.ShapeDtypeStruct((n, 2), jnp.float32)][:n_out]
                   if n_out > 1 else
                   jax.ShapeDtypeStruct((n, 1), jnp.float32)),
        scratch_shapes=[pltpu.VMEM((blk_r, 1), jnp.float32)],
        compiler_params=pltpu.CompilerParams(
            dimension_semantics=("arbitrary", "arbitrary")),
        interpret=interpret,
    )(ph, w, b, *extra_inputs)



def _adaptive_nll(input, target, cluster_weight, cluster_bias,
                  proj0, proj1, proj2, w0, b0, w1, b1, w2, b2,
                  *, cut0, cut1, vocab, blk_r, blk_c, sub, interpret=False):
    n, d = input.shape
    x = input.astype(jnp.bfloat16)
    tgt32 = target.astype(jnp.int32)
    tgt = tgt32.reshape(n, 1)

    w2g = jnp.pad(w2, ((0, 0), (0, 128 - w2.shape[1])))
    g0, g1, g2 = _gather_target_rows(tgt32, w0, w1, w2g, cut0=cut0,
                                     cut1=cut1)
    ph0, ph1, ph2 = _project(
        x, proj0.astype(jnp.bfloat16), proj1.astype(jnp.bfloat16),
        proj2.astype(jnp.bfloat16),
        blk_r=min(blk_r, 1024), interpret=interpret)

    def head_extras(ph_ref, s_ref, out_refs, extra_refs):
        cw_ref, cb_ref = extra_refs
        cl = jax.lax.dot_general(
            ph_ref[...], cw_ref[...], (((1,), (1,)), ((), ())),
            preferred_element_type=jnp.float32) + cb_ref[...]
        s = s_ref[...] + jnp.exp(cl[:, 0:1]) + jnp.exp(cl[:, 1:2])
        out_refs[0][...] = jnp.log(s)
        out_refs[1][...] = cl

    l0, cl = _sweep(
        ph0, w0.astype(jnp.bfloat16), b0.reshape(1, -1),
        [cluster_weight.astype(jnp.bfloat16), cluster_bias.reshape(1, 2)],
        head_extras, n_out=2,
        blk_r=blk_r, blk_c=blk_c, sub=sub, interpret=interpret)

    def tail_extras(ph_ref, s_ref, out_refs, extra_refs):
        out_refs[0][...] = jnp.log(s_ref[...])

    l1 = _sweep(
        ph1, w1.astype(jnp.bfloat16), b1.reshape(1, -1), [], tail_extras,
        blk_r=blk_r, blk_c=blk_c, sub=sub, interpret=interpret)
    l2 = _sweep(
        ph2, w2.astype(jnp.bfloat16), b2.reshape(1, -1), [], tail_extras,
        blk_r=blk_r, blk_c=blk_c, sub=sub, interpret=interpret)
    nll = _final(tgt, l0, cl, l1, l2, ph0, g0, ph1, g1, ph2, g2,
                 cut0=cut0, cut1=cut1, blk_r=1024, interpret=interpret)
    return nll.reshape(n)


def kernel(input, target, cluster_weight, cluster_bias, proj0, proj1, proj2,
           w0, b0, w1, b1, w2, b2):
    return _adaptive_nll(
        input, target, cluster_weight, cluster_bias,
        proj0, proj1, proj2, w0, b0, w1, b1, w2, b2,
        cut0=20000, cut1=60000, vocab=100000,
        blk_r=4096, blk_c=1024, sub=512)

# --- scband reference (transcript-rebuilt; emitter-appended) ---
"""Pipeline reference for scband-projected-adaptive-log-softmax-31645319037261 (READ-ONLY COPY).

The authoritative reference and input builder live on the scoring server;
editing this copy changes nothing except your own understanding.
"""

import jax, jax.numpy as jnp
import numpy as np

VOCAB = 100000
SHORTLIST = 20000
N_CLUSTERS = 2


def setup_inputs(seed: int = 0) -> dict:
    key = jax.random.key(seed)
    ks = jax.random.split(key, 12)
    N, D = 8192, 1024
    inp = {
        "input": jax.random.normal(ks[0], (N, D), dtype=jnp.float32),
        "target": jax.random.randint(ks[1], (N,), 0, VOCAB, dtype=jnp.int64 if jax.config.jax_enable_x64 else jnp.int32).astype(jnp.int32),
        "cluster_weight": (jax.random.normal(ks[2], (N_CLUSTERS, D), dtype=jnp.float32) * 0.02),
        "cluster_bias": jnp.zeros((N_CLUSTERS,), dtype=jnp.float32),
        "proj0": (jax.random.normal(ks[3], (D, D), dtype=jnp.float32) * 0.02),
        "proj1": (jax.random.normal(ks[4], (D, 256), dtype=jnp.float32) * 0.02),
        "proj2": (jax.random.normal(ks[5], (D, 64), dtype=jnp.float32) * 0.02),
        "w0": (jax.random.normal(ks[6], (20000, D), dtype=jnp.float32) * 0.02),
        "b0": jnp.zeros((20000,), dtype=jnp.float32),
        "w1": (jax.random.normal(ks[7], (40000, 256), dtype=jnp.float32) * 0.02),
        "b1": jnp.zeros((40000,), dtype=jnp.float32),
        "w2": (jax.random.normal(ks[8], (40000, 64), dtype=jnp.float32) * 0.02),
        "b2": jnp.zeros((40000,), dtype=jnp.float32),
    }
    return inp


def reference(input, target, cluster_weight, cluster_bias, proj0, proj1, proj2, w0, b0, w1, b1, w2, b2):
    # ProjectedAdaptiveLogSoftmax.forward with div_value=4, cutoffs=[20000,60000,100000]
    N = input.shape[0]
    rows = jnp.arange(N)
    # head: shortlist weights + cluster weights appended
    head_w = jnp.concatenate([w0, cluster_weight], axis=0)  # [20002, D]
    head_b = jnp.concatenate([b0, cluster_bias], axis=0)    # [20002]
    # proj then linear: F.linear(h, proj.t()) == h @ proj ; F.linear(ph, W, b) == ph @ W.T + b
    ph = input @ proj0
    head_logits = ph @ head_w.T + head_b
    head_lp = jax.nn.log_softmax(head_logits, axis=1)
    # remap targets falling in tail clusters to their head cluster columns
    # cluster idx 0 ([20000,60000)) -> shortlist + n_clusters - 1 - 0 = 20001
    # cluster idx 1 ([60000,100000)) -> 20000
    m0 = (target >= 20000) & (target < 60000)
    m1 = (target >= 60000) & (target < VOCAB)
    head_idx = jnp.where(m0, 20001, target)
    head_idx = jnp.where(m1, 20000, head_idx)
    nll = -head_lp[rows, head_idx]
    # tail clusters: cross-entropy in each cluster, added at masked positions
    for (l, proj_i, w_i, b_i, m_i) in ((20000, proj1, w1, b1, m0), (60000, proj2, w2, b2, m1)):
        ct = jnp.where(m_i, target - l, 0)
        phc = input @ proj_i
        logits = phc @ w_i.T + b_i
        lp = jax.nn.log_softmax(logits, axis=1)
        cnll = -lp[rows, ct]
        nll = nll + jnp.where(m_i, cnll, 0.0)
    return nll

if __name__ == "__main__":
    import jax
    _d = setup_inputs()
    print(jax.jit(kernel)(*tuple(_d.values())))

</pallas_src>

<mosaic_0001>
#map = affine_map<(d0, d1) -> (0)>
#map1 = affine_map<(d0, d1) -> (0, 0)>
module attributes {stable_mosaic.version = 14 : i64} {
  func.func @kern(%arg0: i32, %arg1: i32, %arg2: memref<8192xi32, #tpu.memory_space<hbm>>, %arg3: memref<20000x1024xf32, #tpu.memory_space<hbm>>, %arg4: memref<40000x256xf32, #tpu.memory_space<hbm>>, %arg5: memref<40000x128xf32, #tpu.memory_space<hbm>>, %arg6: memref<8192x1024xf32, #tpu.memory_space<hbm>>, %arg7: memref<8192x256xf32, #tpu.memory_space<hbm>>, %arg8: memref<8192x128xf32, #tpu.memory_space<hbm>>, %arg9: memref<256xi32, #tpu.memory_space<vmem>>, %arg10: memref<256xi32, #tpu.memory_space<vmem>>, %arg11: memref<256xi32, #tpu.memory_space<vmem>>, %arg12: memref<256xi32, #tpu.memory_space<vmem>>, %arg13: memref<16x1024xf32, #tpu.memory_space<vmem>>, %arg14: memref<256x256xf32, #tpu.memory_space<vmem>>, %arg15: memref<256x128xf32, #tpu.memory_space<vmem>>, %arg16: memref<!tpu.dma_semaphore, #tpu.memory_space<semaphore_mem>>) attributes {dimension_semantics = [#tpu.dimension_semantics<core_parallel>, #tpu.dimension_semantics<subcore_parallel>], iteration_bounds = array<i64: 2, 16>, scalar_prefetch = 0 : i64, scratch_operands = 8 : i64, tpu.core_type = #tpu.core_type<sc_vector_subcore>, window_params = [{transform_indices = #map}, {transform_indices = #map1}, {transform_indices = #map1}, {transform_indices = #map1}, {transform_indices = #map1}, {transform_indices = #map1}, {transform_indices = #map1}]} {
    %mul3A = arith.constant 2 : i32
    %mul3A_0 = arith.muli %arg1, %mul3A : i32
    %add3A = arith.addi %mul3A_0, %arg0 : i32
    %mul3A_1 = arith.constant 256 : i32
    %mul3A_2 = arith.muli %add3A, %mul3A_1 : i32
    "tpu.region"() ({
      %run_scoped3A = tpu.sem_alloc : memref<!tpu.dma_semaphore, #tpu.memory_space<semaphore_mem>>
      %dma_start3A_843 = tpu.memref_slice %arg2[%mul3A_2] : memref<8192xi32, #tpu.memory_space<hbm>> -> memref<256xi32, #tpu.memory_space<hbm>>
      %dma_start3A_844 = tpu.memref_slice %arg2[%mul3A_2] : memref<8192xi32, #tpu.memory_space<hbm>> -> memref<256xi32, #tpu.memory_space<hbm>>
      tpu.enqueue_dma source(%dma_start3A_844 : memref<256xi32, #tpu.memory_space<hbm>>) target(%arg9 : memref<256xi32, #tpu.memory_space<vmem>>) target_semaphore(%run_scoped3A : memref<!tpu.dma_semaphore, #tpu.memory_space<semaphore_mem>>)
      %dma_wait3A_845 = tpu.memref_slice %arg2[%mul3A_2] : memref<8192xi32, #tpu.memory_space<hbm>> -> memref<256xi32, #tpu.memory_space<hbm>>
      %dma_wait3A_846 = tpu.memref_slice %arg2[%mul3A_2] : memref<8192xi32, #tpu.memory_space<hbm>> -> memref<256xi32, #tpu.memory_space<hbm>>
      tpu.wait_dma2 semaphore(%run_scoped3A : memref<!tpu.dma_semaphore, #tpu.memory_space<semaphore_mem>>) src(%dma_wait3A_846 : memref<256xi32, #tpu.memory_space<hbm>>) dst(%arg9 : memref<256xi32, #tpu.memory_space<vmem>>)
      tpu.yield
    }) : () -> ()
    %broadcast_in_dim3A = arith.constant 0 : i32
    %broadcast_in_dim3A_3 = vector.broadcast %broadcast_in_dim3A : i32 to vector<16xi32>
    %get3A = arith.constant 0 : index
    %get3A_4 = tpu.vector_load %arg9[%get3A] {strides = array<i32>} : memref<256xi32, #tpu.memory_space<vmem>>, vector<16xi32>,
    %get3A_5 = vector.shape_cast %get3A_4 : vector<16xi32> to vector<16xi32>
    %lt3A = arith.constant 20000 : i32
    %lt3A_6 = vector.broadcast %lt3A : i32 to vector<16xi32>
    %lt3A_7 = arith.cmpi slt, %get3A_5, %lt3A_6 : vector<16xi32>
    %select_n3A = arith.select %lt3A_7, %get3A_5, %broadcast_in_dim3A_3 : vector<16xi1>, vector<16xi32>
    %swap3A = arith.constant 0 : index
    %swap3A_8 = tpu.vector_load %arg10[%swap3A] {strides = array<i32>} : memref<256xi32, #tpu.memory_space<vmem>>, vector<16xi32>,
    %swap3A_9 = vector.shape_cast %swap3A_8 : vector<16xi32> to vector<16xi32>
    %swap3A_10 = vector.shape_cast %select_n3A : vector<16xi32> to vector<16xi32>
    tpu.vector_store %arg10[%swap3A], %swap3A_10 {strides = array<i32>} : memref<256xi32, #tpu.memory_space<vmem>>, vector<16xi32>,
    %ge3A = arith.constant 20000 : i32
    %ge3A_11 = vector.broadcast %ge3A : i32 to vector<16xi32>
    %ge3A_12 = arith.cmpi sge, %get3A_5, %ge3A_11 : vector<16xi32>
    %lt3A_13 = arith.constant 60000 : i32
    %lt3A_14 = vector.broadcast %lt3A_13 : i32 to vector<16xi32>
    %lt3A_15 = arith.cmpi slt, %get3A_5, %lt3A_14 : vector<16xi32>
    %and3A = arith.andi %ge3A_12, %lt3A_15 : vector<16xi1>
    %sub3A = arith.constant 20000 : i32
    %sub3A_16 = vector.broadcast %sub3A : i32 to vector<16xi32>
    %sub3A_17 = arith.subi %get3A_5, %sub3A_16 : vector<16xi32>
    %select_n3A_18 = arith.select %and3A, %sub3A_17, %broadcast_in_dim3A_3 : vector<16xi1>, vector<16xi32>
    %swap3A_19 = arith.constant 0 : index
    %swap3A_20 = tpu.vector_load %arg11[%swap3A_19] {strides = array<i32>} : memref<256xi32, #tpu.memory_space<vmem>>, vector<16xi32>,
    %swap3A_21 = vector.shape_cast %swap3A_20 : vector<16xi32> to vector<16xi32>
    %swap3A_22 = vector.shape_cast %select_n3A_18 : vector<16xi32> to vector<16xi32>
    tpu.vector_store %arg11[%swap3A_19], %swap3A_22 {strides = array<i32>} : memref<256xi32, #tpu.memory_space<vmem>>, vector<16xi32>,
    %ge3A_23 = arith.constant 60000 : i32
    %ge3A_24 = vector.broadcast %ge3A_23 : i32 to vector<16xi32>
    %ge3A_25 = arith.cmpi sge, %get3A_5, %ge3A_24 : vector<16xi32>
    %sub3A_26 = arith.constant 60000 : i32
    %sub3A_27 = vector.broadcast %sub3A_26 : i32 to vector<16xi32>
    %sub3A_28 = arith.subi %get3A_5, %sub3A_27 : vector<16xi32>
    %select_n3A_29 = arith.select %ge3A_25, %sub3A_28, %broadcast_in_dim3A_3 : vector<16xi1>, vector<16xi32>
    %swap3A_30 = arith.constant 0 : index
    %swap3A_31 = tpu.vector_load %arg12[%swap3A_30] {strides = array<i32>} : memref<256xi32, #tpu.memory_space<vmem>>, vector<16xi32>,
    %swap3A_32 = vector.shape_cast %swap3A_31 : vector<16xi32> to vector<16xi32>
    %swap3A_33 = vector.shape_cast %select_n3A_29 : vector<16xi32> to vector<16xi32>
    tpu.vector_store %arg12[%swap3A_30], %swap3A_33 {strides = array<i32>} : memref<256xi32, #tpu.memory_space<vmem>>, vector<16xi32>,
    %get3A_34 = arith.constant 16 : index
    %get3A_35 = tpu.vector_load %arg9[%get3A_34] {strides = array<i32>} : memref<256xi32, #tpu.memory_space<vmem>>, vector<16xi32>,
    %get3A_36 = vector.shape_cast %get3A_35 : vector<16xi32> to vector<16xi32>
    %lt3A_37 = arith.constant 20000 : i32
    %lt3A_38 = vector.broadcast %lt3A_37 : i32 to vector<16xi32>
    %lt3A_39 = arith.cmpi slt, %get3A_36, %lt3A_38 : vector<16xi32>
    %select_n3A_40 = arith.select %lt3A_39, %get3A_36, %broadcast_in_dim3A_3 : vector<16xi1>, vector<16xi32>
    %swap3A_41 = arith.constant 16 : index
    %swap3A_42 = tpu.vector_load %arg10[%swap3A_41] {strides = array<i32>} : memref<256xi32, #tpu.memory_space<vmem>>, vector<16xi32>,
    %swap3A_43 = vector.shape_cast %swap3A_42 : vector<16xi32> to vector<16xi32>
    %swap3A_44 = vector.shape_cast %select_n3A_40 : vector<16xi32> to vector<16xi32>
    tpu.vector_store %arg10[%swap3A_41], %swap3A_44 {strides = array<i32>} : memref<256xi32, #tpu.memory_space<vmem>>, vector<16xi32>,
    %ge3A_45 = arith.constant 20000 : i32
    %ge3A_46 = vector.broadcast %ge3A_45 : i32 to vector<16xi32>
    %ge3A_47 = arith.cmpi sge, %get3A_36, %ge3A_46 : vector<16xi32>
    %lt3A_48 = arith.constant 60000 : i32
    %lt3A_49 = vector.broadcast %lt3A_48 : i32 to vector<16xi32>
    %lt3A_50 = arith.cmpi slt, %get3A_36, %lt3A_49 : vector<16xi32>
    %and3A_51 = arith.andi %ge3A_47, %lt3A_50 : vector<16xi1>
    %sub3A_52 = arith.constant 20000 : i32
    %sub3A_53 = vector.broadcast %sub3A_52 : i32 to vector<16xi32>
    %sub3A_54 = arith.subi %get3A_36, %sub3A_53 : vector<16xi32>
    %select_n3A_55 = arith.select %and3A_51, %sub3A_54, %broadcast_in_dim3A_3 : vector<16xi1>, vector<16xi32>
    %swap3A_56 = arith.constant 16 : index
    %swap3A_57 = tpu.vector_load %arg11[%swap3A_56] {strides = array<i32>} : memref<256xi32, #tpu.memory_space<vmem>>, vector<16xi32>,
    %swap3A_58 = vector.shape_cast %swap3A_57 : vector<16xi32> to vector<16xi32>
    %swap3A_59 = vector.shape_cast %select_n3A_55 : vector<16xi32> to vector<16xi32>
    tpu.vector_store %arg11[%swap3A_56], %swap3A_59 {strides = array<i32>} : memref<256xi32, #tpu.memory_space<vmem>>, vector<16xi32>,
    %ge3A_60 = arith.constant 60000 : i32
    %ge3A_61 = vector.broadcast %ge3A_60 : i32 to vector<16xi32>
    %ge3A_62 = arith.cmpi sge, %get3A_36, %ge3A_61 : vector<16xi32>
    %sub3A_63 = arith.constant 60000 : i32
    %sub3A_64 = vector.broadcast %sub3A_63 : i32 to vector<16xi32>
    %sub3A_65 = arith.subi %get3A_36, %sub3A_64 : vector<16xi32>
    %select_n3A_66 = arith.select %ge3A_62, %sub3A_65, %broadcast_in_dim3A_3 : vector<16xi1>, vector<16xi32>
    %swap3A_67 = arith.constant 16 : index
    %swap3A_68 = tpu.vector_load %arg12[%swap3A_67] {strides = array<i32>} : memref<256xi32, #tpu.memory_space<vmem>>, vector<16xi32>,
    %swap3A_69 = vector.shape_cast %swap3A_68 : vector<16xi32> to vector<16xi32>
    %swap3A_70 = vector.shape_cast %select_n3A_66 : vector<16xi32> to vector<16xi32>
    tpu.vector_store %arg12[%swap3A_67], %swap3A_70 {strides = array<i32>} : memref<256xi32, #tpu.memory_space<vmem>>, vector<16xi32>,
    %get3A_71 = arith.constant 32 : index
    %get3A_72 = tpu.vector_load %arg9[%get3A_71] {strides = array<i32>} : memref<256xi32, #tpu.memory_space<vmem>>, vector<16xi32>,
    %get3A_73 = vector.shape_cast %get3A_72 : vector<16xi32> to vector<16xi32>
    %lt3A_74 = arith.constant 20000 : i32
    %lt3A_75 = vector.broadcast %lt3A_74 : i32 to vector<16xi32>
    %lt3A_76 = arith.cmpi slt, %get3A_73, %lt3A_75 : vector<16xi32>
    %select_n3A_77 = arith.select %lt3A_76, %get3A_73, %broadcast_in_dim3A_3 : vector<16xi1>, vector<16xi32>
    %swap3A_78 = arith.constant 32 : index
    %swap3A_79 = tpu.vector_load %arg10[%swap3A_78] {strides = array<i32>} : memref<256xi32, #tpu.memory_space<vmem>>, vector<16xi32>,
    %swap3A_80 = vector.shape_cast %swap3A_79 : vector<16xi32> to vector<16xi32>
    %swap3A_81 = vector.shape_cast %select_n3A_77 : vector<16xi32> to vector<16xi32>
    tpu.vector_store %arg10[%swap3A_78], %swap3A_81 {strides = array<i32>} : memref<256xi32, #tpu.memory_space<vmem>>, vector<16xi32>,
    %ge3A_82 = arith.constant 20000 : i32
    %ge3A_83 = vector.broadcast %ge3A_82 : i32 to vector<16xi32>
    %ge3A_84 = arith.cmpi sge, %get3A_73, %ge3A_83 : vector<16xi32>
    %lt3A_85 = arith.constant 60000 : i32
    %lt3A_86 = vector.broadcast %lt3A_85 : i32 to vector<16xi32>
    %lt3A_87 = arith.cmpi slt, %get3A_73, %lt3A_86 : vector<16xi32>
    %and3A_88 = arith.andi %ge3A_84, %lt3A_87 : vector<16xi1>
    %sub3A_89 = arith.constant 20000 : i32
    %sub3A_90 = vector.broadcast %sub3A_89 : i32 to vector<16xi32>
    %sub3A_91 = arith.subi %get3A_73, %sub3A_90 : vector<16xi32>
    %select_n3A_92 = arith.select %and3A_88, %sub3A_91, %broadcast_in_dim3A_3 : vector<16xi1>, vector<16xi32>
    %swap3A_93 = arith.constant 32 : index
    %swap3A_94 = tpu.vector_load %arg11[%swap3A_93] {strides = array<i32>} : memref<256xi32, #tpu.memory_space<vmem>>, vector<16xi32>,
    %swap3A_95 = vector.shape_cast %swap3A_94 : vector<16xi32> to vector<16xi32>
    %swap3A_96 = vector.shape_cast %select_n3A_92 : vector<16xi32> to vector<16xi32>
    tpu.vector_store %arg11[%swap3A_93], %swap3A_96 {strides = array<i32>} : memref<256xi32, #tpu.memory_space<vmem>>, vector<16xi32>,
    %ge3A_97 = arith.constant 60000 : i32
    %ge3A_98 = vector.broadcast %ge3A_97 : i32 to vector<16xi32>
    %ge3A_99 = arith.cmpi sge, %get3A_73, %ge3A_98 : vector<16xi32>
    %sub3A_100 = arith.constant 60000 : i32
    %sub3A_101 = vector.broadcast %sub3A_100 : i32 to vector<16xi32>
    %sub3A_102 = arith.subi %get3A_73, %sub3A_101 : vector<16xi32>
    %select_n3A_103 = arith.select %ge3A_99, %sub3A_102, %broadcast_in_dim3A_3 : vector<16xi1>, vector<16xi32>
    %swap3A_104 = arith.constant 32 : index
    %swap3A_105 = tpu.vector_load %arg12[%swap3A_104] {strides = array<i32>} : memref<256xi32, #tpu.memory_space<vmem>>, vector<16xi32>,
    %swap3A_106 = vector.shape_cast %swap3A_105 : vector<16xi32> to vector<16xi32>
    %swap3A_107 = vector.shape_cast %select_n3A_103 : vector<16xi32> to vector<16xi32>
    tpu.vector_store %arg12[%swap3A_104], %swap3A_107 {strides = array<i32>} : memref<256xi32, #tpu.memory_space<vmem>>, vector<16xi32>,
    %get3A_108 = arith.constant 48 : index
    %get3A_109 = tpu.vector_load %arg9[%get3A_108] {strides = array<i32>} : memref<256xi32, #tpu.memory_space<vmem>>, vector<16xi32>,
    %get3A_110 = vector.shape_cast %get3A_109 : vector<16xi32> to vector<16xi32>
    %lt3A_111 = arith.constant 20000 : i32
    %lt3A_112 = vector.broadcast %lt3A_111 : i32 to vector<16xi32>
    %lt3A_113 = arith.cmpi slt, %get3A_110, %lt3A_112 : vector<16xi32>
    %select_n3A_114 = arith.select %lt3A_113, %get3A_110, %broadcast_in_dim3A_3 : vector<16xi1>, vector<16xi32>
    %swap3A_115 = arith.constant 48 : index
    %swap3A_116 = tpu.vector_load %arg10[%swap3A_115] {strides = array<i32>} : memref<256xi32, #tpu.memory_space<vmem>>, vector<16xi32>,
    %swap3A_117 = vector.shape_cast %swap3A_116 : vector<16xi32> to vector<16xi32>
    %swap3A_118 = vector.shape_cast %select_n3A_114 : vector<16xi32> to vector<16xi32>
    tpu.vector_store %arg10[%swap3A_115], %swap3A_118 {strides = array<i32>} : memref<256xi32, #tpu.memory_space<vmem>>, vector<16xi32>,
    %ge3A_119 = arith.constant 20000 : i32
    %ge3A_120 = vector.broadcast %ge3A_119 : i32 to vector<16xi32>
    %ge3A_121 = arith.cmpi sge, %get3A_110, %ge3A_120 : vector<16xi32>
    %lt3A_122 = arith.constant 60000 : i32
    %lt3A_123 = vector.broadcast %lt3A_122 : i32 to vector<16xi32>
    %lt3A_124 = arith.cmpi slt, %get3A_110, %lt3A_123 : vector<16xi32>
    %and3A_125 = arith.andi %ge3A_121, %lt3A_124 : vector<16xi1>
    %sub3A_126 = arith.constant 20000 : i32
    %sub3A_127 = vector.broadcast %sub3A_126 : i32 to vector<16xi32>
    %sub3A_128 = arith.subi %get3A_110, %sub3A_127 : vector<16xi32>
    %select_n3A_129 = arith.select %and3A_125, %sub3A_128, %broadcast_in_dim3A_3 : vector<16xi1>, vector<16xi32>
    %swap3A_130 = arith.constant 48 : index
    %swap3A_131 = tpu.vector_load %arg11[%swap3A_130] {strides = array<i32>} : memref<256xi32, #tpu.memory_space<vmem>>, vector<16xi32>,
    %swap3A_132 = vector.shape_cast %swap3A_131 : vector<16xi32> to vector<16xi32>
    %swap3A_133 = vector.shape_cast %select_n3A_129 : vector<16xi32> to vector<16xi32>
    tpu.vector_store %arg11[%swap3A_130], %swap3A_133 {strides = array<i32>} : memref<256xi32, #tpu.memory_space<vmem>>, vector<16xi32>,
    %ge3A_134 = arith.constant 60000 : i32
    %ge3A_135 = vector.broadcast %ge3A_134 : i32 to vector<16xi32>
    %ge3A_136 = arith.cmpi sge, %get3A_110, %ge3A_135 : vector<16xi32>
    %sub3A_137 = arith.constant 60000 : i32
    %sub3A_138 = vector.broadcast %sub3A_137 : i32 to vector<16xi32>
    %sub3A_139 = arith.subi %get3A_110, %sub3A_138 : vector<16xi32>
    %select_n3A_140 = arith.select %ge3A_136, %sub3A_139, %broadcast_in_dim3A_3 : vector<16xi1>, vector<16xi32>
    %swap3A_141 = arith.constant 48 : index
    %swap3A_142 = tpu.vector_load %arg12[%swap3A_141] {strides = array<i32>} : memref<256xi32, #tpu.memory_space<vmem>>, vector<16xi32>,
    %swap3A_143 = vector.shape_cast %swap3A_142 : vector<16xi32> to vector<16xi32>
    %swap3A_144 = vector.shape_cast %select_n3A_140 : vector<16xi32> to vector<16xi32>
    tpu.vector_store %arg12[%swap3A_141], %swap3A_144 {strides = array<i32>} : memref<256xi32, #tpu.memory_space<vmem>>, vector<16xi32>,
    %get3A_145 = arith.constant 64 : index
    %get3A_146 = tpu.vector_load %arg9[%get3A_145] {strides = array<i32>} : memref<256xi32, #tpu.memory_space<vmem>>, vector<16xi32>,
    %get3A_147 = vector.shape_cast %get3A_146 : vector<16xi32> to vector<16xi32>
    %lt3A_148 = arith.constant 20000 : i32
    %lt3A_149 = vector.broadcast %lt3A_148 : i32 to vector<16xi32>
    %lt3A_150 = arith.cmpi slt, %get3A_147, %lt3A_149 : vector<16xi32>
    %select_n3A_151 = arith.select %lt3A_150, %get3A_147, %broadcast_in_dim3A_3 : vector<16xi1>, vector<16xi32>
    %swap3A_152 = arith.constant 64 : index
    %swap3A_153 = tpu.vector_load %arg10[%swap3A_152] {strides = array<i32>} : memref<256xi32, #tpu.memory_space<vmem>>, vector<16xi32>,
    %swap3A_154 = vector.shape_cast %swap3A_153 : vector<16xi32> to vector<16xi32>
    %swap3A_155 = vector.shape_cast %select_n3A_151 : vector<16xi32> to vector<16xi32>
    tpu.vector_store %arg10[%swap3A_152], %swap3A_155 {strides = array<i32>} : memref<256xi32, #tpu.memory_space<vmem>>, vector<16xi32>,
    %ge3A_156 = arith.constant 20000 : i32
    %ge3A_157 = vector.broadcast %ge3A_156 : i32 to vector<16xi32>
    %ge3A_158 = arith.cmpi sge, %get3A_147, %ge3A_157 : vector<16xi32>
    %lt3A_159 = arith.constant 60000 : i32
    %lt3A_160 = vector.broadcast %lt3A_159 : i32 to vector<16xi32>
    %lt3A_161 = arith.cmpi slt, %get3A_147, %lt3A_160 : vector<16xi32>
    %and3A_162 = arith.andi %ge3A_158, %lt3A_161 : vector<16xi1>
    %sub3A_163 = arith.constant 20000 : i32
    %sub3A_164 = vector.broadcast %sub3A_163 : i32 to vector<16xi32>
    %sub3A_165 = arith.subi %get3A_147, %sub3A_164 : vector<16xi32>
    %select_n3A_166 = arith.select %and3A_162, %sub3A_165, %broadcast_in_dim3A_3 : vector<16xi1>, vector<16xi32>
    %swap3A_167 = arith.constant 64 : index
    %swap3A_168 = tpu.vector_load %arg11[%swap3A_167] {strides = array<i32>} : memref<256xi32, #tpu.memory_space<vmem>>, vector<16xi32>,
    %swap3A_169 = vector.shape_cast %swap3A_168 : vector<16xi32> to vector<16xi32>
    %swap3A_170 = vector.shape_cast %select_n3A_166 : vector<16xi32> to vector<16xi32>
    tpu.vector_store %arg11[%swap3A_167], %swap3A_170 {strides = array<i32>} : memref<256xi32, #tpu.memory_space<vmem>>, vector<16xi32>,
    %ge3A_171 = arith.constant 60000 : i32
    %ge3A_172 = vector.broadcast %ge3A_171 : i32 to vector<16xi32>
    %ge3A_173 = arith.cmpi sge, %get3A_147, %ge3A_172 : vector<16xi32>
    %sub3A_174 = arith.constant 60000 : i32
    %sub3A_175 = vector.broadcast %sub3A_174 : i32 to vector<16xi32>
    %sub3A_176 = arith.subi %get3A_147, %sub3A_175 : vector<16xi32>
    %select_n3A_177 = arith.select %ge3A_173, %sub3A_176, %broadcast_in_dim3A_3 : vector<16xi1>, vector<16xi32>
    %swap3A_178 = arith.constant 64 : index
    %swap3A_179 = tpu.vector_load %arg12[%swap3A_178] {strides = array<i32>} : memref<256xi32, #tpu.memory_space<vmem>>, vector<16xi32>,
    %swap3A_180 = vector.shape_cast %swap3A_179 : vector<16xi32> to vector<16xi32>
    %swap3A_181 = vector.shape_cast %select_n3A_177 : vector<16xi32> to vector<16xi32>
    tpu.vector_store %arg12[%swap3A_178], %swap3A_181 {strides = array<i32>} : memref<256xi32, #tpu.memory_space<vmem>>, vector<16xi32>,
    %get3A_182 = arith.constant 80 : index
    %get3A_183 = tpu.vector_load %arg9[%get3A_182] {strides = array<i32>} : memref<256xi32, #tpu.memory_space<vmem>>, vector<16xi32>,
    %get3A_184 = vector.shape_cast %get3A_183 : vector<16xi32> to vector<16xi32>
    %lt3A_185 = arith.constant 20000 : i32
    %lt3A_186 = vector.broadcast %lt3A_185 : i32 to vector<16xi32>
    %lt3A_187 = arith.cmpi slt, %get3A_184, %lt3A_186 : vector<16xi32>
    %select_n3A_188 = arith.select %lt3A_187, %get3A_184, %broadcast_in_dim3A_3 : vector<16xi1>, vector<16xi32>
    %swap3A_189 = arith.constant 80 : index
    %swap3A_190 = tpu.vector_load %arg10[%swap3A_189] {strides = array<i32>} : memref<256xi32, #tpu.memory_space<vmem>>, vector<16xi32>,
    %swap3A_191 = vector.shape_cast %swap3A_190 : vector<16xi32> to vector<16xi32>
    %swap3A_192 = vector.shape_cast %select_n3A_188 : vector<16xi32> to vector<16xi32>
    tpu.vector_store %arg10[%swap3A_189], %swap3A_192 {strides = array<i32>} : memref<256xi32, #tpu.memory_space<vmem>>, vector<16xi32>,
    %ge3A_193 = arith.constant 20000 : i32
    %ge3A_194 = vector.broadcast %ge3A_193 : i32 to vector<16xi32>
    %ge3A_195 = arith.cmpi sge, %get3A_184, %ge3A_194 : vector<16xi32>
    %lt3A_196 = arith.constant 60000 : i32
    %lt3A_197 = vector.broadcast %lt3A_196 : i32 to vector<16xi32>
    %lt3A_198 = arith.cmpi slt, %get3A_184, %lt3A_197 : vector<16xi32>
    %and3A_199 = arith.andi %ge3A_195, %lt3A_198 : vector<16xi1>
    %sub3A_200 = arith.constant 20000 : i32
    %sub3A_201 = vector.broadcast %sub3A_200 : i32 to vector<16xi32>
    %sub3A_202 = arith.subi %get3A_184, %sub3A_201 : vector<16xi32>
    %select_n3A_203 = arith.select %and3A_199, %sub3A_202, %broadcast_in_dim3A_3 : vector<16xi1>, vector<16xi32>
    %swap3A_204 = arith.constant 80 : index
    %swap3A_205 = tpu.vector_load %arg11[%swap3A_204] {strides = array<i32>} : memref<256xi32, #tpu.memory_space<vmem>>, vector<16xi32>,
    %swap3A_206 = vector.shape_cast %swap3A_205 : vector<16xi32> to vector<16xi32>
    %swap3A_207 = vector.shape_cast %select_n3A_203 : vector<16xi32> to vector<16xi32>
    tpu.vector_store %arg11[%swap3A_204], %swap3A_207 {strides = array<i32>} : memref<256xi32, #tpu.memory_space<vmem>>, vector<16xi32>,
    %ge3A_208 = arith.constant 60000 : i32
    %ge3A_209 = vector.broadcast %ge3A_208 : i32 to vector<16xi32>
    %ge3A_210 = arith.cmpi sge, %get3A_184, %ge3A_209 : vector<16xi32>
    %sub3A_211 = arith.constant 60000 : i32
    %sub3A_212 = vector.broadcast %sub3A_211 : i32 to vector<16xi32>
    %sub3A_213 = arith.subi %get3A_184, %sub3A_212 : vector<16xi32>
    %select_n3A_214 = arith.select %ge3A_210, %sub3A_213, %broadcast_in_dim3A_3 : vector<16xi1>, vector<16xi32>
    %swap3A_215 = arith.constant 80 : index
    %swap3A_216 = tpu.vector_load %arg12[%swap3A_215] {strides = array<i32>} : memref<256xi32, #tpu.memory_space<vmem>>, vector<16xi32>,
    %swap3A_217 = vector.shape_cast %swap3A_216 : vector<16xi32> to vector<16xi32>
    %swap3A_218 = vector.shape_cast %select_n3A_214 : vector<16xi32> to vector<16xi32>
    tpu.vector_store %arg12[%swap3A_215], %swap3A_218 {strides = array<i32>} : memref<256xi32, #tpu.memory_space<vmem>>, vector<16xi32>,
    %get3A_219 = arith.constant 96 : index
    %get3A_220 = tpu.vector_load %arg9[%get3A_219] {strides = array<i32>} : memref<256xi32, #tpu.memory_space<vmem>>, vector<16xi32>,
    %get3A_221 = vector.shape_cast %get3A_220 : vector<16xi32> to vector<16xi32>
    %lt3A_222 = arith.constant 20000 : i32
    %lt3A_223 = vector.broadcast %lt3A_222 : i32 to vector<16xi32>
    %lt3A_224 = arith.cmpi slt, %get3A_221, %lt3A_223 : vector<16xi32>
    %select_n3A_225 = arith.select %lt3A_224, %get3A_221, %broadcast_in_dim3A_3 : vector<16xi1>, vector<16xi32>
    %swap3A_226 = arith.constant 96 : index
    %swap3A_227 = tpu.vector_load %arg10[%swap3A_226] {strides = array<i32>} : memref<256xi32, #tpu.memory_space<vmem>>, vector<16xi32>,
    %swap3A_228 = vector.shape_cast %swap3A_227 : vector<16xi32> to vector<16xi32>
    %swap3A_229 = vector.shape_cast %select_n3A_225 : vector<16xi32> to vector<16xi32>
    tpu.vector_store %arg10[%swap3A_226], %swap3A_229 {strides = array<i32>} : memref<256xi32, #tpu.memory_space<vmem>>, vector<16xi32>,
    %ge3A_230 = arith.constant 20000 : i32
    %ge3A_231 = vector.broadcast %ge3A_230 : i32 to vector<16xi32>
    %ge3A_232 = arith.cmpi sge, %get3A_221, %ge3A_231 : vector<16xi32>
    %lt3A_233 = arith.constant 60000 : i32
    %lt3A_234 = vector.broadcast %lt3A_233 : i32 to vector<16xi32>
    %lt3A_235 = arith.cmpi slt, %get3A_221, %lt3A_234 : vector<16xi32>
    %and3A_236 = arith.andi %ge3A_232, %lt3A_235 : vector<16xi1>
    %sub3A_237 = arith.constant 20000 : i32
    %sub3A_238 = vector.broadcast %sub3A_237 : i32 to vector<16xi32>
    %sub3A_239 = arith.subi %get3A_221, %sub3A_238 : vector<16xi32>
    %select_n3A_240 = arith.select %and3A_236, %sub3A_239, %broadcast_in_dim3A_3 : vector<16xi1>, vector<16xi32>
    %swap3A_241 = arith.constant 96 : index
    %swap3A_242 = tpu.vector_load %arg11[%swap3A_241] {strides = array<i32>} : memref<256xi32, #tpu.memory_space<vmem>>, vector<16xi32>,
    %swap3A_243 = vector.shape_cast %swap3A_242 : vector<16xi32> to vector<16xi32>
    %swap3A_244 = vector.shape_cast %select_n3A_240 : vector<16xi32> to vector<16xi32>
    tpu.vector_store %arg11[%swap3A_241], %swap3A_244 {strides = array<i32>} : memref<256xi32, #tpu.memory_space<vmem>>, vector<16xi32>,
    %ge3A_245 = arith.constant 60000 : i32
    %ge3A_246 = vector.broadcast %ge3A_245 : i32 to vector<16xi32>
    %ge3A_247 = arith.cmpi sge, %get3A_221, %ge3A_246 : vector<16xi32>
    %sub3A_248 = arith.constant 60000 : i32
    %sub3A_249 = vector.broadcast %sub3A_248 : i32 to vector<16xi32>
    %sub3A_250 = arith.subi %get3A_221, %sub3A_249 : vector<16xi32>
    %select_n3A_251 = arith.select %ge3A_247, %sub3A_250, %broadcast_in_dim3A_3 : vector<16xi1>, vector<16xi32>
    %swap3A_252 = arith.constant 96 : index
    %swap3A_253 = tpu.vector_load %arg12[%swap3A_252] {strides = array<i32>} : memref<256xi32, #tpu.memory_space<vmem>>, vector<16xi32>,
    %swap3A_254 = vector.shape_cast %swap3A_253 : vector<16xi32> to vector<16xi32>
    %swap3A_255 = vector.shape_cast %select_n3A_251 : vector<16xi32> to vector<16xi32>
    tpu.vector_store %arg12[%swap3A_252], %swap3A_255 {strides = array<i32>} : memref<256xi32, #tpu.memory_space<vmem>>, vector<16xi32>,
    %get3A_256 = arith.constant 112 : index
    %get3A_257 = tpu.vector_load %arg9[%get3A_256] {strides = array<i32>} : memref<256xi32, #tpu.memory_space<vmem>>, vector<16xi32>,
    %get3A_258 = vector.shape_cast %get3A_257 : vector<16xi32> to vector<16xi32>
    %lt3A_259 = arith.constant 20000 : i32
    %lt3A_260 = vector.broadcast %lt3A_259 : i32 to vector<16xi32>
    %lt3A_261 = arith.cmpi slt, %get3A_258, %lt3A_260 : vector<16xi32>
    %select_n3A_262 = arith.select %lt3A_261, %get3A_258, %broadcast_in_dim3A_3 : vector<16xi1>, vector<16xi32>
    %swap3A_263 = arith.constant 112 : index
    %swap3A_264 = tpu.vector_load %arg10[%swap3A_263] {strides = array<i32>} : memref<256xi32, #tpu.memory_space<vmem>>, vector<16xi32>,
    %swap3A_265 = vector.shape_cast %swap3A_264 : vector<16xi32> to vector<16xi32>
    %swap3A_266 = vector.shape_cast %select_n3A_262 : vector<16xi32> to vector<16xi32>
    tpu.vector_store %arg10[%swap3A_263], %swap3A_266 {strides = array<i32>} : memref<256xi32, #tpu.memory_space<vmem>>, vector<16xi32>,
    %ge3A_267 = arith.constant 20000 : i32
    %ge3A_268 = vector.broadcast %ge3A_267 : i32 to vector<16xi32>
    %ge3A_269 = arith.cmpi sge, %get3A_258, %ge3A_268 : vector<16xi32>
    %lt3A_270 = arith.constant 60000 : i32
    %lt3A_271 = vector.broadcast %lt3A_270 : i32 to vector<16xi32>
    %lt3A_272 = arith.cmpi slt, %get3A_258, %lt3A_271 : vector<16xi32>
    %and3A_273 = arith.andi %ge3A_269, %lt3A_272 : vector<16xi1>
    %sub3A_274 = arith.constant 20000 : i32
    %sub3A_275 = vector.broadcast %sub3A_274 : i32 to vector<16xi32>
    %sub3A_276 = arith.subi %get3A_258, %sub3A_275 : vector<16xi32>
    %select_n3A_277 = arith.select %and3A_273, %sub3A_276, %broadcast_in_dim3A_3 : vector<16xi1>, vector<16xi32>
    %swap3A_278 = arith.constant 112 : index
    %swap3A_279 = tpu.vector_load %arg11[%swap3A_278] {strides = array<i32>} : memref<256xi32, #tpu.memory_space<vmem>>, vector<16xi32>,
    %swap3A_280 = vector.shape_cast %swap3A_279 : vector<16xi32> to vector<16xi32>
    %swap3A_281 = vector.shape_cast %select_n3A_277 : vector<16xi32> to vector<16xi32>
    tpu.vector_store %arg11[%swap3A_278], %swap3A_281 {strides = array<i32>} : memref<256xi32, #tpu.memory_space<vmem>>, vector<16xi32>,
    %ge3A_282 = arith.constant 60000 : i32
    %ge3A_283 = vector.broadcast %ge3A_282 : i32 to vector<16xi32>
    %ge3A_284 = arith.cmpi sge, %get3A_258, %ge3A_283 : vector<16xi32>
    %sub3A_285 = arith.constant 60000 : i32
    %sub3A_286 = vector.broadcast %sub3A_285 : i32 to vector<16xi32>
    %sub3A_287 = arith.subi %get3A_258, %sub3A_286 : vector<16xi32>
    %select_n3A_288 = arith.select %ge3A_284, %sub3A_287, %broadcast_in_dim3A_3 : vector<16xi1>, vector<16xi32>
    %swap3A_289 = arith.constant 112 : index
    %swap3A_290 = tpu.vector_load %arg12[%swap3A_289] {strides = array<i32>} : memref<256xi32, #tpu.memory_space<vmem>>, vector<16xi32>,
    %swap3A_291 = vector.shape_cast %swap3A_290 : vector<16xi32> to vector<16xi32>
    %swap3A_292 = vector.shape_cast %select_n3A_288 : vector<16xi32> to vector<16xi32>
    tpu.vector_store %arg12[%swap3A_289], %swap3A_292 {strides = array<i32>} : memref<256xi32, #tpu.memory_space<vmem>>, vector<16xi32>,
    %get3A_293 = arith.constant 128 : index
    %get3A_294 = tpu.vector_load %arg9[%get3A_293] {strides = array<i32>} : memref<256xi32, #tpu.memory_space<vmem>>, vector<16xi32>,
    %get3A_295 = vector.shape_cast %get3A_294 : vector<16xi32> to vector<16xi32>
    %lt3A_296 = arith.constant 20000 : i32
    %lt3A_297 = vector.broadcast %lt3A_296 : i32 to vector<16xi32>
    %lt3A_298 = arith.cmpi slt, %get3A_295, %lt3A_297 : vector<16xi32>
    %select_n3A_299 = arith.select %lt3A_298, %get3A_295, %broadcast_in_dim3A_3 : vector<16xi1>, vector<16xi32>
    %swap3A_300 = arith.constant 128 : index
    %swap3A_301 = tpu.vector_load %arg10[%swap3A_300] {strides = array<i32>} : memref<256xi32, #tpu.memory_space<vmem>>, vector<16xi32>,
    %swap3A_302 = vector.shape_cast %swap3A_301 : vector<16xi32> to vector<16xi32>
    %swap3A_303 = vector.shape_cast %select_n3A_299 : vector<16xi32> to vector<16xi32>
    tpu.vector_store %arg10[%swap3A_300], %swap3A_303 {strides = array<i32>} : memref<256xi32, #tpu.memory_space<vmem>>, vector<16xi32>,
    %ge3A_304 = arith.constant 20000 : i32
    %ge3A_305 = vector.broadcast %ge3A_304 : i32 to vector<16xi32>
    %ge3A_306 = arith.cmpi sge, %get3A_295, %ge3A_305 : vector<16xi32>
    %lt3A_307 = arith.constant 60000 : i32
    %lt3A_308 = vector.broadcast %lt3A_307 : i32 to vector<16xi32>
    %lt3A_309 = arith.cmpi slt, %get3A_295, %lt3A_308 : vector<16xi32>
    %and3A_310 = arith.andi %ge3A_306, %lt3A_309 : vector<16xi1>
    %sub3A_311 = arith.constant 20000 : i32
    %sub3A_312 = vector.broadcast %sub3A_311 : i32 to vector<16xi32>
    %sub3A_313 = arith.subi %get3A_295, %sub3A_312 : vector<16xi32>
    %select_n3A_314 = arith.select %and3A_310, %sub3A_313, %broadcast_in_dim3A_3 : vector<16xi1>, vector<16xi32>
    %swap3A_315 = arith.constant 128 : index
    %swap3A_316 = tpu.vector_load %arg11[%swap3A_315] {strides = array<i32>} : memref<256xi32, #tpu.memory_space<vmem>>, vector<16xi32>,
    %swap3A_317 = vector.shape_cast %swap3A_316 : vector<16xi32> to vector<16xi32>
    %swap3A_318 = vector.shape_cast %select_n3A_314 : vector<16xi32> to vector<16xi32>
    tpu.vector_store %arg11[%swap3A_315], %swap3A_318 {strides = array<i32>} : memref<256xi32, #tpu.memory_space<vmem>>, vector<16xi32>,
    %ge3A_319 = arith.constant 60000 : i32
    %ge3A_320 = vector.broadcast %ge3A_319 : i32 to vector<16xi32>
    %ge3A_321 = arith.cmpi sge, %get3A_295, %ge3A_320 : vector<16xi32>
    %sub3A_322 = arith.constant 60000 : i32
    %sub3A_323 = vector.broadcast %sub3A_322 : i32 to vector<16xi32>
    %sub3A_324 = arith.subi %get3A_295, %sub3A_323 : vector<16xi32>
    %select_n3A_325 = arith.select %ge3A_321, %sub3A_324, %broadcast_in_dim3A_3 : vector<16xi1>, vector<16xi32>
    %swap3A_326 = arith.constant 128 : index
    %swap3A_327 = tpu.vector_load %arg12[%swap3A_326] {strides = array<i32>} : memref<256xi32, #tpu.memory_space<vmem>>, vector<16xi32>,
    %swap3A_328 = vector.shape_cast %swap3A_327 : vector<16xi32> to vector<16xi32>
    %swap3A_329 = vector.shape_cast %select_n3A_325 : vector<16xi32> to vector<16xi32>
    tpu.vector_store %arg12[%swap3A_326], %swap3A_329 {strides = array<i32>} : memref<256xi32, #tpu.memory_space<vmem>>, vector<16xi32>,
    %get3A_330 = arith.constant 144 : index
    %get3A_331 = tpu.vector_load %arg9[%get3A_330] {strides = array<i32>} : memref<256xi32, #tpu.memory_space<vmem>>, vector<16xi32>,
    %get3A_332 = vector.shape_cast %get3A_331 : vector<16xi32> to vector<16xi32>
    %lt3A_333 = arith.constant 20000 : i32
    %lt3A_334 = vector.broadcast %lt3A_333 : i32 to vector<16xi32>
    %lt3A_335 = arith.cmpi slt, %get3A_332, %lt3A_334 : vector<16xi32>
    %select_n3A_336 = arith.select %lt3A_335, %get3A_332, %broadcast_in_dim3A_3 : vector<16xi1>, vector<16xi32>
    %swap3A_337 = arith.constant 144 : index
    %swap3A_338 = tpu.vector_load %arg10[%swap3A_337] {strides = array<i32>} : memref<256xi32, #tpu.memory_space<vmem>>, vector<16xi32>,
    %swap3A_339 = vector.shape_cast %swap3A_338 : vector<16xi32> to vector<16xi32>
    %swap3A_340 = vector.shape_cast %select_n3A_336 : vector<16xi32> to vector<16xi32>
    tpu.vector_store %arg10[%swap3A_337], %swap3A_340 {strides = array<i32>} : memref<256xi32, #tpu.memory_space<vmem>>, vector<16xi32>,
    %ge3A_341 = arith.constant 20000 : i32
    %ge3A_342 = vector.broadcast %ge3A_341 : i32 to vector<16xi32>
    %ge3A_343 = arith.cmpi sge, %get3A_332, %ge3A_342 : vector<16xi32>
    %lt3A_344 = arith.constant 60000 : i32
    %lt3A_345 = vector.broadcast %lt3A_344 : i32 to vector<16xi32>
    %lt3A_346 = arith.cmpi slt, %get3A_332, %lt3A_345 : vector<16xi32>
    %and3A_347 = arith.andi %ge3A_343, %lt3A_346 : vector<16xi1>
    %sub3A_348 = arith.constant 20000 : i32
    %sub3A_349 = vector.broadcast %sub3A_348 : i32 to vector<16xi32>
    %sub3A_350 = arith.subi %get3A_332, %sub3A_349 : vector<16xi32>
    %select_n3A_351 = arith.select %and3A_347, %sub3A_350, %broadcast_in_dim3A_3 : vector<16xi1>, vector<16xi32>
    %swap3A_352 = arith.constant 144 : index
    %swap3A_353 = tpu.vector_load %arg11[%swap3A_352] {strides = array<i32>} : memref<256xi32, #tpu.memory_space<vmem>>, vector<16xi32>,
    %swap3A_354 = vector.shape_cast %swap3A_353 : vector<16xi32> to vector<16xi32>
    %swap3A_355 = vector.shape_cast %select_n3A_351 : vector<16xi32> to vector<16xi32>
    tpu.vector_store %arg11[%swap3A_352], %swap3A_355 {strides = array<i32>} : memref<256xi32, #tpu.memory_space<vmem>>, vector<16xi32>,
    %ge3A_356 = arith.constant 60000 : i32
    %ge3A_357 = vector.broadcast %ge3A_356 : i32 to vector<16xi32>
    %ge3A_358 = arith.cmpi sge, %get3A_332, %ge3A_357 : vector<16xi32>
    %sub3A_359 = arith.constant 60000 : i32
    %sub3A_360 = vector.broadcast %sub3A_359 : i32 to vector<16xi32>
    %sub3A_361 = arith.subi %get3A_332, %sub3A_360 : vector<16xi32>
    %select_n3A_362 = arith.select %ge3A_358, %sub3A_361, %broadcast_in_dim3A_3 : vector<16xi1>, vector<16xi32>
    %swap3A_363 = arith.constant 144 : index
    %swap3A_364 = tpu.vector_load %arg12[%swap3A_363] {strides = array<i32>} : memref<256xi32, #tpu.memory_space<vmem>>, vector<16xi32>,
    %swap3A_365 = vector.shape_cast %swap3A_364 : vector<16xi32> to vector<16xi32>
    %swap3A_366 = vector.shape_cast %select_n3A_362 : vector<16xi32> to vector<16xi32>
    tpu.vector_store %arg12[%swap3A_363], %swap3A_366 {strides = array<i32>} : memref<256xi32, #tpu.memory_space<vmem>>, vector<16xi32>,
    %get3A_367 = arith.constant 160 : index
    %get3A_368 = tpu.vector_load %arg9[%get3A_367] {strides = array<i32>} : memref<256xi32, #tpu.memory_space<vmem>>, vector<16xi32>,
    %get3A_369 = vector.shape_cast %get3A_368 : vector<16xi32> to vector<16xi32>
    %lt3A_370 = arith.constant 20000 : i32
    %lt3A_371 = vector.broadcast %lt3A_370 : i32 to vector<16xi32>
    %lt3A_372 = arith.cmpi slt, %get3A_369, %lt3A_371 : vector<16xi32>
    %select_n3A_373 = arith.select %lt3A_372, %get3A_369, %broadcast_in_dim3A_3 : vector<16xi1>, vector<16xi32>
    %swap3A_374 = arith.constant 160 : index
    %swap3A_375 = tpu.vector_load %arg10[%swap3A_374] {strides = array<i32>} : memref<256xi32, #tpu.memory_space<vmem>>, vector<16xi32>,
    %swap3A_376 = vector.shape_cast %swap3A_375 : vector<16xi32> to vector<16xi32>
    %swap3A_377 = vector.shape_cast %select_n3A_373 : vector<16xi32> to vector<16xi32>
    tpu.vector_store %arg10[%swap3A_374], %swap3A_377 {strides = array<i32>} : memref<256xi32, #tpu.memory_space<vmem>>, vector<16xi32>,
    %ge3A_378 = arith.constant 20000 : i32
    %ge3A_379 = vector.broadcast %ge3A_378 : i32 to vector<16xi32>
    %ge3A_380 = arith.cmpi sge, %get3A_369, %ge3A_379 : vector<16xi32>
    %lt3A_381 = arith.constant 60000 : i32
    %lt3A_382 = vector.broadcast %lt3A_381 : i32 to vector<16xi32>
    %lt3A_383 = arith.cmpi slt, %get3A_369, %lt3A_382 : vector<16xi32>
    %and3A_384 = arith.andi %ge3A_380, %lt3A_383 : vector<16xi1>
    %sub3A_385 = arith.constant 20000 : i32
    %sub3A_386 = vector.broadcast %sub3A_385 : i32 to vector<16xi32>
    %sub3A_387 = arith.subi %get3A_369, %sub3A_386 : vector<16xi32>
    %select_n3A_388 = arith.select %and3A_384, %sub3A_387, %broadcast_in_dim3A_3 : vector<16xi1>, vector<16xi32>
    %swap3A_389 = arith.constant 160 : index
    %swap3A_390 = tpu.vector_load %arg11[%swap3A_389] {strides = array<i32>} : memref<256xi32, #tpu.memory_space<vmem>>, vector<16xi32>,
    %swap3A_391 = vector.shape_cast %swap3A_390 : vector<16xi32> to vector<16xi32>
    %swap3A_392 = vector.shape_cast %select_n3A_388 : vector<16xi32> to vector<16xi32>
    tpu.vector_store %arg11[%swap3A_389], %swap3A_392 {strides = array<i32>} : memref<256xi32, #tpu.memory_space<vmem>>, vector<16xi32>,
    %ge3A_393 = arith.constant 60000 : i32
    %ge3A_394 = vector.broadcast %ge3A_393 : i32 to vector<16xi32>
    %ge3A_395 = arith.cmpi sge, %get3A_369, %ge3A_394 : vector<16xi32>
    %sub3A_396 = arith.constant 60000 : i32
    %sub3A_397 = vector.broadcast %sub3A_396 : i32 to vector<16xi32>
    %sub3A_398 = arith.subi %get3A_369, %sub3A_397 : vector<16xi32>
    %select_n3A_399 = arith.select %ge3A_395, %sub3A_398, %broadcast_in_dim3A_3 : vector<16xi1>, vector<16xi32>
    %swap3A_400 = arith.constant 160 : index
    %swap3A_401 = tpu.vector_load %arg12[%swap3A_400] {strides = array<i32>} : memref<256xi32, #tpu.memory_space<vmem>>, vector<16xi32>,
    %swap3A_402 = vector.shape_cast %swap3A_401 : vector<16xi32> to vector<16xi32>
    %swap3A_403 = vector.shape_cast %select_n3A_399 : vector<16xi32> to vector<16xi32>
    tpu.vector_store %arg12[%swap3A_400], %swap3A_403 {strides = array<i32>} : memref<256xi32, #tpu.memory_space<vmem>>, vector<16xi32>,
    %get3A_404 = arith.constant 176 : index
    %get3A_405 = tpu.vector_load %arg9[%get3A_404] {strides = array<i32>} : memref<256xi32, #tpu.memory_space<vmem>>, vector<16xi32>,
    %get3A_406 = vector.shape_cast %get3A_405 : vector<16xi32> to vector<16xi32>
    %lt3A_407 = arith.constant 20000 : i32
    %lt3A_408 = vector.broadcast %lt3A_407 : i32 to vector<16xi32>
    %lt3A_409 = arith.cmpi slt, %get3A_406, %lt3A_408 : vector<16xi32>
    %select_n3A_410 = arith.select %lt3A_409, %get3A_406, %broadcast_in_dim3A_3 : vector<16xi1>, vector<16xi32>
    %swap3A_411 = arith.constant 176 : index
    %swap3A_412 = tpu.vector_load %arg10[%swap3A_411] {strides = array<i32>} : memref<256xi32, #tpu.memory_space<vmem>>, vector<16xi32>,
    %swap3A_413 = vector.shape_cast %swap3A_412 : vector<16xi32> to vector<16xi32>
    %swap3A_414 = vector.shape_cast %select_n3A_410 : vector<16xi32> to vector<16xi32>
    tpu.vector_store %arg10[%swap3A_411], %swap3A_414 {strides = array<i32>} : memref<256xi32, #tpu.memory_space<vmem>>, vector<16xi32>,
    %ge3A_415 = arith.constant 20000 : i32
    %ge3A_416 = vector.broadcast %ge3A_415 : i32 to vector<16xi32>
    %ge3A_417 = arith.cmpi sge, %get3A_406, %ge3A_416 : vector<16xi32>
    %lt3A_418 = arith.constant 60000 : i32
    %lt3A_419 = vector.broadcast %lt3A_418 : i32 to vector<16xi32>
    %lt3A_420 = arith.cmpi slt, %get3A_406, %lt3A_419 : vector<16xi32>
    %and3A_421 = arith.andi %ge3A_417, %lt3A_420 : vector<16xi1>
    %sub3A_422 = arith.constant 20000 : i32
    %sub3A_423 = vector.broadcast %sub3A_422 : i32 to vector<16xi32>
    %sub3A_424 = arith.subi %get3A_406, %sub3A_423 : vector<16xi32>
    %select_n3A_425 = arith.select %and3A_421, %sub3A_424, %broadcast_in_dim3A_3 : vector<16xi1>, vector<16xi32>
    %swap3A_426 = arith.constant 176 : index
    %swap3A_427 = tpu.vector_load %arg11[%swap3A_426] {strides = array<i32>} : memref<256xi32, #tpu.memory_space<vmem>>, vector<16xi32>,
    %swap3A_428 = vector.shape_cast %swap3A_427 : vector<16xi32> to vector<16xi32>
    %swap3A_429 = vector.shape_cast %select_n3A_425 : vector<16xi32> to vector<16xi32>
    tpu.vector_store %arg11[%swap3A_426], %swap3A_429 {strides = array<i32>} : memref<256xi32, #tpu.memory_space<vmem>>, vector<16xi32>,
    %ge3A_430 = arith.constant 60000 : i32
    %ge3A_431 = vector.broadcast %ge3A_430 : i32 to vector<16xi32>
    %ge3A_432 = arith.cmpi sge, %get3A_406, %ge3A_431 : vector<16xi32>
    %sub3A_433 = arith.constant 60000 : i32
    %sub3A_434 = vector.broadcast %sub3A_433 : i32 to vector<16xi32>
    %sub3A_435 = arith.subi %get3A_406, %sub3A_434 : vector<16xi32>
    %select_n3A_436 = arith.select %ge3A_432, %sub3A_435, %broadcast_in_dim3A_3 : vector<16xi1>, vector<16xi32>
    %swap3A_437 = arith.constant 176 : index
    %swap3A_438 = tpu.vector_load %arg12[%swap3A_437] {strides = array<i32>} : memref<256xi32, #tpu.memory_space<vmem>>, vector<16xi32>,
    %swap3A_439 = vector.shape_cast %swap3A_438 : vector<16xi32> to vector<16xi32>
    %swap3A_440 = vector.shape_cast %select_n3A_436 : vector<16xi32> to vector<16xi32>
    tpu.vector_store %arg12[%swap3A_437], %swap3A_440 {strides = array<i32>} : memref<256xi32, #tpu.memory_space<vmem>>, vector<16xi32>,
    %get3A_441 = arith.constant 192 : index
    %get3A_442 = tpu.vector_load %arg9[%get3A_441] {strides = array<i32>} : memref<256xi32, #tpu.memory_space<vmem>>, vector<16xi32>,
    %get3A_443 = vector.shape_cast %get3A_442 : vector<16xi32> to vector<16xi32>
    %lt3A_444 = arith.constant 20000 : i32
    %lt3A_445 = vector.broadcast %lt3A_444 : i32 to vector<16xi32>
    %lt3A_446 = arith.cmpi slt, %get3A_443, %lt3A_445 : vector<16xi32>
    %select_n3A_447 = arith.select %lt3A_446, %get3A_443, %broadcast_in_dim3A_3 : vector<16xi1>, vector<16xi32>
    %swap3A_448 = arith.constant 192 : index
    %swap3A_449 = tpu.vector_load %arg10[%swap3A_448] {strides = array<i32>} : memref<256xi32, #tpu.memory_space<vmem>>, vector<16xi32>,
    %swap3A_450 = vector.shape_cast %swap3A_449 : vector<16xi32> to vector<16xi32>
    %swap3A_451 = vector.shape_cast %select_n3A_447 : vector<16xi32> to vector<16xi32>
    tpu.vector_store %arg10[%swap3A_448], %swap3A_451 {strides = array<i32>} : memref<256xi32, #tpu.memory_space<vmem>>, vector<16xi32>,
    %ge3A_452 = arith.constant 20000 : i32
    %ge3A_453 = vector.broadcast %ge3A_452 : i32 to vector<16xi32>
    %ge3A_454 = arith.cmpi sge, %get3A_443, %ge3A_453 : vector<16xi32>
    %lt3A_455 = arith.constant 60000 : i32
    %lt3A_456 = vector.broadcast %lt3A_455 : i32 to vector<16xi32>
    %lt3A_457 = arith.cmpi slt, %get3A_443, %lt3A_456 : vector<16xi32>
    %and3A_458 = arith.andi %ge3A_454, %lt3A_457 : vector<16xi1>
    %sub3A_459 = arith.constant 20000 : i32
    %sub3A_460 = vector.broadcast %sub3A_459 : i32 to vector<16xi32>
    %sub3A_461 = arith.subi %get3A_443, %sub3A_460 : vector<16xi32>
    %select_n3A_462 = arith.select %and3A_458, %sub3A_461, %broadcast_in_dim3A_3 : vector<16xi1>, vector<16xi32>
    %swap3A_463 = arith.constant 192 : index
    %swap3A_464 = tpu.vector_load %arg11[%swap3A_463] {strides = array<i32>} : memref<256xi32, #tpu.memory_space<vmem>>, vector<16xi32>,
    %swap3A_465 = vector.shape_cast %swap3A_464 : vector<16xi32> to vector<16xi32>
    %swap3A_466 = vector.shape_cast %select_n3A_462 : vector<16xi32> to vector<16xi32>
    tpu.vector_store %arg11[%swap3A_463], %swap3A_466 {strides = array<i32>} : memref<256xi32, #tpu.memory_space<vmem>>, vector<16xi32>,
    %ge3A_467 = arith.constant 60000 : i32
    %ge3A_468 = vector.broadcast %ge3A_467 : i32 to vector<16xi32>
    %ge3A_469 = arith.cmpi sge, %get3A_443, %ge3A_468 : vector<16xi32>
    %sub3A_470 = arith.constant 60000 : i32
    %sub3A_471 = vector.broadcast %sub3A_470 : i32 to vector<16xi32>
    %sub3A_472 = arith.subi %get3A_443, %sub3A_471 : vector<16xi32>
    %select_n3A_473 = arith.select %ge3A_469, %sub3A_472, %broadcast_in_dim3A_3 : vector<16xi1>, vector<16xi32>
    %swap3A_474 = arith.constant 192 : index
    %swap3A_475 = tpu.vector_load %arg12[%swap3A_474] {strides = array<i32>} : memref<256xi32, #tpu.memory_space<vmem>>, vector<16xi32>,
    %swap3A_476 = vector.shape_cast %swap3A_475 : vector<16xi32> to vector<16xi32>
    %swap3A_477 = vector.shape_cast %select_n3A_473 : vector<16xi32> to vector<16xi32>
    tpu.vector_store %arg12[%swap3A_474], %swap3A_477 {strides = array<i32>} : memref<256xi32, #tpu.memory_space<vmem>>, vector<16xi32>,
    %get3A_478 = arith.constant 208 : index
    %get3A_479 = tpu.vector_load %arg9[%get3A_478] {strides = array<i32>} : memref<256xi32, #tpu.memory_space<vmem>>, vector<16xi32>,
    %get3A_480 = vector.shape_cast %get3A_479 : vector<16xi32> to vector<16xi32>
    %lt3A_481 = arith.constant 20000 : i32
    %lt3A_482 = vector.broadcast %lt3A_481 : i32 to vector<16xi32>
    %lt3A_483 = arith.cmpi slt, %get3A_480, %lt3A_482 : vector<16xi32>
    %select_n3A_484 = arith.select %lt3A_483, %get3A_480, %broadcast_in_dim3A_3 : vector<16xi1>, vector<16xi32>
    %swap3A_485 = arith.constant 208 : index
    %swap3A_486 = tpu.vector_load %arg10[%swap3A_485] {strides = array<i32>} : memref<256xi32, #tpu.memory_space<vmem>>, vector<16xi32>,
    %swap3A_487 = vector.shape_cast %swap3A_486 : vector<16xi32> to vector<16xi32>
    %swap3A_488 = vector.shape_cast %select_n3A_484 : vector<16xi32> to vector<16xi32>
    tpu.vector_store %arg10[%swap3A_485], %swap3A_488 {strides = array<i32>} : memref<256xi32, #tpu.memory_space<vmem>>, vector<16xi32>,
    %ge3A_489 = arith.constant 20000 : i32
    %ge3A_490 = vector.broadcast %ge3A_489 : i32 to vector<16xi32>
    %ge3A_491 = arith.cmpi sge, %get3A_480, %ge3A_490 : vector<16xi32>
    %lt3A_492 = arith.constant 60000 : i32
    %lt3A_493 = vector.broadcast %lt3A_492 : i32 to vector<16xi32>
    %lt3A_494 = arith.cmpi slt, %get3A_480, %lt3A_493 : vector<16xi32>
    %and3A_495 = arith.andi %ge3A_491, %lt3A_494 : vector<16xi1>
    %sub3A_496 = arith.constant 20000 : i32
    %sub3A_497 = vector.broadcast %sub3A_496 : i32 to vector<16xi32>
    %sub3A_498 = arith.subi %get3A_480, %sub3A_497 : vector<16xi32>
    %select_n3A_499 = arith.select %and3A_495, %sub3A_498, %broadcast_in_dim3A_3 : vector<16xi1>, vector<16xi32>
    %swap3A_500 = arith.constant 208 : index
    %swap3A_501 = tpu.vector_load %arg11[%swap3A_500] {strides = array<i32>} : memref<256xi32, #tpu.memory_space<vmem>>, vector<16xi32>,
    %swap3A_502 = vector.shape_cast %swap3A_501 : vector<16xi32> to vector<16xi32>
    %swap3A_503 = vector.shape_cast %select_n3A_499 : vector<16xi32> to vector<16xi32>
    tpu.vector_store %arg11[%swap3A_500], %swap3A_503 {strides = array<i32>} : memref<256xi32, #tpu.memory_space<vmem>>, vector<16xi32>,
    %ge3A_504 = arith.constant 60000 : i32
    %ge3A_505 = vector.broadcast %ge3A_504 : i32 to vector<16xi32>
    %ge3A_506 = arith.cmpi sge, %get3A_480, %ge3A_505 : vector<16xi32>
    %sub3A_507 = arith.constant 60000 : i32
    %sub3A_508 = vector.broadcast %sub3A_507 : i32 to vector<16xi32>
    %sub3A_509 = arith.subi %get3A_480, %sub3A_508 : vector<16xi32>
    %select_n3A_510 = arith.select %ge3A_506, %sub3A_509, %broadcast_in_dim3A_3 : vector<16xi1>, vector<16xi32>
    %swap3A_511 = arith.constant 208 : index
    %swap3A_512 = tpu.vector_load %arg12[%swap3A_511] {strides = array<i32>} : memref<256xi32, #tpu.memory_space<vmem>>, vector<16xi32>,
    %swap3A_513 = vector.shape_cast %swap3A_512 : vector<16xi32> to vector<16xi32>
    %swap3A_514 = vector.shape_cast %select_n3A_510 : vector<16xi32> to vector<16xi32>
    tpu.vector_store %arg12[%swap3A_511], %swap3A_514 {strides = array<i32>} : memref<256xi32, #tpu.memory_space<vmem>>, vector<16xi32>,
    %get3A_515 = arith.constant 224 : index
    %get3A_516 = tpu.vector_load %arg9[%get3A_515] {strides = array<i32>} : memref<256xi32, #tpu.memory_space<vmem>>, vector<16xi32>,
    %get3A_517 = vector.shape_cast %get3A_516 : vector<16xi32> to vector<16xi32>
    %lt3A_518 = arith.constant 20000 : i32
    %lt3A_519 = vector.broadcast %lt3A_518 : i32 to vector<16xi32>
    %lt3A_520 = arith.cmpi slt, %get3A_517, %lt3A_519 : vector<16xi32>
    %select_n3A_521 = arith.select %lt3A_520, %get3A_517, %broadcast_in_dim3A_3 : vector<16xi1>, vector<16xi32>
    %swap3A_522 = arith.constant 224 : index
    %swap3A_523 = tpu.vector_load %arg10[%swap3A_522] {strides = array<i32>} : memref<256xi32, #tpu.memory_space<vmem>>, vector<16xi32>,
    %swap3A_524 = vector.shape_cast %swap3A_523 : vector<16xi32> to vector<16xi32>
    %swap3A_525 = vector.shape_cast %select_n3A_521 : vector<16xi32> to vector<16xi32>
    tpu.vector_store %arg10[%swap3A_522], %swap3A_525 {strides = array<i32>} : memref<256xi32, #tpu.memory_space<vmem>>, vector<16xi32>,
    %ge3A_526 = arith.constant 20000 : i32
    %ge3A_527 = vector.broadcast %ge3A_526 : i32 to vector<16xi32>
    %ge3A_528 = arith.cmpi sge, %get3A_517, %ge3A_527 : vector<16xi32>
    %lt3A_529 = arith.constant 60000 : i32
    %lt3A_530 = vector.broadcast %lt3A_529 : i32 to vector<16xi32>
    %lt3A_531 = arith.cmpi slt, %get3A_517, %lt3A_530 : vector<16xi32>
    %and3A_532 = arith.andi %ge3A_528, %lt3A_531 : vector<16xi1>
    %sub3A_533 = arith.constant 20000 : i32
    %sub3A_534 = vector.broadcast %sub3A_533 : i32 to vector<16xi32>
    %sub3A_535 = arith.subi %get3A_517, %sub3A_534 : vector<16xi32>
    %select_n3A_536 = arith.select %and3A_532, %sub3A_535, %broadcast_in_dim3A_3 : vector<16xi1>, vector<16xi32>
    %swap3A_537 = arith.constant 224 : index
    %swap3A_538 = tpu.vector_load %arg11[%swap3A_537] {strides = array<i32>} : memref<256xi32, #tpu.memory_space<vmem>>, vector<16xi32>,
    %swap3A_539 = vector.shape_cast %swap3A_538 : vector<16xi32> to vector<16xi32>
    %swap3A_540 = vector.shape_cast %select_n3A_536 : vector<16xi32> to vector<16xi32>
    tpu.vector_store %arg11[%swap3A_537], %swap3A_540 {strides = array<i32>} : memref<256xi32, #tpu.memory_space<vmem>>, vector<16xi32>,
    %ge3A_541 = arith.constant 60000 : i32
    %ge3A_542 = vector.broadcast %ge3A_541 : i32 to vector<16xi32>
    %ge3A_543 = arith.cmpi sge, %get3A_517, %ge3A_542 : vector<16xi32>
    %sub3A_544 = arith.constant 60000 : i32
    %sub3A_545 = vector.broadcast %sub3A_544 : i32 to vector<16xi32>
    %sub3A_546 = arith.subi %get3A_517, %sub3A_545 : vector<16xi32>
    %select_n3A_547 = arith.select %ge3A_543, %sub3A_546, %broadcast_in_dim3A_3 : vector<16xi1>, vector<16xi32>
    %swap3A_548 = arith.constant 224 : index
    %swap3A_549 = tpu.vector_load %arg12[%swap3A_548] {strides = array<i32>} : memref<256xi32, #tpu.memory_space<vmem>>, vector<16xi32>,
    %swap3A_550 = vector.shape_cast %swap3A_549 : vector<16xi32> to vector<16xi32>
    %swap3A_551 = vector.shape_cast %select_n3A_547 : vector<16xi32> to vector<16xi32>
    tpu.vector_store %arg12[%swap3A_548], %swap3A_551 {strides = array<i32>} : memref<256xi32, #tpu.memory_space<vmem>>, vector<16xi32>,
    %get3A_552 = arith.constant 240 : index
    %get3A_553 = tpu.vector_load %arg9[%get3A_552] {strides = array<i32>} : memref<256xi32, #tpu.memory_space<vmem>>, vector<16xi32>,
    %get3A_554 = vector.shape_cast %get3A_553 : vector<16xi32> to vector<16xi32>
    %lt3A_555 = arith.constant 20000 : i32
    %lt3A_556 = vector.broadcast %lt3A_555 : i32 to vector<16xi32>
    %lt3A_557 = arith.cmpi slt, %get3A_554, %lt3A_556 : vector<16xi32>
    %select_n3A_558 = arith.select %lt3A_557, %get3A_554, %broadcast_in_dim3A_3 : vector<16xi1>, vector<16xi32>
    %swap3A_559 = arith.constant 240 : index
    %swap3A_560 = tpu.vector_load %arg10[%swap3A_559] {strides = array<i32>} : memref<256xi32, #tpu.memory_space<vmem>>, vector<16xi32>,
    %swap3A_561 = vector.shape_cast %swap3A_560 : vector<16xi32> to vector<16xi32>
    %swap3A_562 = vector.shape_cast %select_n3A_558 : vector<16xi32> to vector<16xi32>
    tpu.vector_store %arg10[%swap3A_559], %swap3A_562 {strides = array<i32>} : memref<256xi32, #tpu.memory_space<vmem>>, vector<16xi32>,
    %ge3A_563 = arith.constant 20000 : i32
    %ge3A_564 = vector.broadcast %ge3A_563 : i32 to vector<16xi32>
    %ge3A_565 = arith.cmpi sge, %get3A_554, %ge3A_564 : vector<16xi32>
    %lt3A_566 = arith.constant 60000 : i32
    %lt3A_567 = vector.broadcast %lt3A_566 : i32 to vector<16xi32>
    %lt3A_568 = arith.cmpi slt, %get3A_554, %lt3A_567 : vector<16xi32>
    %and3A_569 = arith.andi %ge3A_565, %lt3A_568 : vector<16xi1>
    %sub3A_570 = arith.constant 20000 : i32
    %sub3A_571 = vector.broadcast %sub3A_570 : i32 to vector<16xi32>
    %sub3A_572 = arith.subi %get3A_554, %sub3A_571 : vector<16xi32>
    %select_n3A_573 = arith.select %and3A_569, %sub3A_572, %broadcast_in_dim3A_3 : vector<16xi1>, vector<16xi32>
    %swap3A_574 = arith.constant 240 : index
    %swap3A_575 = tpu.vector_load %arg11[%swap3A_574] {strides = array<i32>} : memref<256xi32, #tpu.memory_space<vmem>>, vector<16xi32>,
    %swap3A_576 = vector.shape_cast %swap3A_575 : vector<16xi32> to vector<16xi32>
    %swap3A_577 = vector.shape_cast %select_n3A_573 : vector<16xi32> to vector<16xi32>
    tpu.vector_store %arg11[%swap3A_574], %swap3A_577 {strides = array<i32>} : memref<256xi32, #tpu.memory_space<vmem>>, vector<16xi32>,
    %ge3A_578 = arith.constant 60000 : i32
    %ge3A_579 = vector.broadcast %ge3A_578 : i32 to vector<16xi32>
    %ge3A_580 = arith.cmpi sge, %get3A_554, %ge3A_579 : vector<16xi32>
    %sub3A_581 = arith.constant 60000 : i32
    %sub3A_582 = vector.broadcast %sub3A_581 : i32 to vector<16xi32>
    %sub3A_583 = arith.subi %get3A_554, %sub3A_582 : vector<16xi32>
    %select_n3A_584 = arith.select %ge3A_580, %sub3A_583, %broadcast_in_dim3A_3 : vector<16xi1>, vector<16xi32>
    %swap3A_585 = arith.constant 240 : index
    %swap3A_586 = tpu.vector_load %arg12[%swap3A_585] {strides = array<i32>} : memref<256xi32, #tpu.memory_space<vmem>>, vector<16xi32>,
    %swap3A_587 = vector.shape_cast %swap3A_586 : vector<16xi32> to vector<16xi32>
    %swap3A_588 = vector.shape_cast %select_n3A_584 : vector<16xi32> to vector<16xi32>
    tpu.vector_store %arg12[%swap3A_585], %swap3A_588 {strides = array<i32>} : memref<256xi32, #tpu.memory_space<vmem>>, vector<16xi32>,
    %dma_start3A = arith.constant 0 : i32
    %dma_start3A_589 = tpu.memref_slice %arg10[%dma_start3A] : memref<256xi32, #tpu.memory_space<vmem>> -> memref<16xi32, #tpu.memory_space<vmem>>
    %dma_start3A_590 = arith.constant 0 : i32
    %dma_start3A_591 = arith.constant 0 : i32
    %dma_start3A_592 = tpu.memref_slice %arg3[%dma_start3A_590, %dma_start3A_591] : memref<20000x1024xf32, #tpu.memory_space<hbm>> -> memref<20000x1024xf32, #tpu.memory_space<hbm>>
    tpu.enqueue_indirect_dma source(%dma_start3A_592 : memref<20000x1024xf32, #tpu.memory_space<hbm>>) target(%arg13 : memref<16x1024xf32, #tpu.memory_space<vmem>>) offsets(%dma_start3A_589 : memref<16xi32, #tpu.memory_space<vmem>>) semaphore(%arg16 : memref<!tpu.dma_semaphore, #tpu.memory_space<semaphore_mem>>)
    %dma_wait3A = arith.constant 0 : i32
    %dma_wait3A_593 = tpu.memref_slice %arg10[%dma_wait3A] : memref<256xi32, #tpu.memory_space<vmem>> -> memref<16xi32, #tpu.memory_space<vmem>>
    %dma_wait3A_594 = arith.constant 0 : i32
    %dma_wait3A_595 = arith.constant 0 : i32
    %dma_wait3A_596 = tpu.memref_slice %arg3[%dma_wait3A_594, %dma_wait3A_595] : memref<20000x1024xf32, #tpu.memory_space<hbm>> -> memref<20000x1024xf32, #tpu.memory_space<hbm>>
    tpu.wait_indirect_dma semaphore(%arg16 : memref<!tpu.dma_semaphore, #tpu.memory_space<semaphore_mem>>) src(%dma_wait3A_596 : memref<20000x1024xf32, #tpu.memory_space<hbm>>) dst(%arg13 : memref<16x1024xf32, #tpu.memory_space<vmem>>)
    %add3A_597 = arith.constant 0 : i32
    %add3A_598 = arith.addi %mul3A_2, %add3A_597 : i32
    "tpu.region"() ({
      %run_scoped3A = tpu.sem_alloc : memref<!tpu.dma_semaphore, #tpu.memory_space<semaphore_mem>>
      %dma_start3A_843 = arith.constant 0 : i32
      %dma_start3A_844 = tpu.memref_slice %arg6[%add3A_598, %dma_start3A_843] : memref<8192x1024xf32, #tpu.memory_space<hbm>> -> memref<16x1024xf32, #tpu.memory_space<hbm>>
      %dma_start3A_845 = arith.constant 0 : i32
      %dma_start3A_846 = tpu.memref_slice %arg6[%add3A_598, %dma_start3A_845] : memref<8192x1024xf32, #tpu.memory_space<hbm>> -> memref<16x1024xf32, #tpu.memory_space<hbm>>
      tpu.enqueue_dma source(%arg13 : memref<16x1024xf32, #tpu.memory_space<vmem>>) target(%dma_start3A_846 : memref<16x1024xf32, #tpu.memory_space<hbm>>) target_semaphore(%run_scoped3A : memref<!tpu.dma_semaphore, #tpu.memory_space<semaphore_mem>>)
      %dma_wait3A_847 = arith.constant 0 : i32
      %dma_wait3A_848 = tpu.memref_slice %arg6[%add3A_598, %dma_wait3A_847] : memref<8192x1024xf32, #tpu.memory_space<hbm>> -> memref<16x1024xf32, #tpu.memory_space<hbm>>
      %dma_wait3A_849 = arith.constant 0 : i32
      %dma_wait3A_850 = tpu.memref_slice %arg6[%add3A_598, %dma_wait3A_849] : memref<8192x1024xf32, #tpu.memory_space<hbm>> -> memref<16x1024xf32, #tpu.memory_space<hbm>>
      tpu.wait_dma2 semaphore(%run_scoped3A : memref<!tpu.dma_semaphore, #tpu.memory_space<semaphore_mem>>) src(%arg13 : memref<16x1024xf32, #tpu.memory_space<vmem>>) dst(%dma_wait3A_850 : memref<16x1024xf32, #tpu.memory_space<hbm>>)
      tpu.yield
    }) : () -> ()
    %dma_start3A_599 = arith.constant 16 : i32
    %dma_start3A_600 = tpu.memref_slice %arg10[%dma_start3A_599] : memref<256xi32, #tpu.memory_space<vmem>> -> memref<16xi32, #tpu.memory_space<vmem>>
    %dma_start3A_601 = arith.constant 0 : i32
    %dma_start3A_602 = arith.constant 0 : i32
    %dma_start3A_603 = tpu.memref_slice %arg3[%dma_start3A_601, %dma_start3A_602] : memref<20000x1024xf32, #tpu.memory_space<hbm>> -> memref<20000x1024xf32, #tpu.memory_space<hbm>>
    tpu.enqueue_indirect_dma source(%dma_start3A_603 : memref<20000x1024xf32, #tpu.memory_space<hbm>>) target(%arg13 : memref<16x1024xf32, #tpu.memory_space<vmem>>) offsets(%dma_start3A_600 : memref<16xi32, #tpu.memory_space<vmem>>) semaphore(%arg16 : memref<!tpu.dma_semaphore, #tpu.memory_space<semaphore_mem>>)
    %dma_wait3A_604 = arith.constant 16 : i32
    %dma_wait3A_605 = tpu.memref_slice %arg10[%dma_wait3A_604] : memref<256xi32, #tpu.memory_space<vmem>> -> memref<16xi32, #tpu.memory_space<vmem>>
    %dma_wait3A_606 = arith.constant 0 : i32
    %dma_wait3A_607 = arith.constant 0 : i32
    %dma_wait3A_608 = tpu.memref_slice %arg3[%dma_wait3A_606, %dma_wait3A_607] : memref<20000x1024xf32, #tpu.memory_space<hbm>> -> memref<20000x1024xf32, #tpu.memory_space<hbm>>
    tpu.wait_indirect_dma semaphore(%arg16 : memref<!tpu.dma_semaphore, #tpu.memory_space<semaphore_mem>>) src(%dma_wait3A_608 : memref<20000x1024xf32, #tpu.memory_space<hbm>>) dst(%arg13 : memref<16x1024xf32, #tpu.memory_space<vmem>>)
    %add3A_609 = arith.constant 16 : i32
    %add3A_610 = arith.addi %mul3A_2, %add3A_609 : i32
    "tpu.region"() ({
      %run_scoped3A = tpu.sem_alloc : memref<!tpu.dma_semaphore, #tpu.memory_space<semaphore_mem>>
      %dma_start3A_843 = arith.constant 0 : i32
      %dma_start3A_844 = tpu.memref_slice %arg6[%add3A_610, %dma_start3A_843] : memref<8192x1024xf32, #tpu.memory_space<hbm>> -> memref<16x1024xf32, #tpu.memory_space<hbm>>
      %dma_start3A_845 = arith.constant 0 : i32
      %dma_start3A_846 = tpu.memref_slice %arg6[%add3A_610, %dma_start3A_845] : memref<8192x1024xf32, #tpu.memory_space<hbm>> -> memref<16x1024xf32, #tpu.memory_space<hbm>>
      tpu.enqueue_dma source(%arg13 : memref<16x1024xf32, #tpu.memory_space<vmem>>) target(%dma_start3A_846 : memref<16x1024xf32, #tpu.memory_space<hbm>>) target_semaphore(%run_scoped3A : memref<!tpu.dma_semaphore, #tpu.memory_space<semaphore_mem>>)
      %dma_wait3A_847 = arith.constant 0 : i32
      %dma_wait3A_848 = tpu.memref_slice %arg6[%add3A_610, %dma_wait3A_847] : memref<8192x1024xf32, #tpu.memory_space<hbm>> -> memref<16x1024xf32, #tpu.memory_space<hbm>>
      %dma_wait3A_849 = arith.constant 0 : i32
      %dma_wait3A_850 = tpu.memref_slice %arg6[%add3A_610, %dma_wait3A_849] : memref<8192x1024xf32, #tpu.memory_space<hbm>> -> memref<16x1024xf32, #tpu.memory_space<hbm>>
      tpu.wait_dma2 semaphore(%run_scoped3A : memref<!tpu.dma_semaphore, #tpu.memory_space<semaphore_mem>>) src(%arg13 : memref<16x1024xf32, #tpu.memory_space<vmem>>) dst(%dma_wait3A_850 : memref<16x1024xf32, #tpu.memory_space<hbm>>)
      tpu.yield
    }) : () -> ()
    %dma_start3A_611 = arith.constant 32 : i32
    %dma_start3A_612 = tpu.memref_slice %arg10[%dma_start3A_611] : memref<256xi32, #tpu.memory_space<vmem>> -> memref<16xi32, #tpu.memory_space<vmem>>
    %dma_start3A_613 = arith.constant 0 : i32
    %dma_start3A_614 = arith.constant 0 : i32
    %dma_start3A_615 = tpu.memref_slice %arg3[%dma_start3A_613, %dma_start3A_614] : memref<20000x1024xf32, #tpu.memory_space<hbm>> -> memref<20000x1024xf32, #tpu.memory_space<hbm>>
    tpu.enqueue_indirect_dma source(%dma_start3A_615 : memref<20000x1024xf32, #tpu.memory_space<hbm>>) target(%arg13 : memref<16x1024xf32, #tpu.memory_space<vmem>>) offsets(%dma_start3A_612 : memref<16xi32, #tpu.memory_space<vmem>>) semaphore(%arg16 : memref<!tpu.dma_semaphore, #tpu.memory_space<semaphore_mem>>)
    %dma_wait3A_616 = arith.constant 32 : i32
    %dma_wait3A_617 = tpu.memref_slice %arg10[%dma_wait3A_616] : memref<256xi32, #tpu.memory_space<vmem>> -> memref<16xi32, #tpu.memory_space<vmem>>
    %dma_wait3A_618 = arith.constant 0 : i32
    %dma_wait3A_619 = arith.constant 0 : i32
    %dma_wait3A_620 = tpu.memref_slice %arg3[%dma_wait3A_618, %dma_wait3A_619] : memref<20000x1024xf32, #tpu.memory_space<hbm>> -> memref<20000x1024xf32, #tpu.memory_space<hbm>>
    tpu.wait_indirect_dma semaphore(%arg16 : memref<!tpu.dma_semaphore, #tpu.memory_space<semaphore_mem>>) src(%dma_wait3A_620 : memref<20000x1024xf32, #tpu.memory_space<hbm>>) dst(%arg13 : memref<16x1024xf32, #tpu.memory_space<vmem>>)
    %add3A_621 = arith.constant 32 : i32
    %add3A_622 = arith.addi %mul3A_2, %add3A_621 : i32
    "tpu.region"() ({
      %run_scoped3A = tpu.sem_alloc : memref<!tpu.dma_semaphore, #tpu.memory_space<semaphore_mem>>
      %dma_start3A_843 = arith.constant 0 : i32
      %dma_start3A_844 = tpu.memref_slice %arg6[%add3A_622, %dma_start3A_843] : memref<8192x1024xf32, #tpu.memory_space<hbm>> -> memref<16x1024xf32, #tpu.memory_space<hbm>>
      %dma_start3A_845 = arith.constant 0 : i32
      %dma_start3A_846 = tpu.memref_slice %arg6[%add3A_622, %dma_start3A_845] : memref<8192x1024xf32, #tpu.memory_space<hbm>> -> memref<16x1024xf32, #tpu.memory_space<hbm>>
      tpu.enqueue_dma source(%arg13 : memref<16x1024xf32, #tpu.memory_space<vmem>>) target(%dma_start3A_846 : memref<16x1024xf32, #tpu.memory_space<hbm>>) target_semaphore(%run_scoped3A : memref<!tpu.dma_semaphore, #tpu.memory_space<semaphore_mem>>)
      %dma_wait3A_847 = arith.constant 0 : i32
      %dma_wait3A_848 = tpu.memref_slice %arg6[%add3A_622, %dma_wait3A_847] : memref<8192x1024xf32, #tpu.memory_space<hbm>> -> memref<16x1024xf32, #tpu.memory_space<hbm>>
      %dma_wait3A_849 = arith.constant 0 : i32
      %dma_wait3A_850 = tpu.memref_slice %arg6[%add3A_622, %dma_wait3A_849] : memref<8192x1024xf32, #tpu.memory_space<hbm>> -> memref<16x1024xf32, #tpu.memory_space<hbm>>
      tpu.wait_dma2 semaphore(%run_scoped3A : memref<!tpu.dma_semaphore, #tpu.memory_space<semaphore_mem>>) src(%arg13 : memref<16x1024xf32, #tpu.memory_space<vmem>>) dst(%dma_wait3A_850 : memref<16x1024xf32, #tpu.memory_space<hbm>>)
      tpu.yield
    }) : () -> ()
    %dma_start3A_623 = arith.constant 48 : i32
    %dma_start3A_624 = tpu.memref_slice %arg10[%dma_start3A_623] : memref<256xi32, #tpu.memory_space<vmem>> -> memref<16xi32, #tpu.memory_space<vmem>>
    %dma_start3A_625 = arith.constant 0 : i32
    %dma_start3A_626 = arith.constant 0 : i32
    %dma_start3A_627 = tpu.memref_slice %arg3[%dma_start3A_625, %dma_start3A_626] : memref<20000x1024xf32, #tpu.memory_space<hbm>> -> memref<20000x1024xf32, #tpu.memory_space<hbm>>
    tpu.enqueue_indirect_dma source(%dma_start3A_627 : memref<20000x1024xf32, #tpu.memory_space<hbm>>) target(%arg13 : memref<16x1024xf32, #tpu.memory_space<vmem>>) offsets(%dma_start3A_624 : memref<16xi32, #tpu.memory_space<vmem>>) semaphore(%arg16 : memref<!tpu.dma_semaphore, #tpu.memory_space<semaphore_mem>>)
    %dma_wait3A_628 = arith.constant 48 : i32
    %dma_wait3A_629 = tpu.memref_slice %arg10[%dma_wait3A_628] : memref<256xi32, #tpu.memory_space<vmem>> -> memref<16xi32, #tpu.memory_space<vmem>>
    %dma_wait3A_630 = arith.constant 0 : i32
    %dma_wait3A_631 = arith.constant 0 : i32
    %dma_wait3A_632 = tpu.memref_slice %arg3[%dma_wait3A_630, %dma_wait3A_631] : memref<20000x1024xf32, #tpu.memory_space<hbm>> -> memref<20000x1024xf32, #tpu.memory_space<hbm>>
    tpu.wait_indirect_dma semaphore(%arg16 : memref<!tpu.dma_semaphore, #tpu.memory_space<semaphore_mem>>) src(%dma_wait3A_632 : memref<20000x1024xf32, #tpu.memory_space<hbm>>) dst(%arg13 : memref<16x1024xf32, #tpu.memory_space<vmem>>)
    %add3A_633 = arith.constant 48 : i32
    %add3A_634 = arith.addi %mul3A_2, %add3A_633 : i32
    "tpu.region"() ({
      %run_scoped3A = tpu.sem_alloc : memref<!tpu.dma_semaphore, #tpu.memory_space<semaphore_mem>>
      %dma_start3A_843 = arith.constant 0 : i32
      %dma_start3A_844 = tpu.memref_slice %arg6[%add3A_634, %dma_start3A_843] : memref<8192x1024xf32, #tpu.memory_space<hbm>> -> memref<16x1024xf32, #tpu.memory_space<hbm>>
      %dma_start3A_845 = arith.constant 0 : i32
      %dma_start3A_846 = tpu.memref_slice %arg6[%add3A_634, %dma_start3A_845] : memref<8192x1024xf32, #tpu.memory_space<hbm>> -> memref<16x1024xf32, #tpu.memory_space<hbm>>
      tpu.enqueue_dma source(%arg13 : memref<16x1024xf32, #tpu.memory_space<vmem>>) target(%dma_start3A_846 : memref<16x1024xf32, #tpu.memory_space<hbm>>) target_semaphore(%run_scoped3A : memref<!tpu.dma_semaphore, #tpu.memory_space<semaphore_mem>>)
      %dma_wait3A_847 = arith.constant 0 : i32
      %dma_wait3A_848 = tpu.memref_slice %arg6[%add3A_634, %dma_wait3A_847] : memref<8192x1024xf32, #tpu.memory_space<hbm>> -> memref<16x1024xf32, #tpu.memory_space<hbm>>
      %dma_wait3A_849 = arith.constant 0 : i32
      %dma_wait3A_850 = tpu.memref_slice %arg6[%add3A_634, %dma_wait3A_849] : memref<8192x1024xf32, #tpu.memory_space<hbm>> -> memref<16x1024xf32, #tpu.memory_space<hbm>>
      tpu.wait_dma2 semaphore(%run_scoped3A : memref<!tpu.dma_semaphore, #tpu.memory_space<semaphore_mem>>) src(%arg13 : memref<16x1024xf32, #tpu.memory_space<vmem>>) dst(%dma_wait3A_850 : memref<16x1024xf32, #tpu.memory_space<hbm>>)
      tpu.yield
    }) : () -> ()
    %dma_start3A_635 = arith.constant 64 : i32
    %dma_start3A_636 = tpu.memref_slice %arg10[%dma_start3A_635] : memref<256xi32, #tpu.memory_space<vmem>> -> memref<16xi32, #tpu.memory_space<vmem>>
    %dma_start3A_637 = arith.constant 0 : i32
    %dma_start3A_638 = arith.constant 0 : i32
    %dma_start3A_639 = tpu.memref_slice %arg3[%dma_start3A_637, %dma_start3A_638] : memref<20000x1024xf32, #tpu.memory_space<hbm>> -> memref<20000x1024xf32, #tpu.memory_space<hbm>>
    tpu.enqueue_indirect_dma source(%dma_start3A_639 : memref<20000x1024xf32, #tpu.memory_space<hbm>>) target(%arg13 : memref<16x1024xf32, #tpu.memory_space<vmem>>) offsets(%dma_start3A_636 : memref<16xi32, #tpu.memory_space<vmem>>) semaphore(%arg16 : memref<!tpu.dma_semaphore, #tpu.memory_space<semaphore_mem>>)
    %dma_wait3A_640 = arith.constant 64 : i32
    %dma_wait3A_641 = tpu.memref_slice %arg10[%dma_wait3A_640] : memref<256xi32, #tpu.memory_space<vmem>> -> memref<16xi32, #tpu.memory_space<vmem>>
    %dma_wait3A_642 = arith.constant 0 : i32
    %dma_wait3A_643 = arith.constant 0 : i32
    %dma_wait3A_644 = tpu.memref_slice %arg3[%dma_wait3A_642, %dma_wait3A_643] : memref<20000x1024xf32, #tpu.memory_space<hbm>> -> memref<20000x1024xf32, #tpu.memory_space<hbm>>
    tpu.wait_indirect_dma semaphore(%arg16 : memref<!tpu.dma_semaphore, #tpu.memory_space<semaphore_mem>>) src(%dma_wait3A_644 : memref<20000x1024xf32, #tpu.memory_space<hbm>>) dst(%arg13 : memref<16x1024xf32, #tpu.memory_space<vmem>>)
    %add3A_645 = arith.constant 64 : i32
    %add3A_646 = arith.addi %mul3A_2, %add3A_645 : i32
    "tpu.region"() ({
      %run_scoped3A = tpu.sem_alloc : memref<!tpu.dma_semaphore, #tpu.memory_space<semaphore_mem>>
      %dma_start3A_843 = arith.constant 0 : i32
      %dma_start3A_844 = tpu.memref_slice %arg6[%add3A_646, %dma_start3A_843] : memref<8192x1024xf32, #tpu.memory_space<hbm>> -> memref<16x1024xf32, #tpu.memory_space<hbm>>
      %dma_start3A_845 = arith.constant 0 : i32
      %dma_start3A_846 = tpu.memref_slice %arg6[%add3A_646, %dma_start3A_845] : memref<8192x1024xf32, #tpu.memory_space<hbm>> -> memref<16x1024xf32, #tpu.memory_space<hbm>>
      tpu.enqueue_dma source(%arg13 : memref<16x1024xf32, #tpu.memory_space<vmem>>) target(%dma_start3A_846 : memref<16x1024xf32, #tpu.memory_space<hbm>>) target_semaphore(%run_scoped3A : memref<!tpu.dma_semaphore, #tpu.memory_space<semaphore_mem>>)
      %dma_wait3A_847 = arith.constant 0 : i32
      %dma_wait3A_848 = tpu.memref_slice %arg6[%add3A_646, %dma_wait3A_847] : memref<8192x1024xf32, #tpu.memory_space<hbm>> -> memref<16x1024xf32, #tpu.memory_space<hbm>>
      %dma_wait3A_849 = arith.constant 0 : i32
      %dma_wait3A_850 = tpu.memref_slice %arg6[%add3A_646, %dma_wait3A_849] : memref<8192x1024xf32, #tpu.memory_space<hbm>> -> memref<16x1024xf32, #tpu.memory_space<hbm>>
      tpu.wait_dma2 semaphore(%run_scoped3A : memref<!tpu.dma_semaphore, #tpu.memory_space<semaphore_mem>>) src(%arg13 : memref<16x1024xf32, #tpu.memory_space<vmem>>) dst(%dma_wait3A_850 : memref<16x1024xf32, #tpu.memory_space<hbm>>)
      tpu.yield
    }) : () -> ()
    %dma_start3A_647 = arith.constant 80 : i32
    %dma_start3A_648 = tpu.memref_slice %arg10[%dma_start3A_647] : memref<256xi32, #tpu.memory_space<vmem>> -> memref<16xi32, #tpu.memory_space<vmem>>
    %dma_start3A_649 = arith.constant 0 : i32
    %dma_start3A_650 = arith.constant 0 : i32
    %dma_start3A_651 = tpu.memref_slice %arg3[%dma_start3A_649, %dma_start3A_650] : memref<20000x1024xf32, #tpu.memory_space<hbm>> -> memref<20000x1024xf32, #tpu.memory_space<hbm>>
    tpu.enqueue_indirect_dma source(%dma_start3A_651 : memref<20000x1024xf32, #tpu.memory_space<hbm>>) target(%arg13 : memref<16x1024xf32, #tpu.memory_space<vmem>>) offsets(%dma_start3A_648 : memref<16xi32, #tpu.memory_space<vmem>>) semaphore(%arg16 : memref<!tpu.dma_semaphore, #tpu.memory_space<semaphore_mem>>)
    %dma_wait3A_652 = arith.constant 80 : i32
    %dma_wait3A_653 = tpu.memref_slice %arg10[%dma_wait3A_652] : memref<256xi32, #tpu.memory_space<vmem>> -> memref<16xi32, #tpu.memory_space<vmem>>
    %dma_wait3A_654 = arith.constant 0 : i32
    %dma_wait3A_655 = arith.constant 0 : i32
    %dma_wait3A_656 = tpu.memref_slice %arg3[%dma_wait3A_654, %dma_wait3A_655] : memref<20000x1024xf32, #tpu.memory_space<hbm>> -> memref<20000x1024xf32, #tpu.memory_space<hbm>>
    tpu.wait_indirect_dma semaphore(%arg16 : memref<!tpu.dma_semaphore, #tpu.memory_space<semaphore_mem>>) src(%dma_wait3A_656 : memref<20000x1024xf32, #tpu.memory_space<hbm>>) dst(%arg13 : memref<16x1024xf32, #tpu.memory_space<vmem>>)
    %add3A_657 = arith.constant 80 : i32
    %add3A_658 = arith.addi %mul3A_2, %add3A_657 : i32
    "tpu.region"() ({
      %run_scoped3A = tpu.sem_alloc : memref<!tpu.dma_semaphore, #tpu.memory_space<semaphore_mem>>
      %dma_start3A_843 = arith.constant 0 : i32
      %dma_start3A_844 = tpu.memref_slice %arg6[%add3A_658, %dma_start3A_843] : memref<8192x1024xf32, #tpu.memory_space<hbm>> -> memref<16x1024xf32, #tpu.memory_space<hbm>>
      %dma_start3A_845 = arith.constant 0 : i32
      %dma_start3A_846 = tpu.memref_slice %arg6[%add3A_658, %dma_start3A_845] : memref<8192x1024xf32, #tpu.memory_space<hbm>> -> memref<16x1024xf32, #tpu.memory_space<hbm>>
      tpu.enqueue_dma source(%arg13 : memref<16x1024xf32, #tpu.memory_space<vmem>>) target(%dma_start3A_846 : memref<16x1024xf32, #tpu.memory_space<hbm>>) target_semaphore(%run_scoped3A : memref<!tpu.dma_semaphore, #tpu.memory_space<semaphore_mem>>)
      %dma_wait3A_847 = arith.constant 0 : i32
      %dma_wait3A_848 = tpu.memref_slice %arg6[%add3A_658, %dma_wait3A_847] : memref<8192x1024xf32, #tpu.memory_space<hbm>> -> memref<16x1024xf32, #tpu.memory_space<hbm>>
      %dma_wait3A_849 = arith.constant 0 : i32
      %dma_wait3A_850 = tpu.memref_slice %arg6[%add3A_658, %dma_wait3A_849] : memref<8192x1024xf32, #tpu.memory_space<hbm>> -> memref<16x1024xf32, #tpu.memory_space<hbm>>
      tpu.wait_dma2 semaphore(%run_scoped3A : memref<!tpu.dma_semaphore, #tpu.memory_space<semaphore_mem>>) src(%arg13 : memref<16x1024xf32, #tpu.memory_space<vmem>>) dst(%dma_wait3A_850 : memref<16x1024xf32, #tpu.memory_space<hbm>>)
      tpu.yield
    }) : () -> ()
    %dma_start3A_659 = arith.constant 96 : i32
    %dma_start3A_660 = tpu.memref_slice %arg10[%dma_start3A_659] : memref<256xi32, #tpu.memory_space<vmem>> -> memref<16xi32, #tpu.memory_space<vmem>>
    %dma_start3A_661 = arith.constant 0 : i32
    %dma_start3A_662 = arith.constant 0 : i32
    %dma_start3A_663 = tpu.memref_slice %arg3[%dma_start3A_661, %dma_start3A_662] : memref<20000x1024xf32, #tpu.memory_space<hbm>> -> memref<20000x1024xf32, #tpu.memory_space<hbm>>
    tpu.enqueue_indirect_dma source(%dma_start3A_663 : memref<20000x1024xf32, #tpu.memory_space<hbm>>) target(%arg13 : memref<16x1024xf32, #tpu.memory_space<vmem>>) offsets(%dma_start3A_660 : memref<16xi32, #tpu.memory_space<vmem>>) semaphore(%arg16 : memref<!tpu.dma_semaphore, #tpu.memory_space<semaphore_mem>>)
    %dma_wait3A_664 = arith.constant 96 : i32
    %dma_wait3A_665 = tpu.memref_slice %arg10[%dma_wait3A_664] : memref<256xi32, #tpu.memory_space<vmem>> -> memref<16xi32, #tpu.memory_space<vmem>>
    %dma_wait3A_666 = arith.constant 0 : i32
    %dma_wait3A_667 = arith.constant 0 : i32
    %dma_wait3A_668 = tpu.memref_slice %arg3[%dma_wait3A_666, %dma_wait3A_667] : memref<20000x1024xf32, #tpu.memory_space<hbm>> -> memref<20000x1024xf32, #tpu.memory_space<hbm>>
    tpu.wait_indirect_dma semaphore(%arg16 : memref<!tpu.dma_semaphore, #tpu.memory_space<semaphore_mem>>) src(%dma_wait3A_668 : memref<20000x1024xf32, #tpu.memory_space<hbm>>) dst(%arg13 : memref<16x1024xf32, #tpu.memory_space<vmem>>)
    %add3A_669 = arith.constant 96 : i32
    %add3A_670 = arith.addi %mul3A_2, %add3A_669 : i32
    "tpu.region"() ({
      %run_scoped3A = tpu.sem_alloc : memref<!tpu.dma_semaphore, #tpu.memory_space<semaphore_mem>>
      %dma_start3A_843 = arith.constant 0 : i32
      %dma_start3A_844 = tpu.memref_slice %arg6[%add3A_670, %dma_start3A_843] : memref<8192x1024xf32, #tpu.memory_space<hbm>> -> memref<16x1024xf32, #tpu.memory_space<hbm>>
      %dma_start3A_845 = arith.constant 0 : i32
      %dma_start3A_846 = tpu.memref_slice %arg6[%add3A_670, %dma_start3A_845] : memref<8192x1024xf32, #tpu.memory_space<hbm>> -> memref<16x1024xf32, #tpu.memory_space<hbm>>
      tpu.enqueue_dma source(%arg13 : memref<16x1024xf32, #tpu.memory_space<vmem>>) target(%dma_start3A_846 : memref<16x1024xf32, #tpu.memory_space<hbm>>) target_semaphore(%run_scoped3A : memref<!tpu.dma_semaphore, #tpu.memory_space<semaphore_mem>>)
      %dma_wait3A_847 = arith.constant 0 : i32
      %dma_wait3A_848 = tpu.memref_slice %arg6[%add3A_670, %dma_wait3A_847] : memref<8192x1024xf32, #tpu.memory_space<hbm>> -> memref<16x1024xf32, #tpu.memory_space<hbm>>
      %dma_wait3A_849 = arith.constant 0 : i32
      %dma_wait3A_850 = tpu.memref_slice %arg6[%add3A_670, %dma_wait3A_849] : memref<8192x1024xf32, #tpu.memory_space<hbm>> -> memref<16x1024xf32, #tpu.memory_space<hbm>>
      tpu.wait_dma2 semaphore(%run_scoped3A : memref<!tpu.dma_semaphore, #tpu.memory_space<semaphore_mem>>) src(%arg13 : memref<16x1024xf32, #tpu.memory_space<vmem>>) dst(%dma_wait3A_850 : memref<16x1024xf32, #tpu.memory_space<hbm>>)
      tpu.yield
    }) : () -> ()
    %dma_start3A_671 = arith.constant 112 : i32
    %dma_start3A_672 = tpu.memref_slice %arg10[%dma_start3A_671] : memref<256xi32, #tpu.memory_space<vmem>> -> memref<16xi32, #tpu.memory_space<vmem>>
    %dma_start3A_673 = arith.constant 0 : i32
    %dma_start3A_674 = arith.constant 0 : i32
    %dma_start3A_675 = tpu.memref_slice %arg3[%dma_start3A_673, %dma_start3A_674] : memref<20000x1024xf32, #tpu.memory_space<hbm>> -> memref<20000x1024xf32, #tpu.memory_space<hbm>>
    tpu.enqueue_indirect_dma source(%dma_start3A_675 : memref<20000x1024xf32, #tpu.memory_space<hbm>>) target(%arg13 : memref<16x1024xf32, #tpu.memory_space<vmem>>) offsets(%dma_start3A_672 : memref<16xi32, #tpu.memory_space<vmem>>) semaphore(%arg16 : memref<!tpu.dma_semaphore, #tpu.memory_space<semaphore_mem>>)
    %dma_wait3A_676 = arith.constant 112 : i32
    %dma_wait3A_677 = tpu.memref_slice %arg10[%dma_wait3A_676] : memref<256xi32, #tpu.memory_space<vmem>> -> memref<16xi32, #tpu.memory_space<vmem>>
    %dma_wait3A_678 = arith.constant 0 : i32
    %dma_wait3A_679 = arith.constant 0 : i32
    %dma_wait3A_680 = tpu.memref_slice %arg3[%dma_wait3A_678, %dma_wait3A_679] : memref<20000x1024xf32, #tpu.memory_space<hbm>> -> memref<20000x1024xf32, #tpu.memory_space<hbm>>
    tpu.wait_indirect_dma semaphore(%arg16 : memref<!tpu.dma_semaphore, #tpu.memory_space<semaphore_mem>>) src(%dma_wait3A_680 : memref<20000x1024xf32, #tpu.memory_space<hbm>>) dst(%arg13 : memref<16x1024xf32, #tpu.memory_space<vmem>>)
    %add3A_681 = arith.constant 112 : i32
    %add3A_682 = arith.addi %mul3A_2, %add3A_681 : i32
    "tpu.region"() ({
      %run_scoped3A = tpu.sem_alloc : memref<!tpu.dma_semaphore, #tpu.memory_space<semaphore_mem>>
      %dma_start3A_843 = arith.constant 0 : i32
      %dma_start3A_844 = tpu.memref_slice %arg6[%add3A_682, %dma_start3A_843] : memref<8192x1024xf32, #tpu.memory_space<hbm>> -> memref<16x1024xf32, #tpu.memory_space<hbm>>
      %dma_start3A_845 = arith.constant 0 : i32
      %dma_start3A_846 = tpu.memref_slice %arg6[%add3A_682, %dma_start3A_845] : memref<8192x1024xf32, #tpu.memory_space<hbm>> -> memref<16x1024xf32, #tpu.memory_space<hbm>>
      tpu.enqueue_dma source(%arg13 : memref<16x1024xf32, #tpu.memory_space<vmem>>) target(%dma_start3A_846 : memref<16x1024xf32, #tpu.memory_space<hbm>>) target_semaphore(%run_scoped3A : memref<!tpu.dma_semaphore, #tpu.memory_space<semaphore_mem>>)
      %dma_wait3A_847 = arith.constant 0 : i32
      %dma_wait3A_848 = tpu.memref_slice %arg6[%add3A_682, %dma_wait3A_847] : memref<8192x1024xf32, #tpu.memory_space<hbm>> -> memref<16x1024xf32, #tpu.memory_space<hbm>>
      %dma_wait3A_849 = arith.constant 0 : i32
      %dma_wait3A_850 = tpu.memref_slice %arg6[%add3A_682, %dma_wait3A_849] : memref<8192x1024xf32, #tpu.memory_space<hbm>> -> memref<16x1024xf32, #tpu.memory_space<hbm>>
      tpu.wait_dma2 semaphore(%run_scoped3A : memref<!tpu.dma_semaphore, #tpu.memory_space<semaphore_mem>>) src(%arg13 : memref<16x1024xf32, #tpu.memory_space<vmem>>) dst(%dma_wait3A_850 : memref<16x1024xf32, #tpu.memory_space<hbm>>)
      tpu.yield
    }) : () -> ()
    %dma_start3A_683 = arith.constant 128 : i32
    %dma_start3A_684 = tpu.memref_slice %arg10[%dma_start3A_683] : memref<256xi32, #tpu.memory_space<vmem>> -> memref<16xi32, #tpu.memory_space<vmem>>
    %dma_start3A_685 = arith.constant 0 : i32
    %dma_start3A_686 = arith.constant 0 : i32
    %dma_start3A_687 = tpu.memref_slice %arg3[%dma_start3A_685, %dma_start3A_686] : memref<20000x1024xf32, #tpu.memory_space<hbm>> -> memref<20000x1024xf32, #tpu.memory_space<hbm>>
    tpu.enqueue_indirect_dma source(%dma_start3A_687 : memref<20000x1024xf32, #tpu.memory_space<hbm>>) target(%arg13 : memref<16x1024xf32, #tpu.memory_space<vmem>>) offsets(%dma_start3A_684 : memref<16xi32, #tpu.memory_space<vmem>>) semaphore(%arg16 : memref<!tpu.dma_semaphore, #tpu.memory_space<semaphore_mem>>)
    %dma_wait3A_688 = arith.constant 128 : i32
    %dma_wait3A_689 = tpu.memref_slice %arg10[%dma_wait3A_688] : memref<256xi32, #tpu.memory_space<vmem>> -> memref<16xi32, #tpu.memory_space<vmem>>
    %dma_wait3A_690 = arith.constant 0 : i32
    %dma_wait3A_691 = arith.constant 0 : i32
    %dma_wait3A_692 = tpu.memref_slice %arg3[%dma_wait3A_690, %dma_wait3A_691] : memref<20000x1024xf32, #tpu.memory_space<hbm>> -> memref<20000x1024xf32, #tpu.memory_space<hbm>>
    tpu.wait_indirect_dma semaphore(%arg16 : memref<!tpu.dma_semaphore, #tpu.memory_space<semaphore_mem>>) src(%dma_wait3A_692 : memref<20000x1024xf32, #tpu.memory_space<hbm>>) dst(%arg13 : memref<16x1024xf32, #tpu.memory_space<vmem>>)
    %add3A_693 = arith.constant 128 : i32
    %add3A_694 = arith.addi %mul3A_2, %add3A_693 : i32
    "tpu.region"() ({
      %run_scoped3A = tpu.sem_alloc : memref<!tpu.dma_semaphore, #tpu.memory_space<semaphore_mem>>
      %dma_start3A_843 = arith.constant 0 : i32
      %dma_start3A_844 = tpu.memref_slice %arg6[%add3A_694, %dma_start3A_843] : memref<8192x1024xf32, #tpu.memory_space<hbm>> -> memref<16x1024xf32, #tpu.memory_space<hbm>>
      %dma_start3A_845 = arith.constant 0 : i32
      %dma_start3A_846 = tpu.memref_slice %arg6[%add3A_694, %dma_start3A_845] : memref<8192x1024xf32, #tpu.memory_space<hbm>> -> memref<16x1024xf32, #tpu.memory_space<hbm>>
      tpu.enqueue_dma source(%arg13 : memref<16x1024xf32, #tpu.memory_space<vmem>>) target(%dma_start3A_846 : memref<16x1024xf32, #tpu.memory_space<hbm>>) target_semaphore(%run_scoped3A : memref<!tpu.dma_semaphore, #tpu.memory_space<semaphore_mem>>)
      %dma_wait3A_847 = arith.constant 0 : i32
      %dma_wait3A_848 = tpu.memref_slice %arg6[%add3A_694, %dma_wait3A_847] : memref<8192x1024xf32, #tpu.memory_space<hbm>> -> memref<16x1024xf32, #tpu.memory_space<hbm>>
      %dma_wait3A_849 = arith.constant 0 : i32
      %dma_wait3A_850 = tpu.memref_slice %arg6[%add3A_694, %dma_wait3A_849] : memref<8192x1024xf32, #tpu.memory_space<hbm>> -> memref<16x1024xf32, #tpu.memory_space<hbm>>
      tpu.wait_dma2 semaphore(%run_scoped3A : memref<!tpu.dma_semaphore, #tpu.memory_space<semaphore_mem>>) src(%arg13 : memref<16x1024xf32, #tpu.memory_space<vmem>>) dst(%dma_wait3A_850 : memref<16x1024xf32, #tpu.memory_space<hbm>>)
      tpu.yield
    }) : () -> ()
    %dma_start3A_695 = arith.constant 144 : i32
    %dma_start3A_696 = tpu.memref_slice %arg10[%dma_start3A_695] : memref<256xi32, #tpu.memory_space<vmem>> -> memref<16xi32, #tpu.memory_space<vmem>>
    %dma_start3A_697 = arith.constant 0 : i32
    %dma_start3A_698 = arith.constant 0 : i32
    %dma_start3A_699 = tpu.memref_slice %arg3[%dma_start3A_697, %dma_start3A_698] : memref<20000x1024xf32, #tpu.memory_space<hbm>> -> memref<20000x1024xf32, #tpu.memory_space<hbm>>
    tpu.enqueue_indirect_dma source(%dma_start3A_699 : memref<20000x1024xf32, #tpu.memory_space<hbm>>) target(%arg13 : memref<16x1024xf32, #tpu.memory_space<vmem>>) offsets(%dma_start3A_696 : memref<16xi32, #tpu.memory_space<vmem>>) semaphore(%arg16 : memref<!tpu.dma_semaphore, #tpu.memory_space<semaphore_mem>>)
    %dma_wait3A_700 = arith.constant 144 : i32
    %dma_wait3A_701 = tpu.memref_slice %arg10[%dma_wait3A_700] : memref<256xi32, #tpu.memory_space<vmem>> -> memref<16xi32, #tpu.memory_space<vmem>>
    %dma_wait3A_702 = arith.constant 0 : i32
    %dma_wait3A_703 = arith.constant 0 : i32
    %dma_wait3A_704 = tpu.memref_slice %arg3[%dma_wait3A_702, %dma_wait3A_703] : memref<20000x1024xf32, #tpu.memory_space<hbm>> -> memref<20000x1024xf32, #tpu.memory_space<hbm>>
    tpu.wait_indirect_dma semaphore(%arg16 : memref<!tpu.dma_semaphore, #tpu.memory_space<semaphore_mem>>) src(%dma_wait3A_704 : memref<20000x1024xf32, #tpu.memory_space<hbm>>) dst(%arg13 : memref<16x1024xf32, #tpu.memory_space<vmem>>)
    %add3A_705 = arith.constant 144 : i32
    %add3A_706 = arith.addi %mul3A_2, %add3A_705 : i32
    "tpu.region"() ({
      %run_scoped3A = tpu.sem_alloc : memref<!tpu.dma_semaphore, #tpu.memory_space<semaphore_mem>>
      %dma_start3A_843 = arith.constant 0 : i32
      %dma_start3A_844 = tpu.memref_slice %arg6[%add3A_706, %dma_start3A_843] : memref<8192x1024xf32, #tpu.memory_space<hbm>> -> memref<16x1024xf32, #tpu.memory_space<hbm>>
      %dma_start3A_845 = arith.constant 0 : i32
      %dma_start3A_846 = tpu.memref_slice %arg6[%add3A_706, %dma_start3A_845] : memref<8192x1024xf32, #tpu.memory_space<hbm>> -> memref<16x1024xf32, #tpu.memory_space<hbm>>
      tpu.enqueue_dma source(%arg13 : memref<16x1024xf32, #tpu.memory_space<vmem>>) target(%dma_start3A_846 : memref<16x1024xf32, #tpu.memory_space<hbm>>) target_semaphore(%run_scoped3A : memref<!tpu.dma_semaphore, #tpu.memory_space<semaphore_mem>>)
      %dma_wait3A_847 = arith.constant 0 : i32
      %dma_wait3A_848 = tpu.memref_slice %arg6[%add3A_706, %dma_wait3A_847] : memref<8192x1024xf32, #tpu.memory_space<hbm>> -> memref<16x1024xf32, #tpu.memory_space<hbm>>
      %dma_wait3A_849 = arith.constant 0 : i32
      %dma_wait3A_850 = tpu.memref_slice %arg6[%add3A_706, %dma_wait3A_849] : memref<8192x1024xf32, #tpu.memory_space<hbm>> -> memref<16x1024xf32, #tpu.memory_space<hbm>>
      tpu.wait_dma2 semaphore(%run_scoped3A : memref<!tpu.dma_semaphore, #tpu.memory_space<semaphore_mem>>) src(%arg13 : memref<16x1024xf32, #tpu.memory_space<vmem>>) dst(%dma_wait3A_850 : memref<16x1024xf32, #tpu.memory_space<hbm>>)
      tpu.yield
    }) : () -> ()
    %dma_start3A_707 = arith.constant 160 : i32
    %dma_start3A_708 = tpu.memref_slice %arg10[%dma_start3A_707] : memref<256xi32, #tpu.memory_space<vmem>> -> memref<16xi32, #tpu.memory_space<vmem>>
    %dma_start3A_709 = arith.constant 0 : i32
    %dma_start3A_710 = arith.constant 0 : i32
    %dma_start3A_711 = tpu.memref_slice %arg3[%dma_start3A_709, %dma_start3A_710] : memref<20000x1024xf32, #tpu.memory_space<hbm>> -> memref<20000x1024xf32, #tpu.memory_space<hbm>>
    tpu.enqueue_indirect_dma source(%dma_start3A_711 : memref<20000x1024xf32, #tpu.memory_space<hbm>>) target(%arg13 : memref<16x1024xf32, #tpu.memory_space<vmem>>) offsets(%dma_start3A_708 : memref<16xi32, #tpu.memory_space<vmem>>) semaphore(%arg16 : memref<!tpu.dma_semaphore, #tpu.memory_space<semaphore_mem>>)
    %dma_wait3A_712 = arith.constant 160 : i32
    %dma_wait3A_713 = tpu.memref_slice %arg10[%dma_wait3A_712] : memref<256xi32, #tpu.memory_space<vmem>> -> memref<16xi32, #tpu.memory_space<vmem>>
    %dma_wait3A_714 = arith.constant 0 : i32
    %dma_wait3A_715 = arith.constant 0 : i32
    %dma_wait3A_716 = tpu.memref_slice %arg3[%dma_wait3A_714, %dma_wait3A_715] : memref<20000x1024xf32, #tpu.memory_space<hbm>> -> memref<20000x1024xf32, #tpu.memory_space<hbm>>
    tpu.wait_indirect_dma semaphore(%arg16 : memref<!tpu.dma_semaphore, #tpu.memory_space<semaphore_mem>>) src(%dma_wait3A_716 : memref<20000x1024xf32, #tpu.memory_space<hbm>>) dst(%arg13 : memref<16x1024xf32, #tpu.memory_space<vmem>>)
    %add3A_717 = arith.constant 160 : i32
    %add3A_718 = arith.addi %mul3A_2, %add3A_717 : i32
    "tpu.region"() ({
      %run_scoped3A = tpu.sem_alloc : memref<!tpu.dma_semaphore, #tpu.memory_space<semaphore_mem>>
      %dma_start3A_843 = arith.constant 0 : i32
      %dma_start3A_844 = tpu.memref_slice %arg6[%add3A_718, %dma_start3A_843] : memref<8192x1024xf32, #tpu.memory_space<hbm>> -> memref<16x1024xf32, #tpu.memory_space<hbm>>
      %dma_start3A_845 = arith.constant 0 : i32
      %dma_start3A_846 = tpu.memref_slice %arg6[%add3A_718, %dma_start3A_845] : memref<8192x1024xf32, #tpu.memory_space<hbm>> -> memref<16x1024xf32, #tpu.memory_space<hbm>>
      tpu.enqueue_dma source(%arg13 : memref<16x1024xf32, #tpu.memory_space<vmem>>) target(%dma_start3A_846 : memref<16x1024xf32, #tpu.memory_space<hbm>>) target_semaphore(%run_scoped3A : memref<!tpu.dma_semaphore, #tpu.memory_space<semaphore_mem>>)
      %dma_wait3A_847 = arith.constant 0 : i32
      %dma_wait3A_848 = tpu.memref_slice %arg6[%add3A_718, %dma_wait3A_847] : memref<8192x1024xf32, #tpu.memory_space<hbm>> -> memref<16x1024xf32, #tpu.memory_space<hbm>>
      %dma_wait3A_849 = arith.constant 0 : i32
      %dma_wait3A_850 = tpu.memref_slice %arg6[%add3A_718, %dma_wait3A_849] : memref<8192x1024xf32, #tpu.memory_space<hbm>> -> memref<16x1024xf32, #tpu.memory_space<hbm>>
      tpu.wait_dma2 semaphore(%run_scoped3A : memref<!tpu.dma_semaphore, #tpu.memory_space<semaphore_mem>>) src(%arg13 : memref<16x1024xf32, #tpu.memory_space<vmem>>) dst(%dma_wait3A_850 : memref<16x1024xf32, #tpu.memory_space<hbm>>)
      tpu.yield
    }) : () -> ()
    %dma_start3A_719 = arith.constant 176 : i32
    %dma_start3A_720 = tpu.memref_slice %arg10[%dma_start3A_719] : memref<256xi32, #tpu.memory_space<vmem>> -> memref<16xi32, #tpu.memory_space<vmem>>
    %dma_start3A_721 = arith.constant 0 : i32
    %dma_start3A_722 = arith.constant 0 : i32
    %dma_start3A_723 = tpu.memref_slice %arg3[%dma_start3A_721, %dma_start3A_722] : memref<20000x1024xf32, #tpu.memory_space<hbm>> -> memref<20000x1024xf32, #tpu.memory_space<hbm>>
    tpu.enqueue_indirect_dma source(%dma_start3A_723 : memref<20000x1024xf32, #tpu.memory_space<hbm>>) target(%arg13 : memref<16x1024xf32, #tpu.memory_space<vmem>>) offsets(%dma_start3A_720 : memref<16xi32, #tpu.memory_space<vmem>>) semaphore(%arg16 : memref<!tpu.dma_semaphore, #tpu.memory_space<semaphore_mem>>)
    %dma_wait3A_724 = arith.constant 176 : i32
    %dma_wait3A_725 = tpu.memref_slice %arg10[%dma_wait3A_724] : memref<256xi32, #tpu.memory_space<vmem>> -> memref<16xi32, #tpu.memory_space<vmem>>
    %dma_wait3A_726 = arith.constant 0 : i32
    %dma_wait3A_727 = arith.constant 0 : i32
    %dma_wait3A_728 = tpu.memref_slice %arg3[%dma_wait3A_726, %dma_wait3A_727] : memref<20000x1024xf32, #tpu.memory_space<hbm>> -> memref<20000x1024xf32, #tpu.memory_space<hbm>>
    tpu.wait_indirect_dma semaphore(%arg16 : memref<!tpu.dma_semaphore, #tpu.memory_space<semaphore_mem>>) src(%dma_wait3A_728 : memref<20000x1024xf32, #tpu.memory_space<hbm>>) dst(%arg13 : memref<16x1024xf32, #tpu.memory_space<vmem>>)
    %add3A_729 = arith.constant 176 : i32
    %add3A_730 = arith.addi %mul3A_2, %add3A_729 : i32
    "tpu.region"() ({
      %run_scoped3A = tpu.sem_alloc : memref<!tpu.dma_semaphore, #tpu.memory_space<semaphore_mem>>
      %dma_start3A_843 = arith.constant 0 : i32
      %dma_start3A_844 = tpu.memref_slice %arg6[%add3A_730, %dma_start3A_843] : memref<8192x1024xf32, #tpu.memory_space<hbm>> -> memref<16x1024xf32, #tpu.memory_space<hbm>>
      %dma_start3A_845 = arith.constant 0 : i32
      %dma_start3A_846 = tpu.memref_slice %arg6[%add3A_730, %dma_start3A_845] : memref<8192x1024xf32, #tpu.memory_space<hbm>> -> memref<16x1024xf32, #tpu.memory_space<hbm>>
      tpu.enqueue_dma source(%arg13 : memref<16x1024xf32, #tpu.memory_space<vmem>>) target(%dma_start3A_846 : memref<16x1024xf32, #tpu.memory_space<hbm>>) target_semaphore(%run_scoped3A : memref<!tpu.dma_semaphore, #tpu.memory_space<semaphore_mem>>)
      %dma_wait3A_847 = arith.constant 0 : i32
      %dma_wait3A_848 = tpu.memref_slice %arg6[%add3A_730, %dma_wait3A_847] : memref<8192x1024xf32, #tpu.memory_space<hbm>> -> memref<16x1024xf32, #tpu.memory_space<hbm>>
      %dma_wait3A_849 = arith.constant 0 : i32
      %dma_wait3A_850 = tpu.memref_slice %arg6[%add3A_730, %dma_wait3A_849] : memref<8192x1024xf32, #tpu.memory_space<hbm>> -> memref<16x1024xf32, #tpu.memory_space<hbm>>
      tpu.wait_dma2 semaphore(%run_scoped3A : memref<!tpu.dma_semaphore, #tpu.memory_space<semaphore_mem>>) src(%arg13 : memref<16x1024xf32, #tpu.memory_space<vmem>>) dst(%dma_wait3A_850 : memref<16x1024xf32, #tpu.memory_space<hbm>>)
      tpu.yield
    }) : () -> ()
    %dma_start3A_731 = arith.constant 192 : i32
    %dma_start3A_732 = tpu.memref_slice %arg10[%dma_start3A_731] : memref<256xi32, #tpu.memory_space<vmem>> -> memref<16xi32, #tpu.memory_space<vmem>>
    %dma_start3A_733 = arith.constant 0 : i32
    %dma_start3A_734 = arith.constant 0 : i32
    %dma_start3A_735 = tpu.memref_slice %arg3[%dma_start3A_733, %dma_start3A_734] : memref<20000x1024xf32, #tpu.memory_space<hbm>> -> memref<20000x1024xf32, #tpu.memory_space<hbm>>
    tpu.enqueue_indirect_dma source(%dma_start3A_735 : memref<20000x1024xf32, #tpu.memory_space<hbm>>) target(%arg13 : memref<16x1024xf32, #tpu.memory_space<vmem>>) offsets(%dma_start3A_732 : memref<16xi32, #tpu.memory_space<vmem>>) semaphore(%arg16 : memref<!tpu.dma_semaphore, #tpu.memory_space<semaphore_mem>>)
    %dma_wait3A_736 = arith.constant 192 : i32
    %dma_wait3A_737 = tpu.memref_slice %arg10[%dma_wait3A_736] : memref<256xi32, #tpu.memory_space<vmem>> -> memref<16xi32, #tpu.memory_space<vmem>>
    %dma_wait3A_738 = arith.constant 0 : i32
    %dma_wait3A_739 = arith.constant 0 : i32
    %dma_wait3A_740 = tpu.memref_slice %arg3[%dma_wait3A_738, %dma_wait3A_739] : memref<20000x1024xf32, #tpu.memory_space<hbm>> -> memref<20000x1024xf32, #tpu.memory_space<hbm>>
    tpu.wait_indirect_dma semaphore(%arg16 : memref<!tpu.dma_semaphore, #tpu.memory_space<semaphore_mem>>) src(%dma_wait3A_740 : memref<20000x1024xf32, #tpu.memory_space<hbm>>) dst(%arg13 : memref<16x1024xf32, #tpu.memory_space<vmem>>)
    %add3A_741 = arith.constant 192 : i32
    %add3A_742 = arith.addi %mul3A_2, %add3A_741 : i32
    "tpu.region"() ({
      %run_scoped3A = tpu.sem_alloc : memref<!tpu.dma_semaphore, #tpu.memory_space<semaphore_mem>>
      %dma_start3A_843 = arith.constant 0 : i32
      %dma_start3A_844 = tpu.memref_slice %arg6[%add3A_742, %dma_start3A_843] : memref<8192x1024xf32, #tpu.memory_space<hbm>> -> memref<16x1024xf32, #tpu.memory_space<hbm>>
      %dma_start3A_845 = arith.constant 0 : i32
      %dma_start3A_846 = tpu.memref_slice %arg6[%add3A_742, %dma_start3A_845] : memref<8192x1024xf32, #tpu.memory_space<hbm>> -> memref<16x1024xf32, #tpu.memory_space<hbm>>
      tpu.enqueue_dma source(%arg13 : memref<16x1024xf32, #tpu.memory_space<vmem>>) target(%dma_start3A_846 : memref<16x1024xf32, #tpu.memory_space<hbm>>) target_semaphore(%run_scoped3A : memref<!tpu.dma_semaphore, #tpu.memory_space<semaphore_mem>>)
      %dma_wait3A_847 = arith.constant 0 : i32
      %dma_wait3A_848 = tpu.memref_slice %arg6[%add3A_742, %dma_wait3A_847] : memref<8192x1024xf32, #tpu.memory_space<hbm>> -> memref<16x1024xf32, #tpu.memory_space<hbm>>
      %dma_wait3A_849 = arith.constant 0 : i32
      %dma_wait3A_850 = tpu.memref_slice %arg6[%add3A_742, %dma_wait3A_849] : memref<8192x1024xf32, #tpu.memory_space<hbm>> -> memref<16x1024xf32, #tpu.memory_space<hbm>>
      tpu.wait_dma2 semaphore(%run_scoped3A : memref<!tpu.dma_semaphore, #tpu.memory_space<semaphore_mem>>) src(%arg13 : memref<16x1024xf32, #tpu.memory_space<vmem>>) dst(%dma_wait3A_850 : memref<16x1024xf32, #tpu.memory_space<hbm>>)
      tpu.yield
    }) : () -> ()
    %dma_start3A_743 = arith.constant 208 : i32
    %dma_start3A_744 = tpu.memref_slice %arg10[%dma_start3A_743] : memref<256xi32, #tpu.memory_space<vmem>> -> memref<16xi32, #tpu.memory_space<vmem>>
    %dma_start3A_745 = arith.constant 0 : i32
    %dma_start3A_746 = arith.constant 0 : i32
    %dma_start3A_747 = tpu.memref_slice %arg3[%dma_start3A_745, %dma_start3A_746] : memref<20000x1024xf32, #tpu.memory_space<hbm>> -> memref<20000x1024xf32, #tpu.memory_space<hbm>>
    tpu.enqueue_indirect_dma source(%dma_start3A_747 : memref<20000x1024xf32, #tpu.memory_space<hbm>>) target(%arg13 : memref<16x1024xf32, #tpu.memory_space<vmem>>) offsets(%dma_start3A_744 : memref<16xi32, #tpu.memory_space<vmem>>) semaphore(%arg16 : memref<!tpu.dma_semaphore, #tpu.memory_space<semaphore_mem>>)
    %dma_wait3A_748 = arith.constant 208 : i32
    %dma_wait3A_749 = tpu.memref_slice %arg10[%dma_wait3A_748] : memref<256xi32, #tpu.memory_space<vmem>> -> memref<16xi32, #tpu.memory_space<vmem>>
    %dma_wait3A_750 = arith.constant 0 : i32
    %dma_wait3A_751 = arith.constant 0 : i32
    %dma_wait3A_752 = tpu.memref_slice %arg3[%dma_wait3A_750, %dma_wait3A_751] : memref<20000x1024xf32, #tpu.memory_space<hbm>> -> memref<20000x1024xf32, #tpu.memory_space<hbm>>
    tpu.wait_indirect_dma semaphore(%arg16 : memref<!tpu.dma_semaphore, #tpu.memory_space<semaphore_mem>>) src(%dma_wait3A_752 : memref<20000x1024xf32, #tpu.memory_space<hbm>>) dst(%arg13 : memref<16x1024xf32, #tpu.memory_space<vmem>>)
    %add3A_753 = arith.constant 208 : i32
    %add3A_754 = arith.addi %mul3A_2, %add3A_753 : i32
    "tpu.region"() ({
      %run_scoped3A = tpu.sem_alloc : memref<!tpu.dma_semaphore, #tpu.memory_space<semaphore_mem>>
      %dma_start3A_843 = arith.constant 0 : i32
      %dma_start3A_844 = tpu.memref_slice %arg6[%add3A_754, %dma_start3A_843] : memref<8192x1024xf32, #tpu.memory_space<hbm>> -> memref<16x1024xf32, #tpu.memory_space<hbm>>
      %dma_start3A_845 = arith.constant 0 : i32
      %dma_start3A_846 = tpu.memref_slice %arg6[%add3A_754, %dma_start3A_845] : memref<8192x1024xf32, #tpu.memory_space<hbm>> -> memref<16x1024xf32, #tpu.memory_space<hbm>>
      tpu.enqueue_dma source(%arg13 : memref<16x1024xf32, #tpu.memory_space<vmem>>) target(%dma_start3A_846 : memref<16x1024xf32, #tpu.memory_space<hbm>>) target_semaphore(%run_scoped3A : memref<!tpu.dma_semaphore, #tpu.memory_space<semaphore_mem>>)
      %dma_wait3A_847 = arith.constant 0 : i32
      %dma_wait3A_848 = tpu.memref_slice %arg6[%add3A_754, %dma_wait3A_847] : memref<8192x1024xf32, #tpu.memory_space<hbm>> -> memref<16x1024xf32, #tpu.memory_space<hbm>>
      %dma_wait3A_849 = arith.constant 0 : i32
      %dma_wait3A_850 = tpu.memref_slice %arg6[%add3A_754, %dma_wait3A_849] : memref<8192x1024xf32, #tpu.memory_space<hbm>> -> memref<16x1024xf32, #tpu.memory_space<hbm>>
      tpu.wait_dma2 semaphore(%run_scoped3A : memref<!tpu.dma_semaphore, #tpu.memory_space<semaphore_mem>>) src(%arg13 : memref<16x1024xf32, #tpu.memory_space<vmem>>) dst(%dma_wait3A_850 : memref<16x1024xf32, #tpu.memory_space<hbm>>)
      tpu.yield
    }) : () -> ()
    %dma_start3A_755 = arith.constant 224 : i32
    %dma_start3A_756 = tpu.memref_slice %arg10[%dma_start3A_755] : memref<256xi32, #tpu.memory_space<vmem>> -> memref<16xi32, #tpu.memory_space<vmem>>
    %dma_start3A_757 = arith.constant 0 : i32
    %dma_start3A_758 = arith.constant 0 : i32
    %dma_start3A_759 = tpu.memref_slice %arg3[%dma_start3A_757, %dma_start3A_758] : memref<20000x1024xf32, #tpu.memory_space<hbm>> -> memref<20000x1024xf32, #tpu.memory_space<hbm>>
    tpu.enqueue_indirect_dma source(%dma_start3A_759 : memref<20000x1024xf32, #tpu.memory_space<hbm>>) target(%arg13 : memref<16x1024xf32, #tpu.memory_space<vmem>>) offsets(%dma_start3A_756 : memref<16xi32, #tpu.memory_space<vmem>>) semaphore(%arg16 : memref<!tpu.dma_semaphore, #tpu.memory_space<semaphore_mem>>)
    %dma_wait3A_760 = arith.constant 224 : i32
    %dma_wait3A_761 = tpu.memref_slice %arg10[%dma_wait3A_760] : memref<256xi32, #tpu.memory_space<vmem>> -> memref<16xi32, #tpu.memory_space<vmem>>
    %dma_wait3A_762 = arith.constant 0 : i32
    %dma_wait3A_763 = arith.constant 0 : i32
    %dma_wait3A_764 = tpu.memref_slice %arg3[%dma_wait3A_762, %dma_wait3A_763] : memref<20000x1024xf32, #tpu.memory_space<hbm>> -> memref<20000x1024xf32, #tpu.memory_space<hbm>>
    tpu.wait_indirect_dma semaphore(%arg16 : memref<!tpu.dma_semaphore, #tpu.memory_space<semaphore_mem>>) src(%dma_wait3A_764 : memref<20000x1024xf32, #tpu.memory_space<hbm>>) dst(%arg13 : memref<16x1024xf32, #tpu.memory_space<vmem>>)
    %add3A_765 = arith.constant 224 : i32
    %add3A_766 = arith.addi %mul3A_2, %add3A_765 : i32
    "tpu.region"() ({
      %run_scoped3A = tpu.sem_alloc : memref<!tpu.dma_semaphore, #tpu.memory_space<semaphore_mem>>
      %dma_start3A_843 = arith.constant 0 : i32
      %dma_start3A_844 = tpu.memref_slice %arg6[%add3A_766, %dma_start3A_843] : memref<8192x1024xf32, #tpu.memory_space<hbm>> -> memref<16x1024xf32, #tpu.memory_space<hbm>>
      %dma_start3A_845 = arith.constant 0 : i32
      %dma_start3A_846 = tpu.memref_slice %arg6[%add3A_766, %dma_start3A_845] : memref<8192x1024xf32, #tpu.memory_space<hbm>> -> memref<16x1024xf32, #tpu.memory_space<hbm>>
      tpu.enqueue_dma source(%arg13 : memref<16x1024xf32, #tpu.memory_space<vmem>>) target(%dma_start3A_846 : memref<16x1024xf32, #tpu.memory_space<hbm>>) target_semaphore(%run_scoped3A : memref<!tpu.dma_semaphore, #tpu.memory_space<semaphore_mem>>)
      %dma_wait3A_847 = arith.constant 0 : i32
      %dma_wait3A_848 = tpu.memref_slice %arg6[%add3A_766, %dma_wait3A_847] : memref<8192x1024xf32, #tpu.memory_space<hbm>> -> memref<16x1024xf32, #tpu.memory_space<hbm>>
      %dma_wait3A_849 = arith.constant 0 : i32
      %dma_wait3A_850 = tpu.memref_slice %arg6[%add3A_766, %dma_wait3A_849] : memref<8192x1024xf32, #tpu.memory_space<hbm>> -> memref<16x1024xf32, #tpu.memory_space<hbm>>
      tpu.wait_dma2 semaphore(%run_scoped3A : memref<!tpu.dma_semaphore, #tpu.memory_space<semaphore_mem>>) src(%arg13 : memref<16x1024xf32, #tpu.memory_space<vmem>>) dst(%dma_wait3A_850 : memref<16x1024xf32, #tpu.memory_space<hbm>>)
      tpu.yield
    }) : () -> ()
    %dma_start3A_767 = arith.constant 240 : i32
    %dma_start3A_768 = tpu.memref_slice %arg10[%dma_start3A_767] : memref<256xi32, #tpu.memory_space<vmem>> -> memref<16xi32, #tpu.memory_space<vmem>>
    %dma_start3A_769 = arith.constant 0 : i32
    %dma_start3A_770 = arith.constant 0 : i32
    %dma_start3A_771 = tpu.memref_slice %arg3[%dma_start3A_769, %dma_start3A_770] : memref<20000x1024xf32, #tpu.memory_space<hbm>> -> memref<20000x1024xf32, #tpu.memory_space<hbm>>
    tpu.enqueue_indirect_dma source(%dma_start3A_771 : memref<20000x1024xf32, #tpu.memory_space<hbm>>) target(%arg13 : memref<16x1024xf32, #tpu.memory_space<vmem>>) offsets(%dma_start3A_768 : memref<16xi32, #tpu.memory_space<vmem>>) semaphore(%arg16 : memref<!tpu.dma_semaphore, #tpu.memory_space<semaphore_mem>>)
    %dma_wait3A_772 = arith.constant 240 : i32
    %dma_wait3A_773 = tpu.memref_slice %arg10[%dma_wait3A_772] : memref<256xi32, #tpu.memory_space<vmem>> -> memref<16xi32, #tpu.memory_space<vmem>>
    %dma_wait3A_774 = arith.constant 0 : i32
    %dma_wait3A_775 = arith.constant 0 : i32
    %dma_wait3A_776 = tpu.memref_slice %arg3[%dma_wait3A_774, %dma_wait3A_775] : memref<20000x1024xf32, #tpu.memory_space<hbm>> -> memref<20000x1024xf32, #tpu.memory_space<hbm>>
    tpu.wait_indirect_dma semaphore(%arg16 : memref<!tpu.dma_semaphore, #tpu.memory_space<semaphore_mem>>) src(%dma_wait3A_776 : memref<20000x1024xf32, #tpu.memory_space<hbm>>) dst(%arg13 : memref<16x1024xf32, #tpu.memory_space<vmem>>)
    %add3A_777 = arith.constant 240 : i32
    %add3A_778 = arith.addi %mul3A_2, %add3A_777 : i32
    "tpu.region"() ({
      %run_scoped3A = tpu.sem_alloc : memref<!tpu.dma_semaphore, #tpu.memory_space<semaphore_mem>>
      %dma_start3A_843 = arith.constant 0 : i32
      %dma_start3A_844 = tpu.memref_slice %arg6[%add3A_778, %dma_start3A_843] : memref<8192x1024xf32, #tpu.memory_space<hbm>> -> memref<16x1024xf32, #tpu.memory_space<hbm>>
      %dma_start3A_845 = arith.constant 0 : i32
      %dma_start3A_846 = tpu.memref_slice %arg6[%add3A_778, %dma_start3A_845] : memref<8192x1024xf32, #tpu.memory_space<hbm>> -> memref<16x1024xf32, #tpu.memory_space<hbm>>
      tpu.enqueue_dma source(%arg13 : memref<16x1024xf32, #tpu.memory_space<vmem>>) target(%dma_start3A_846 : memref<16x1024xf32, #tpu.memory_space<hbm>>) target_semaphore(%run_scoped3A : memref<!tpu.dma_semaphore, #tpu.memory_space<semaphore_mem>>)
      %dma_wait3A_847 = arith.constant 0 : i32
      %dma_wait3A_848 = tpu.memref_slice %arg6[%add3A_778, %dma_wait3A_847] : memref<8192x1024xf32, #tpu.memory_space<hbm>> -> memref<16x1024xf32, #tpu.memory_space<hbm>>
      %dma_wait3A_849 = arith.constant 0 : i32
      %dma_wait3A_850 = tpu.memref_slice %arg6[%add3A_778, %dma_wait3A_849] : memref<8192x1024xf32, #tpu.memory_space<hbm>> -> memref<16x1024xf32, #tpu.memory_space<hbm>>
      tpu.wait_dma2 semaphore(%run_scoped3A : memref<!tpu.dma_semaphore, #tpu.memory_space<semaphore_mem>>) src(%arg13 : memref<16x1024xf32, #tpu.memory_space<vmem>>) dst(%dma_wait3A_850 : memref<16x1024xf32, #tpu.memory_space<hbm>>)
      tpu.yield
    }) : () -> ()
    %dma_start3A_779 = arith.constant 0 : i32
    %dma_start3A_780 = arith.constant 0 : i32
    %dma_start3A_781 = tpu.memref_slice %arg14[%dma_start3A_779, %dma_start3A_780] : memref<256x256xf32, #tpu.memory_space<vmem>> -> memref<128x256xf32, #tpu.memory_space<vmem>>
    %dma_start3A_782 = arith.constant 0 : i32
    %dma_start3A_783 = tpu.memref_slice %arg11[%dma_start3A_782] : memref<256xi32, #tpu.memory_space<vmem>> -> memref<128xi32, #tpu.memory_space<vmem>>
    %dma_start3A_784 = arith.constant 0 : i32
    %dma_start3A_785 = arith.constant 0 : i32
    %dma_start3A_786 = tpu.memref_slice %arg4[%dma_start3A_784, %dma_start3A_785] : memref<40000x256xf32, #tpu.memory_space<hbm>> -> memref<40000x256xf32, #tpu.memory_space<hbm>>
    tpu.enqueue_indirect_dma source(%dma_start3A_786 : memref<40000x256xf32, #tpu.memory_space<hbm>>) target(%dma_start3A_781 : memref<128x256xf32, #tpu.memory_space<vmem>>) offsets(%dma_start3A_783 : memref<128xi32, #tpu.memory_space<vmem>>) semaphore(%arg16 : memref<!tpu.dma_semaphore, #tpu.memory_space<semaphore_mem>>)
    %dma_wait3A_787 = arith.constant 0 : i32
    %dma_wait3A_788 = arith.constant 0 : i32
    %dma_wait3A_789 = tpu.memref_slice %arg14[%dma_wait3A_787, %dma_wait3A_788] : memref<256x256xf32, #tpu.memory_space<vmem>> -> memref<128x256xf32, #tpu.memory_space<vmem>>
    %dma_wait3A_790 = arith.constant 0 : i32
    %dma_wait3A_791 = tpu.memref_slice %arg11[%dma_wait3A_790] : memref<256xi32, #tpu.memory_space<vmem>> -> memref<128xi32, #tpu.memory_space<vmem>>
    %dma_wait3A_792 = arith.constant 0 : i32
    %dma_wait3A_793 = arith.constant 0 : i32
    %dma_wait3A_794 = tpu.memref_slice %arg4[%dma_wait3A_792, %dma_wait3A_793] : memref<40000x256xf32, #tpu.memory_space<hbm>> -> memref<40000x256xf32, #tpu.memory_space<hbm>>
    tpu.wait_indirect_dma semaphore(%arg16 : memref<!tpu.dma_semaphore, #tpu.memory_space<semaphore_mem>>) src(%dma_wait3A_794 : memref<40000x256xf32, #tpu.memory_space<hbm>>) dst(%dma_wait3A_789 : memref<128x256xf32, #tpu.memory_space<vmem>>)
    %dma_start3A_795 = arith.constant 0 : i32
    %dma_start3A_796 = arith.constant 0 : i32
    %dma_start3A_797 = tpu.memref_slice %arg15[%dma_start3A_795, %dma_start3A_796] : memref<256x128xf32, #tpu.memory_space<vmem>> -> memref<128x128xf32, #tpu.memory_space<vmem>>
    %dma_start3A_798 = arith.constant 0 : i32
    %dma_start3A_799 = tpu.memref_slice %arg12[%dma_start3A_798] : memref<256xi32, #tpu.memory_space<vmem>> -> memref<128xi32, #tpu.memory_space<vmem>>
    %dma_start3A_800 = arith.constant 0 : i32
    %dma_start3A_801 = arith.constant 0 : i32
    %dma_start3A_802 = tpu.memref_slice %arg5[%dma_start3A_800, %dma_start3A_801] : memref<40000x128xf32, #tpu.memory_space<hbm>> -> memref<40000x128xf32, #tpu.memory_space<hbm>>
    tpu.enqueue_indirect_dma source(%dma_start3A_802 : memref<40000x128xf32, #tpu.memory_space<hbm>>) target(%dma_start3A_797 : memref<128x128xf32, #tpu.memory_space<vmem>>) offsets(%dma_start3A_799 : memref<128xi32, #tpu.memory_space<vmem>>) semaphore(%arg16 : memref<!tpu.dma_semaphore, #tpu.memory_space<semaphore_mem>>)
    %dma_wait3A_803 = arith.constant 0 : i32
    %dma_wait3A_804 = arith.constant 0 : i32
    %dma_wait3A_805 = tpu.memref_slice %arg15[%dma_wait3A_803, %dma_wait3A_804] : memref<256x128xf32, #tpu.memory_space<vmem>> -> memref<128x128xf32, #tpu.memory_space<vmem>>
    %dma_wait3A_806 = arith.constant 0 : i32
    %dma_wait3A_807 = tpu.memref_slice %arg12[%dma_wait3A_806] : memref<256xi32, #tpu.memory_space<vmem>> -> memref<128xi32, #tpu.memory_space<vmem>>
    %dma_wait3A_808 = arith.constant 0 : i32
    %dma_wait3A_809 = arith.constant 0 : i32
    %dma_wait3A_810 = tpu.memref_slice %arg5[%dma_wait3A_808, %dma_wait3A_809] : memref<40000x128xf32, #tpu.memory_space<hbm>> -> memref<40000x128xf32, #tpu.memory_space<hbm>>
    tpu.wait_indirect_dma semaphore(%arg16 : memref<!tpu.dma_semaphore, #tpu.memory_space<semaphore_mem>>) src(%dma_wait3A_810 : memref<40000x128xf32, #tpu.memory_space<hbm>>) dst(%dma_wait3A_805 : memref<128x128xf32, #tpu.memory_space<vmem>>)
    %dma_start3A_811 = arith.constant 128 : i32
    %dma_start3A_812 = arith.constant 0 : i32
    %dma_start3A_813 = tpu.memref_slice %arg14[%dma_start3A_811, %dma_start3A_812] : memref<256x256xf32, #tpu.memory_space<vmem>> -> memref<128x256xf32, #tpu.memory_space<vmem>>
    %dma_start3A_814 = arith.constant 128 : i32
    %dma_start3A_815 = tpu.memref_slice %arg11[%dma_start3A_814] : memref<256xi32, #tpu.memory_space<vmem>> -> memref<128xi32, #tpu.memory_space<vmem>>
    %dma_start3A_816 = arith.constant 0 : i32
    %dma_start3A_817 = arith.constant 0 : i32
    %dma_start3A_818 = tpu.memref_slice %arg4[%dma_start3A_816, %dma_start3A_817] : memref<40000x256xf32, #tpu.memory_space<hbm>> -> memref<40000x256xf32, #tpu.memory_space<hbm>>
    tpu.enqueue_indirect_dma source(%dma_start3A_818 : memref<40000x256xf32, #tpu.memory_space<hbm>>) target(%dma_start3A_813 : memref<128x256xf32, #tpu.memory_space<vmem>>) offsets(%dma_start3A_815 : memref<128xi32, #tpu.memory_space<vmem>>) semaphore(%arg16 : memref<!tpu.dma_semaphore, #tpu.memory_space<semaphore_mem>>)
    %dma_wait3A_819 = arith.constant 128 : i32
    %dma_wait3A_820 = arith.constant 0 : i32
    %dma_wait3A_821 = tpu.memref_slice %arg14[%dma_wait3A_819, %dma_wait3A_820] : memref<256x256xf32, #tpu.memory_space<vmem>> -> memref<128x256xf32, #tpu.memory_space<vmem>>
    %dma_wait3A_822 = arith.constant 128 : i32
    %dma_wait3A_823 = tpu.memref_slice %arg11[%dma_wait3A_822] : memref<256xi32, #tpu.memory_space<vmem>> -> memref<128xi32, #tpu.memory_space<vmem>>
    %dma_wait3A_824 = arith.constant 0 : i32
    %dma_wait3A_825 = arith.constant 0 : i32
    %dma_wait3A_826 = tpu.memref_slice %arg4[%dma_wait3A_824, %dma_wait3A_825] : memref<40000x256xf32, #tpu.memory_space<hbm>> -> memref<40000x256xf32, #tpu.memory_space<hbm>>
    tpu.wait_indirect_dma semaphore(%arg16 : memref<!tpu.dma_semaphore, #tpu.memory_space<semaphore_mem>>) src(%dma_wait3A_826 : memref<40000x256xf32, #tpu.memory_space<hbm>>) dst(%dma_wait3A_821 : memref<128x256xf32, #tpu.memory_space<vmem>>)
    %dma_start3A_827 = arith.constant 128 : i32
    %dma_start3A_828 = arith.constant 0 : i32
    %dma_start3A_829 = tpu.memref_slice %arg15[%dma_start3A_827, %dma_start3A_828] : memref<256x128xf32, #tpu.memory_space<vmem>> -> memref<128x128xf32, #tpu.memory_space<vmem>>
    %dma_start3A_830 = arith.constant 128 : i32
    %dma_start3A_831 = tpu.memref_slice %arg12[%dma_start3A_830] : memref<256xi32, #tpu.memory_space<vmem>> -> memref<128xi32, #tpu.memory_space<vmem>>
    %dma_start3A_832 = arith.constant 0 : i32
    %dma_start3A_833 = arith.constant 0 : i32
    %dma_start3A_834 = tpu.memref_slice %arg5[%dma_start3A_832, %dma_start3A_833] : memref<40000x128xf32, #tpu.memory_space<hbm>> -> memref<40000x128xf32, #tpu.memory_space<hbm>>
    tpu.enqueue_indirect_dma source(%dma_start3A_834 : memref<40000x128xf32, #tpu.memory_space<hbm>>) target(%dma_start3A_829 : memref<128x128xf32, #tpu.memory_space<vmem>>) offsets(%dma_start3A_831 : memref<128xi32, #tpu.memory_space<vmem>>) semaphore(%arg16 : memref<!tpu.dma_semaphore, #tpu.memory_space<semaphore_mem>>)
    %dma_wait3A_835 = arith.constant 128 : i32
    %dma_wait3A_836 = arith.constant 0 : i32
    %dma_wait3A_837 = tpu.memref_slice %arg15[%dma_wait3A_835, %dma_wait3A_836] : memref<256x128xf32, #tpu.memory_space<vmem>> -> memref<128x128xf32, #tpu.memory_space<vmem>>
    %dma_wait3A_838 = arith.constant 128 : i32
    %dma_wait3A_839 = tpu.memref_slice %arg12[%dma_wait3A_838] : memref<256xi32, #tpu.memory_space<vmem>> -> memref<128xi32, #tpu.memory_space<vmem>>
    %dma_wait3A_840 = arith.constant 0 : i32
    %dma_wait3A_841 = arith.constant 0 : i32
    %dma_wait3A_842 = tpu.memref_slice %arg5[%dma_wait3A_840, %dma_wait3A_841] : memref<40000x128xf32, #tpu.memory_space<hbm>> -> memref<40000x128xf32, #tpu.memory_space<hbm>>
    tpu.wait_indirect_dma semaphore(%arg16 : memref<!tpu.dma_semaphore, #tpu.memory_space<semaphore_mem>>) src(%dma_wait3A_842 : memref<40000x128xf32, #tpu.memory_space<hbm>>) dst(%dma_wait3A_837 : memref<128x128xf32, #tpu.memory_space<vmem>>)
    "tpu.region"() ({
      %run_scoped3A = tpu.sem_alloc : memref<!tpu.dma_semaphore, #tpu.memory_space<semaphore_mem>>
      %dma_start3A_843 = arith.constant 0 : i32
      %dma_start3A_844 = tpu.memref_slice %arg7[%mul3A_2, %dma_start3A_843] : memref<8192x256xf32, #tpu.memory_space<hbm>> -> memref<256x256xf32, #tpu.memory_space<hbm>>
      %dma_start3A_845 = arith.constant 0 : i32
      %dma_start3A_846 = tpu.memref_slice %arg7[%mul3A_2, %dma_start3A_845] : memref<8192x256xf32, #tpu.memory_space<hbm>> -> memref<256x256xf32, #tpu.memory_space<hbm>>
      tpu.enqueue_dma source(%arg14 : memref<256x256xf32, #tpu.memory_space<vmem>>) target(%dma_start3A_846 : memref<256x256xf32, #tpu.memory_space<hbm>>) target_semaphore(%run_scoped3A : memref<!tpu.dma_semaphore, #tpu.memory_space<semaphore_mem>>)
      %dma_wait3A_847 = arith.constant 0 : i32
      %dma_wait3A_848 = tpu.memref_slice %arg7[%mul3A_2, %dma_wait3A_847] : memref<8192x256xf32, #tpu.memory_space<hbm>> -> memref<256x256xf32, #tpu.memory_space<hbm>>
      %dma_wait3A_849 = arith.constant 0 : i32
      %dma_wait3A_850 = tpu.memref_slice %arg7[%mul3A_2, %dma_wait3A_849] : memref<8192x256xf32, #tpu.memory_space<hbm>> -> memref<256x256xf32, #tpu.memory_space<hbm>>
      tpu.wait_dma2 semaphore(%run_scoped3A : memref<!tpu.dma_semaphore, #tpu.memory_space<semaphore_mem>>) src(%arg14 : memref<256x256xf32, #tpu.memory_space<vmem>>) dst(%dma_wait3A_850 : memref<256x256xf32, #tpu.memory_space<hbm>>)
      tpu.yield
    }) : () -> ()
    "tpu.region"() ({
      %run_scoped3A = tpu.sem_alloc : memref<!tpu.dma_semaphore, #tpu.memory_space<semaphore_mem>>
      %dma_start3A_843 = arith.constant 0 : i32
      %dma_start3A_844 = tpu.memref_slice %arg8[%mul3A_2, %dma_start3A_843] : memref<8192x128xf32, #tpu.memory_space<hbm>> -> memref<256x128xf32, #tpu.memory_space<hbm>>
      %dma_start3A_845 = arith.constant 0 : i32
      %dma_start3A_846 = tpu.memref_slice %arg8[%mul3A_2, %dma_start3A_845] : memref<8192x128xf32, #tpu.memory_space<hbm>> -> memref<256x128xf32, #tpu.memory_space<hbm>>
      tpu.enqueue_dma source(%arg15 : memref<256x128xf32, #tpu.memory_space<vmem>>) target(%dma_start3A_846 : memref<256x128xf32, #tpu.memory_space<hbm>>) target_semaphore(%run_scoped3A : memref<!tpu.dma_semaphore, #tpu.memory_space<semaphore_mem>>)
      %dma_wait3A_847 = arith.constant 0 : i32
      %dma_wait3A_848 = tpu.memref_slice %arg8[%mul3A_2, %dma_wait3A_847] : memref<8192x128xf32, #tpu.memory_space<hbm>> -> memref<256x128xf32, #tpu.memory_space<hbm>>
      %dma_wait3A_849 = arith.constant 0 : i32
      %dma_wait3A_850 = tpu.memref_slice %arg8[%mul3A_2, %dma_wait3A_849] : memref<8192x128xf32, #tpu.memory_space<hbm>> -> memref<256x128xf32, #tpu.memory_space<hbm>>
      tpu.wait_dma2 semaphore(%run_scoped3A : memref<!tpu.dma_semaphore, #tpu.memory_space<semaphore_mem>>) src(%arg15 : memref<256x128xf32, #tpu.memory_space<vmem>>) dst(%dma_wait3A_850 : memref<256x128xf32, #tpu.memory_space<hbm>>)
      tpu.yield
    }) : () -> ()
    return
  }
}

module attributes {stable_mosaic.version = 14 : i64} {
  func.func @_proj_body(%arg0: i32, %arg1: memref<1024x1024xbf16, #tpu.memory_space<vmem>>, %arg2: memref<1024x1024xbf16, #tpu.memory_space<vmem>>, %arg3: memref<1024x256xbf16, #tpu.memory_space<vmem>>, %arg4: memref<1024x64xbf16, #tpu.memory_space<vmem>>, %arg5: memref<1024x1024xbf16, #tpu.memory_space<vmem>>, %arg6: memref<1024x256xbf16, #tpu.memory_space<vmem>>, %arg7: memref<1024x64xbf16, #tpu.memory_space<vmem>>) attributes {dimension_semantics = [#tpu.dimension_semantics<arbitrary>], iteration_bounds = array<i64: 8>, scalar_prefetch = 0 : i64, scratch_operands = 0 : i64, tpu.core_type = #tpu.core_type<tc>, window_params = [{transform_indices = @transform_0, window_bounds = array<i64: 1024, 1024>}, {pipeline_mode = #tpu.pipeline_mode<synchronous>, transform_indices = @transform_1, window_bounds = array<i64: 1024, 1024>}, {pipeline_mode = #tpu.pipeline_mode<synchronous>, transform_indices = @transform_2, window_bounds = array<i64: 1024, 256>}, {pipeline_mode = #tpu.pipeline_mode<synchronous>, transform_indices = @transform_3, window_bounds = array<i64: 1024, 64>}, {transform_indices = @transform_4, window_bounds = array<i64: 1024, 1024>}, {transform_indices = @transform_5, window_bounds = array<i64: 1024, 256>}, {transform_indices = @transform_6, window_bounds = array<i64: 1024, 64>}]} {
    %get3A = arith.constant 0 : index
    %get3A_0 = arith.constant 0 : index
    %get3A_1 = vector.load %arg1[%get3A, %get3A_0] : memref<1024x1024xbf16, #tpu.memory_space<vmem>>, vector<1024x1024xbf16>
    %get3A_2 = arith.constant 0 : index
    %get3A_3 = arith.constant 0 : index
    %get3A_4 = vector.load %arg2[%get3A_2, %get3A_3] : memref<1024x1024xbf16, #tpu.memory_space<vmem>>, vector<1024x1024xbf16>
    %dot_general3A = arith.constant dense<0.000000e+00> : vector<1024x1024xf32>
    %dot_general3A_5 = tpu.matmul %get3A_1, %get3A_4, %dot_general3A {dimension_numbers = #tpu.dot_dimension_numbers<[1], [0], [0], [1], [0, 0, 1, 1], [], []>, transpose_lhs_hint = false} : vector<1024x1024xbf16>, vector<1024x1024xbf16>, vector<1024x1024xf32> -> vector<1024x1024xf32>
    %convert_element_type3A = arith.truncf %dot_general3A_5 : vector<1024x1024xf32> to vector<1024x1024xbf16>
    %swap3A = arith.constant 0 : index
    %swap3A_6 = arith.constant 0 : index
    %swap3A_7 = vector.load %arg5[%swap3A, %swap3A_6] : memref<1024x1024xbf16, #tpu.memory_space<vmem>>, vector<1024x1024xbf16>
    tpu.vector_store %arg5[%swap3A, %swap3A_6], %convert_element_type3A {strides = array<i32>} : memref<1024x1024xbf16, #tpu.memory_space<vmem>>, vector<1024x1024xbf16>,
    %get3A_8 = arith.constant 0 : index
    %get3A_9 = arith.constant 0 : index
    %get3A_10 = vector.load %arg3[%get3A_8, %get3A_9] : memref<1024x256xbf16, #tpu.memory_space<vmem>>, vector<1024x256xbf16>
    %dot_general3A_11 = arith.constant dense<0.000000e+00> : vector<1024x256xf32>
    %dot_general3A_12 = tpu.matmul %get3A_1, %get3A_10, %dot_general3A_11 {dimension_numbers = #tpu.dot_dimension_numbers<[1], [0], [0], [1], [0, 0, 1, 1], [], []>, transpose_lhs_hint = false} : vector<1024x1024xbf16>, vector<1024x256xbf16>, vector<1024x256xf32> -> vector<1024x256xf32>
    %convert_element_type3A_13 = arith.truncf %dot_general3A_12 : vector<1024x256xf32> to vector<1024x256xbf16>
    %swap3A_14 = arith.constant 0 : index
    %swap3A_15 = arith.constant 0 : index
    %swap3A_16 = vector.load %arg6[%swap3A_14, %swap3A_15] : memref<1024x256xbf16, #tpu.memory_space<vmem>>, vector<1024x256xbf16>
    tpu.vector_store %arg6[%swap3A_14, %swap3A_15], %convert_element_type3A_13 {strides = array<i32>} : memref<1024x256xbf16, #tpu.memory_space<vmem>>, vector<1024x256xbf16>,
    %get3A_17 = arith.constant 0 : index
    %get3A_18 = arith.constant 0 : index
    %get3A_19 = vector.load %arg4[%get3A_17, %get3A_18] : memref<1024x64xbf16, #tpu.memory_space<vmem>>, vector<1024x64xbf16>
    %dot_general3A_20 = arith.constant dense<0.000000e+00> : vector<1024x64xf32>
    %dot_general3A_21 = tpu.matmul %get3A_1, %get3A_19, %dot_general3A_20 {dimension_numbers = #tpu.dot_dimension_numbers<[1], [0], [0], [1], [0, 0, 1, 1], [], []>, transpose_lhs_hint = false} : vector<1024x1024xbf16>, vector<1024x64xbf16>, vector<1024x64xf32> -> vector<1024x64xf32>
    %convert_element_type3A_22 = arith.truncf %dot_general3A_21 : vector<1024x64xf32> to vector<1024x64xbf16>
    %swap3A_23 = arith.constant 0 : index
    %swap3A_24 = arith.constant 0 : index
    %swap3A_25 = vector.load %arg7[%swap3A_23, %swap3A_24] : memref<1024x64xbf16, #tpu.memory_space<vmem>>, vector<1024x64xbf16>
    tpu.vector_store %arg7[%swap3A_23, %swap3A_24], %convert_element_type3A_22 {strides = array<i32>} : memref<1024x64xbf16, #tpu.memory_space<vmem>>, vector<1024x64xbf16>,
    return
  }
  func.func @transform_0(%arg0: i32) -> (i32, i32) {
    %c0_i32 = arith.constant 0 : i32
    %c0_i32_0 = arith.constant 0 : i32
    return %arg0, %c0_i32 : i32, i32
  }
  func.func @transform_1(%arg0: i32) -> (i32, i32) {
    %c0_i32 = arith.constant 0 : i32
    %c0_i32_0 = arith.constant 0 : i32
    %c0_i32_1 = arith.constant 0 : i32
    return %c0_i32, %c0_i32_0 : i32, i32
  }
  func.func @transform_2(%arg0: i32) -> (i32, i32) {
    %c0_i32 = arith.constant 0 : i32
    %c0_i32_0 = arith.constant 0 : i32
    %c0_i32_1 = arith.constant 0 : i32
    return %c0_i32, %c0_i32_0 : i32, i32
  }
  func.func @transform_3(%arg0: i32) -> (i32, i32) {
    %c0_i32 = arith.constant 0 : i32
    %c0_i32_0 = arith.constant 0 : i32
    %c0_i32_1 = arith.constant 0 : i32
    return %c0_i32, %c0_i32_0 : i32, i32
  }
  func.func @transform_4(%arg0: i32) -> (i32, i32) {
    %c0_i32 = arith.constant 0 : i32
    %c0_i32_0 = arith.constant 0 : i32
    return %arg0, %c0_i32 : i32, i32
  }
  func.func @transform_5(%arg0: i32) -> (i32, i32) {
    %c0_i32 = arith.constant 0 : i32
    %c0_i32_0 = arith.constant 0 : i32
    return %arg0, %c0_i32 : i32, i32
  }
  func.func @transform_6(%arg0: i32) -> (i32, i32) {
    %c0_i32 = arith.constant 0 : i32
    %c0_i32_0 = arith.constant 0 : i32
    return %arg0, %c0_i32 : i32, i32
  }
}

module attributes {stable_mosaic.version = 14 : i64} {
  func.func @body(%arg0: i32, %arg1: i32, %arg2: memref<4096x256xbf16, #tpu.memory_space<vmem>>, %arg3: memref<1024x256xbf16, #tpu.memory_space<vmem>>, %arg4: memref<1x1024xf32, #tpu.memory_space<vmem>>, %arg5: memref<4096x1xf32, #tpu.memory_space<vmem>>, %arg6: memref<4096x1xf32, #tpu.memory_space<vmem>>) attributes {dimension_semantics = [#tpu.dimension_semantics<arbitrary>, #tpu.dimension_semantics<arbitrary>], iteration_bounds = array<i64: 2, 40>, scalar_prefetch = 0 : i64, scratch_operands = 1 : i64, tpu.core_type = #tpu.core_type<tc>, window_params = [{transform_indices = @transform_0, window_bounds = array<i64: 4096, 256>}, {transform_indices = @transform_1, window_bounds = array<i64: 1024, 256>}, {transform_indices = @transform_2, window_bounds = array<i64: 1, 1024>}, {transform_indices = @transform_3, window_bounds = array<i64: 4096, 1>}]} {
    %eq3A = arith.constant 0 : i32
    %eq3A_0 = arith.cmpi eq, %arg1, %eq3A : i32
    %convert_element_type3A = arith.extui %eq3A_0 : i1 to i32
    %cond3A = arith.constant 0 : i32
    %cond3A_1 = arith.cmpi ne, %convert_element_type3A, %cond3A : i32
    scf.if %cond3A_1 {
      %broadcast_in_dim3A = arith.constant 0.000000e+00 : f32
      %broadcast_in_dim3A_11 = vector.broadcast %broadcast_in_dim3A : f32 to vector<4096x1xf32>
      %swap3A = arith.constant 0 : index
      %swap3A_12 = arith.constant 0 : index
      %swap3A_13 = vector.load %arg6[%swap3A, %swap3A_12] : memref<4096x1xf32, #tpu.memory_space<vmem>>, vector<4096x1xf32>
      tpu.vector_store %arg6[%swap3A, %swap3A_12], %broadcast_in_dim3A_11 {strides = array<i32>} : memref<4096x1xf32, #tpu.memory_space<vmem>>, vector<4096x1xf32>,
    } else {
    }
    %lt3A = arith.constant 39 : i32
    %lt3A_2 = arith.cmpi slt, %arg1, %lt3A : i32
    %convert_element_type3A_3 = arith.extui %lt3A_2 : i1 to i32
    %cond3A_4 = arith.constant 0 : i32
    %cond3A_5 = arith.cmpi ne, %convert_element_type3A_3, %cond3A_4 : i32
    scf.if %cond3A_5 {
      %scan3A = arith.constant 0 : i32
      %scan3A_11 = arith.constant 8 : i32
      %scan3A_12 = arith.addi %scan3A, %scan3A_11 : i32
      %scan3A_13 = arith.constant 1 : i32
      scf.for %scan3A_15 = %scan3A to %scan3A_12 step %scan3A_13  : i32 {
        %mul3A = arith.constant 512 : i32
        %mul3A_16 = arith.muli %scan3A_15, %mul3A : i32
        %get3A = arith.index_cast %mul3A_16 : i32 to index
        %get3A_17 = arith.constant 0 : index
        %get3A_18 = vector.load %arg2[%get3A, %get3A_17] : memref<4096x256xbf16, #tpu.memory_space<vmem>>, vector<512x256xbf16>
        %get3A_19 = arith.constant 0 : index
        %get3A_20 = arith.constant 0 : index
        %get3A_21 = vector.load %arg3[%get3A_19, %get3A_20] : memref<1024x256xbf16, #tpu.memory_space<vmem>>, vector<1024x256xbf16>
        %dot_general3A = arith.constant dense<0.000000e+00> : vector<512x1024xf32>
        %dot_general3A_22 = tpu.matmul %get3A_18, %get3A_21, %dot_general3A {dimension_numbers = #tpu.dot_dimension_numbers<[1], [1], [0], [0], [0, 0, 1, 0], [], []>, transpose_lhs_hint = false} : vector<512x256xbf16>, vector<1024x256xbf16>, vector<512x1024xf32> -> vector<512x1024xf32>
        %get3A_23 = arith.constant 0 : index
        %get3A_24 = arith.constant 0 : index
        %get3A_25 = vector.load %arg4[%get3A_23, %get3A_24] : memref<1x1024xf32, #tpu.memory_space<vmem>>, vector<1x1024xf32>
        %add3A = vector.broadcast %get3A_25 : vector<1x1024xf32> to vector<512x1024xf32>
        %add3A_26 = arith.addf %dot_general3A_22, %add3A : vector<512x1024xf32>
        %exp3A = math.exp %add3A_26 : vector<512x1024xf32>
        %get3A_27 = arith.index_cast %mul3A_16 : i32 to index
        %get3A_28 = arith.constant 0 : index
        %get3A_29 = vector.load %arg6[%get3A_27, %get3A_28] : memref<4096x1xf32, #tpu.memory_space<vmem>>, vector<512x1xf32>
        %reduce_sum3A = arith.constant dense<0.000000e+00> : vector<512xf32>
        %reduce_sum3A_30 = vector.multi_reduction <add>, %exp3A, %reduce_sum3A [1] : vector<512x1024xf32> to vector<512xf32>
        %broadcast_in_dim3A = vector.shape_cast %reduce_sum3A_30 : vector<512xf32> to vector<512x1xf32>
        %add3A_31 = arith.addf %get3A_29, %broadcast_in_dim3A : vector<512x1xf32>
        %swap3A = arith.index_cast %mul3A_16 : i32 to index
        %swap3A_32 = arith.constant 0 : index
        %swap3A_33 = vector.load %arg6[%swap3A, %swap3A_32] : memref<4096x1xf32, #tpu.memory_space<vmem>>, vector<512x1xf32>
        tpu.vector_store %arg6[%swap3A, %swap3A_32], %add3A_31 {strides = array<i32>} : memref<4096x1xf32, #tpu.memory_space<vmem>>, vector<512x1xf32>,
      }
      %scan3A_14 = arith.constant 8 : i32
    } else {
    }
    %eq3A_6 = arith.constant 39 : i32
    %eq3A_7 = arith.cmpi eq, %arg1, %eq3A_6 : i32
    %convert_element_type3A_8 = arith.extui %eq3A_7 : i1 to i32
    %cond3A_9 = arith.constant 0 : i32
    %cond3A_10 = arith.cmpi ne, %convert_element_type3A_8, %cond3A_9 : i32
    scf.if %cond3A_10 {
      %scan3A = arith.constant 0 : i32
      %scan3A_11 = arith.constant 8 : i32
      %scan3A_12 = arith.addi %scan3A, %scan3A_11 : i32
      %scan3A_13 = arith.constant 1 : i32
      scf.for %scan3A_19 = %scan3A to %scan3A_12 step %scan3A_13  : i32 {
        %mul3A = arith.constant 512 : i32
        %mul3A_20 = arith.muli %scan3A_19, %mul3A : i32
        %get3A_21 = arith.index_cast %mul3A_20 : i32 to index
        %get3A_22 = arith.constant 0 : index
        %get3A_23 = vector.load %arg2[%get3A_21, %get3A_22] : memref<4096x256xbf16, #tpu.memory_space<vmem>>, vector<512x256xbf16>
        %get3A_24 = arith.constant 0 : index
        %get3A_25 = arith.constant 0 : index
        %get3A_26 = vector.load %arg3[%get3A_24, %get3A_25] : memref<1024x256xbf16, #tpu.memory_space<vmem>>, vector<1024x256xbf16>
        %dot_general3A = arith.constant dense<0.000000e+00> : vector<512x1024xf32>
        %dot_general3A_27 = tpu.matmul %get3A_23, %get3A_26, %dot_general3A {dimension_numbers = #tpu.dot_dimension_numbers<[1], [1], [0], [0], [0, 0, 1, 0], [], []>, transpose_lhs_hint = false} : vector<512x256xbf16>, vector<1024x256xbf16>, vector<512x1024xf32> -> vector<512x1024xf32>
        %get3A_28 = arith.constant 0 : index
        %get3A_29 = arith.constant 0 : index
        %get3A_30 = vector.load %arg4[%get3A_28, %get3A_29] : memref<1x1024xf32, #tpu.memory_space<vmem>>, vector<1x1024xf32>
        %add3A = vector.broadcast %get3A_30 : vector<1x1024xf32> to vector<512x1024xf32>
        %add3A_31 = arith.addf %dot_general3A_27, %add3A : vector<512x1024xf32>
        %mul3A_32 = arith.constant 1024 : i32
        %mul3A_33 = arith.muli %arg1, %mul3A_32 : i32
        %iota3A = tpu.iota {dimensions = array<i32: 1>} : vector<512x1024xi32>
        %add3A_34 = vector.broadcast %mul3A_33 : i32 to vector<512x1024xi32>
        %add3A_35 = arith.addi %add3A_34, %iota3A : vector<512x1024xi32>
        %lt3A_36 = arith.constant 40000 : i32
        %lt3A_37 = vector.broadcast %lt3A_36 : i32 to vector<512x1024xi32>
        %lt3A_38 = arith.cmpi slt, %add3A_35, %lt3A_37 : vector<512x1024xi32>
        %jit3A = arith.constant -1.000000e+30 : f32
        %broadcast_in_dim3A = vector.broadcast %jit3A : f32 to vector<512x1024xf32>
        %select_n3A = arith.select %lt3A_38, %add3A_31, %broadcast_in_dim3A : vector<512x1024xi1>, vector<512x1024xf32>
        %exp3A = math.exp %select_n3A : vector<512x1024xf32>
        %get3A_39 = arith.index_cast %mul3A_20 : i32 to index
        %get3A_40 = arith.constant 0 : index
        %get3A_41 = vector.load %arg6[%get3A_39, %get3A_40] : memref<4096x1xf32, #tpu.memory_space<vmem>>, vector<512x1xf32>
        %reduce_sum3A = arith.constant dense<0.000000e+00> : vector<512xf32>
        %reduce_sum3A_42 = vector.multi_reduction <add>, %exp3A, %reduce_sum3A [1] : vector<512x1024xf32> to vector<512xf32>
        %broadcast_in_dim3A_43 = vector.shape_cast %reduce_sum3A_42 : vector<512xf32> to vector<512x1xf32>
        %add3A_44 = arith.addf %get3A_41, %broadcast_in_dim3A_43 : vector<512x1xf32>
        %swap3A_45 = arith.index_cast %mul3A_20 : i32 to index
        %swap3A_46 = arith.constant 0 : index
        %swap3A_47 = vector.load %arg6[%swap3A_45, %swap3A_46] : memref<4096x1xf32, #tpu.memory_space<vmem>>, vector<512x1xf32>
        tpu.vector_store %arg6[%swap3A_45, %swap3A_46], %add3A_44 {strides = array<i32>} : memref<4096x1xf32, #tpu.memory_space<vmem>>, vector<512x1xf32>,
      }
      %scan3A_14 = arith.constant 8 : i32
      %get3A = arith.constant 0 : index
      %get3A_15 = arith.constant 0 : index
      %get3A_16 = vector.load %arg6[%get3A, %get3A_15] : memref<4096x1xf32, #tpu.memory_space<vmem>>, vector<4096x1xf32>
      %log3A = math.log %get3A_16 : vector<4096x1xf32>
      %swap3A = arith.constant 0 : index
      %swap3A_17 = arith.constant 0 : index
      %swap3A_18 = vector.load %arg5[%swap3A, %swap3A_17] : memref<4096x1xf32, #tpu.memory_space<vmem>>, vector<4096x1xf32>
      tpu.vector_store %arg5[%swap3A, %swap3A_17], %log3A {strides = array<i32>} : memref<4096x1xf32, #tpu.memory_space<vmem>>, vector<4096x1xf32>,
    } else {
    }
    return
  }
  func.func @transform_0(%arg0: i32, %arg1: i32) -> (i32, i32) {
    %c0_i32 = arith.constant 0 : i32
    %c0_i32_0 = arith.constant 0 : i32
    return %arg0, %c0_i32 : i32, i32
  }
  func.func @transform_1(%arg0: i32, %arg1: i32) -> (i32, i32) {
    %c0_i32 = arith.constant 0 : i32
    %c0_i32_0 = arith.constant 0 : i32
    return %arg1, %c0_i32 : i32, i32
  }
  func.func @transform_2(%arg0: i32, %arg1: i32) -> (i32, i32) {
    %c0_i32 = arith.constant 0 : i32
    %c0_i32_0 = arith.constant 0 : i32
    return %c0_i32, %arg1 : i32, i32
  }
  func.func @transform_3(%arg0: i32, %arg1: i32) -> (i32, i32) {
    %c0_i32 = arith.constant 0 : i32
    %c0_i32_0 = arith.constant 0 : i32
    return %arg0, %c0_i32 : i32, i32
  }
}

module attributes {stable_mosaic.version = 14 : i64} {
  func.func @body(%arg0: i32, %arg1: i32, %arg2: memref<4096x64xbf16, #tpu.memory_space<vmem>>, %arg3: memref<1024x64xbf16, #tpu.memory_space<vmem>>, %arg4: memref<1x1024xf32, #tpu.memory_space<vmem>>, %arg5: memref<4096x1xf32, #tpu.memory_space<vmem>>, %arg6: memref<4096x1xf32, #tpu.memory_space<vmem>>) attributes {dimension_semantics = [#tpu.dimension_semantics<arbitrary>, #tpu.dimension_semantics<arbitrary>], iteration_bounds = array<i64: 2, 40>, scalar_prefetch = 0 : i64, scratch_operands = 1 : i64, tpu.core_type = #tpu.core_type<tc>, window_params = [{transform_indices = @transform_0, window_bounds = array<i64: 4096, 64>}, {transform_indices = @transform_1, window_bounds = array<i64: 1024, 64>}, {transform_indices = @transform_2, window_bounds = array<i64: 1, 1024>}, {transform_indices = @transform_3, window_bounds = array<i64: 4096, 1>}]} {
    %eq3A = arith.constant 0 : i32
    %eq3A_0 = arith.cmpi eq, %arg1, %eq3A : i32
    %convert_element_type3A = arith.extui %eq3A_0 : i1 to i32
    %cond3A = arith.constant 0 : i32
    %cond3A_1 = arith.cmpi ne, %convert_element_type3A, %cond3A : i32
    scf.if %cond3A_1 {
      %broadcast_in_dim3A = arith.constant 0.000000e+00 : f32
      %broadcast_in_dim3A_11 = vector.broadcast %broadcast_in_dim3A : f32 to vector<4096x1xf32>
      %swap3A = arith.constant 0 : index
      %swap3A_12 = arith.constant 0 : index
      %swap3A_13 = vector.load %arg6[%swap3A, %swap3A_12] : memref<4096x1xf32, #tpu.memory_space<vmem>>, vector<4096x1xf32>
      tpu.vector_store %arg6[%swap3A, %swap3A_12], %broadcast_in_dim3A_11 {strides = array<i32>} : memref<4096x1xf32, #tpu.memory_space<vmem>>, vector<4096x1xf32>,
    } else {
    }
    %lt3A = arith.constant 39 : i32
    %lt3A_2 = arith.cmpi slt, %arg1, %lt3A : i32
    %convert_element_type3A_3 = arith.extui %lt3A_2 : i1 to i32
    %cond3A_4 = arith.constant 0 : i32
    %cond3A_5 = arith.cmpi ne, %convert_element_type3A_3, %cond3A_4 : i32
    scf.if %cond3A_5 {
      %scan3A = arith.constant 0 : i32
      %scan3A_11 = arith.constant 8 : i32
      %scan3A_12 = arith.addi %scan3A, %scan3A_11 : i32
      %scan3A_13 = arith.constant 1 : i32
      scf.for %scan3A_15 = %scan3A to %scan3A_12 step %scan3A_13  : i32 {
        %mul3A = arith.constant 512 : i32
        %mul3A_16 = arith.muli %scan3A_15, %mul3A : i32
        %get3A = arith.index_cast %mul3A_16 : i32 to index
        %get3A_17 = arith.constant 0 : index
        %get3A_18 = vector.load %arg2[%get3A, %get3A_17] : memref<4096x64xbf16, #tpu.memory_space<vmem>>, vector<512x64xbf16>
        %get3A_19 = arith.constant 0 : index
        %get3A_20 = arith.constant 0 : index
        %get3A_21 = vector.load %arg3[%get3A_19, %get3A_20] : memref<1024x64xbf16, #tpu.memory_space<vmem>>, vector<1024x64xbf16>
        %dot_general3A = arith.constant dense<0.000000e+00> : vector<512x1024xf32>
        %dot_general3A_22 = tpu.matmul %get3A_18, %get3A_21, %dot_general3A {dimension_numbers = #tpu.dot_dimension_numbers<[1], [1], [0], [0], [0, 0, 1, 0], [], []>, transpose_lhs_hint = false} : vector<512x64xbf16>, vector<1024x64xbf16>, vector<512x1024xf32> -> vector<512x1024xf32>
        %get3A_23 = arith.constant 0 : index
        %get3A_24 = arith.constant 0 : index
        %get3A_25 = vector.load %arg4[%get3A_23, %get3A_24] : memref<1x1024xf32, #tpu.memory_space<vmem>>, vector<1x1024xf32>
        %add3A = vector.broadcast %get3A_25 : vector<1x1024xf32> to vector<512x1024xf32>
        %add3A_26 = arith.addf %dot_general3A_22, %add3A : vector<512x1024xf32>
        %exp3A = math.exp %add3A_26 : vector<512x1024xf32>
        %get3A_27 = arith.index_cast %mul3A_16 : i32 to index
        %get3A_28 = arith.constant 0 : index
        %get3A_29 = vector.load %arg6[%get3A_27, %get3A_28] : memref<4096x1xf32, #tpu.memory_space<vmem>>, vector<512x1xf32>
        %reduce_sum3A = arith.constant dense<0.000000e+00> : vector<512xf32>
        %reduce_sum3A_30 = vector.multi_reduction <add>, %exp3A, %reduce_sum3A [1] : vector<512x1024xf32> to vector<512xf32>
        %broadcast_in_dim3A = vector.shape_cast %reduce_sum3A_30 : vector<512xf32> to vector<512x1xf32>
        %add3A_31 = arith.addf %get3A_29, %broadcast_in_dim3A : vector<512x1xf32>
        %swap3A = arith.index_cast %mul3A_16 : i32 to index
        %swap3A_32 = arith.constant 0 : index
        %swap3A_33 = vector.load %arg6[%swap3A, %swap3A_32] : memref<4096x1xf32, #tpu.memory_space<vmem>>, vector<512x1xf32>
        tpu.vector_store %arg6[%swap3A, %swap3A_32], %add3A_31 {strides = array<i32>} : memref<4096x1xf32, #tpu.memory_space<vmem>>, vector<512x1xf32>,
      }
      %scan3A_14 = arith.constant 8 : i32
    } else {
    }
    %eq3A_6 = arith.constant 39 : i32
    %eq3A_7 = arith.cmpi eq, %arg1, %eq3A_6 : i32
    %convert_element_type3A_8 = arith.extui %eq3A_7 : i1 to i32
    %cond3A_9 = arith.constant 0 : i32
    %cond3A_10 = arith.cmpi ne, %convert_element_type3A_8, %cond3A_9 : i32
    scf.if %cond3A_10 {
      %scan3A = arith.constant 0 : i32
      %scan3A_11 = arith.constant 8 : i32
      %scan3A_12 = arith.addi %scan3A, %scan3A_11 : i32
      %scan3A_13 = arith.constant 1 : i32
      scf.for %scan3A_19 = %scan3A to %scan3A_12 step %scan3A_13  : i32 {
        %mul3A = arith.constant 512 : i32
        %mul3A_20 = arith.muli %scan3A_19, %mul3A : i32
        %get3A_21 = arith.index_cast %mul3A_20 : i32 to index
        %get3A_22 = arith.constant 0 : index
        %get3A_23 = vector.load %arg2[%get3A_21, %get3A_22] : memref<4096x64xbf16, #tpu.memory_space<vmem>>, vector<512x64xbf16>
        %get3A_24 = arith.constant 0 : index
        %get3A_25 = arith.constant 0 : index
        %get3A_26 = vector.load %arg3[%get3A_24, %get3A_25] : memref<1024x64xbf16, #tpu.memory_space<vmem>>, vector<1024x64xbf16>
        %dot_general3A = arith.constant dense<0.000000e+00> : vector<512x1024xf32>
        %dot_general3A_27 = tpu.matmul %get3A_23, %get3A_26, %dot_general3A {dimension_numbers = #tpu.dot_dimension_numbers<[1], [1], [0], [0], [0, 0, 1, 0], [], []>, transpose_lhs_hint = false} : vector<512x64xbf16>, vector<1024x64xbf16>, vector<512x1024xf32> -> vector<512x1024xf32>
        %get3A_28 = arith.constant 0 : index
        %get3A_29 = arith.constant 0 : index
        %get3A_30 = vector.load %arg4[%get3A_28, %get3A_29] : memref<1x1024xf32, #tpu.memory_space<vmem>>, vector<1x1024xf32>
        %add3A = vector.broadcast %get3A_30 : vector<1x1024xf32> to vector<512x1024xf32>
        %add3A_31 = arith.addf %dot_general3A_27, %add3A : vector<512x1024xf32>
        %mul3A_32 = arith.constant 1024 : i32
        %mul3A_33 = arith.muli %arg1, %mul3A_32 : i32
        %iota3A = tpu.iota {dimensions = array<i32: 1>} : vector<512x1024xi32>
        %add3A_34 = vector.broadcast %mul3A_33 : i32 to vector<512x1024xi32>
        %add3A_35 = arith.addi %add3A_34, %iota3A : vector<512x1024xi32>
        %lt3A_36 = arith.constant 40000 : i32
        %lt3A_37 = vector.broadcast %lt3A_36 : i32 to vector<512x1024xi32>
        %lt3A_38 = arith.cmpi slt, %add3A_35, %lt3A_37 : vector<512x1024xi32>
        %jit3A = arith.constant -1.000000e+30 : f32
        %broadcast_in_dim3A = vector.broadcast %jit3A : f32 to vector<512x1024xf32>
        %select_n3A = arith.select %lt3A_38, %add3A_31, %broadcast_in_dim3A : vector<512x1024xi1>, vector<512x1024xf32>
        %exp3A = math.exp %select_n3A : vector<512x1024xf32>
        %get3A_39 = arith.index_cast %mul3A_20 : i32 to index
        %get3A_40 = arith.constant 0 : index
        %get3A_41 = vector.load %arg6[%get3A_39, %get3A_40] : memref<4096x1xf32, #tpu.memory_space<vmem>>, vector<512x1xf32>
        %reduce_sum3A = arith.constant dense<0.000000e+00> : vector<512xf32>
        %reduce_sum3A_42 = vector.multi_reduction <add>, %exp3A, %reduce_sum3A [1] : vector<512x1024xf32> to vector<512xf32>
        %broadcast_in_dim3A_43 = vector.shape_cast %reduce_sum3A_42 : vector<512xf32> to vector<512x1xf32>
        %add3A_44 = arith.addf %get3A_41, %broadcast_in_dim3A_43 : vector<512x1xf32>
        %swap3A_45 = arith.index_cast %mul3A_20 : i32 to index
        %swap3A_46 = arith.constant 0 : index
        %swap3A_47 = vector.load %arg6[%swap3A_45, %swap3A_46] : memref<4096x1xf32, #tpu.memory_space<vmem>>, vector<512x1xf32>
        tpu.vector_store %arg6[%swap3A_45, %swap3A_46], %add3A_44 {strides = array<i32>} : memref<4096x1xf32, #tpu.memory_space<vmem>>, vector<512x1xf32>,
      }
      %scan3A_14 = arith.constant 8 : i32
      %get3A = arith.constant 0 : index
      %get3A_15 = arith.constant 0 : index
      %get3A_16 = vector.load %arg6[%get3A, %get3A_15] : memref<4096x1xf32, #tpu.memory_space<vmem>>, vector<4096x1xf32>
      %log3A = math.log %get3A_16 : vector<4096x1xf32>
      %swap3A = arith.constant 0 : index
      %swap3A_17 = arith.constant 0 : index
      %swap3A_18 = vector.load %arg5[%swap3A, %swap3A_17] : memref<4096x1xf32, #tpu.memory_space<vmem>>, vector<4096x1xf32>
      tpu.vector_store %arg5[%swap3A, %swap3A_17], %log3A {strides = array<i32>} : memref<4096x1xf32, #tpu.memory_space<vmem>>, vector<4096x1xf32>,
    } else {
    }
    return
  }
  func.func @transform_0(%arg0: i32, %arg1: i32) -> (i32, i32) {
    %c0_i32 = arith.constant 0 : i32
    %c0_i32_0 = arith.constant 0 : i32
    return %arg0, %c0_i32 : i32, i32
  }
  func.func @transform_1(%arg0: i32, %arg1: i32) -> (i32, i32) {
    %c0_i32 = arith.constant 0 : i32
    %c0_i32_0 = arith.constant 0 : i32
    return %arg1, %c0_i32 : i32, i32
  }
  func.func @transform_2(%arg0: i32, %arg1: i32) -> (i32, i32) {
    %c0_i32 = arith.constant 0 : i32
    %c0_i32_0 = arith.constant 0 : i32
    return %c0_i32, %arg1 : i32, i32
  }
  func.func @transform_3(%arg0: i32, %arg1: i32) -> (i32, i32) {
    %c0_i32 = arith.constant 0 : i32
    %c0_i32_0 = arith.constant 0 : i32
    return %arg0, %c0_i32 : i32, i32
  }
}

module attributes {stable_mosaic.version = 14 : i64} {
  func.func @body(%arg0: i32, %arg1: i32, %arg2: memref<4096x1024xbf16, #tpu.memory_space<vmem>>, %arg3: memref<1024x1024xbf16, #tpu.memory_space<vmem>>, %arg4: memref<1x1024xf32, #tpu.memory_space<vmem>>, %arg5: memref<2x1024xbf16, #tpu.memory_space<vmem>>, %arg6: memref<1x2xf32, #tpu.memory_space<vmem>>, %arg7: memref<4096x1xf32, #tpu.memory_space<vmem>>, %arg8: memref<4096x2xf32, #tpu.memory_space<vmem>>, %arg9: memref<4096x1xf32, #tpu.memory_space<vmem>>) attributes {dimension_semantics = [#tpu.dimension_semantics<arbitrary>, #tpu.dimension_semantics<arbitrary>], iteration_bounds = array<i64: 2, 20>, scalar_prefetch = 0 : i64, scratch_operands = 1 : i64, tpu.core_type = #tpu.core_type<tc>, window_params = [{transform_indices = @transform_0, window_bounds = array<i64: 4096, 1024>}, {transform_indices = @transform_1, window_bounds = array<i64: 1024, 1024>}, {transform_indices = @transform_2, window_bounds = array<i64: 1, 1024>}, {pipeline_mode = #tpu.pipeline_mode<synchronous>, transform_indices = @transform_3, window_bounds = array<i64: 2, 1024>}, {pipeline_mode = #tpu.pipeline_mode<synchronous>, transform_indices = @transform_4, window_bounds = array<i64: 1, 2>}, {transform_indices = @transform_5, window_bounds = array<i64: 4096, 1>}, {transform_indices = @transform_6, window_bounds = array<i64: 4096, 2>}]} {
    %eq3A = arith.constant 0 : i32
    %eq3A_0 = arith.cmpi eq, %arg1, %eq3A : i32
    %convert_element_type3A = arith.extui %eq3A_0 : i1 to i32
    %cond3A = arith.constant 0 : i32
    %cond3A_1 = arith.cmpi ne, %convert_element_type3A, %cond3A : i32
    scf.if %cond3A_1 {
      %broadcast_in_dim3A = arith.constant 0.000000e+00 : f32
      %broadcast_in_dim3A_11 = vector.broadcast %broadcast_in_dim3A : f32 to vector<4096x1xf32>
      %swap3A = arith.constant 0 : index
      %swap3A_12 = arith.constant 0 : index
      %swap3A_13 = vector.load %arg9[%swap3A, %swap3A_12] : memref<4096x1xf32, #tpu.memory_space<vmem>>, vector<4096x1xf32>
      tpu.vector_store %arg9[%swap3A, %swap3A_12], %broadcast_in_dim3A_11 {strides = array<i32>} : memref<4096x1xf32, #tpu.memory_space<vmem>>, vector<4096x1xf32>,
    } else {
    }
    %lt3A = arith.constant 19 : i32
    %lt3A_2 = arith.cmpi slt, %arg1, %lt3A : i32
    %convert_element_type3A_3 = arith.extui %lt3A_2 : i1 to i32
    %cond3A_4 = arith.constant 0 : i32
    %cond3A_5 = arith.cmpi ne, %convert_element_type3A_3, %cond3A_4 : i32
    scf.if %cond3A_5 {
      %scan3A = arith.constant 0 : i32
      %scan3A_11 = arith.constant 8 : i32
      %scan3A_12 = arith.addi %scan3A, %scan3A_11 : i32
      %scan3A_13 = arith.constant 1 : i32
      scf.for %scan3A_15 = %scan3A to %scan3A_12 step %scan3A_13  : i32 {
        %mul3A = arith.constant 512 : i32
        %mul3A_16 = arith.muli %scan3A_15, %mul3A : i32
        %get3A = arith.index_cast %mul3A_16 : i32 to index
        %get3A_17 = arith.constant 0 : index
        %get3A_18 = vector.load %arg2[%get3A, %get3A_17] : memref<4096x1024xbf16, #tpu.memory_space<vmem>>, vector<512x1024xbf16>
        %get3A_19 = arith.constant 0 : index
        %get3A_20 = arith.constant 0 : index
        %get3A_21 = vector.load %arg3[%get3A_19, %get3A_20] : memref<1024x1024xbf16, #tpu.memory_space<vmem>>, vector<1024x1024xbf16>
        %dot_general3A = arith.constant dense<0.000000e+00> : vector<512x1024xf32>
        %dot_general3A_22 = tpu.matmul %get3A_18, %get3A_21, %dot_general3A {dimension_numbers = #tpu.dot_dimension_numbers<[1], [1], [0], [0], [0, 0, 1, 0], [], []>, transpose_lhs_hint = false} : vector<512x1024xbf16>, vector<1024x1024xbf16>, vector<512x1024xf32> -> vector<512x1024xf32>
        %get3A_23 = arith.constant 0 : index
        %get3A_24 = arith.constant 0 : index
        %get3A_25 = vector.load %arg4[%get3A_23, %get3A_24] : memref<1x1024xf32, #tpu.memory_space<vmem>>, vector<1x1024xf32>
        %add3A = vector.broadcast %get3A_25 : vector<1x1024xf32> to vector<512x1024xf32>
        %add3A_26 = arith.addf %dot_general3A_22, %add3A : vector<512x1024xf32>
        %exp3A = math.exp %add3A_26 : vector<512x1024xf32>
        %get3A_27 = arith.index_cast %mul3A_16 : i32 to index
        %get3A_28 = arith.constant 0 : index
        %get3A_29 = vector.load %arg9[%get3A_27, %get3A_28] : memref<4096x1xf32, #tpu.memory_space<vmem>>, vector<512x1xf32>
        %reduce_sum3A = arith.constant dense<0.000000e+00> : vector<512xf32>
        %reduce_sum3A_30 = vector.multi_reduction <add>, %exp3A, %reduce_sum3A [1] : vector<512x1024xf32> to vector<512xf32>
        %broadcast_in_dim3A = vector.shape_cast %reduce_sum3A_30 : vector<512xf32> to vector<512x1xf32>
        %add3A_31 = arith.addf %get3A_29, %broadcast_in_dim3A : vector<512x1xf32>
        %swap3A = arith.index_cast %mul3A_16 : i32 to index
        %swap3A_32 = arith.constant 0 : index
        %swap3A_33 = vector.load %arg9[%swap3A, %swap3A_32] : memref<4096x1xf32, #tpu.memory_space<vmem>>, vector<512x1xf32>
        tpu.vector_store %arg9[%swap3A, %swap3A_32], %add3A_31 {strides = array<i32>} : memref<4096x1xf32, #tpu.memory_space<vmem>>, vector<512x1xf32>,
      }
      %scan3A_14 = arith.constant 8 : i32
    } else {
    }
    %eq3A_6 = arith.constant 19 : i32
    %eq3A_7 = arith.cmpi eq, %arg1, %eq3A_6 : i32
    %convert_element_type3A_8 = arith.extui %eq3A_7 : i1 to i32
    %cond3A_9 = arith.constant 0 : i32
    %cond3A_10 = arith.cmpi ne, %convert_element_type3A_8, %cond3A_9 : i32
    scf.if %cond3A_10 {
      %scan3A = arith.constant 0 : i32
      %scan3A_11 = arith.constant 8 : i32
      %scan3A_12 = arith.addi %scan3A, %scan3A_11 : i32
      %scan3A_13 = arith.constant 1 : i32
      scf.for %scan3A_37 = %scan3A to %scan3A_12 step %scan3A_13  : i32 {
        %mul3A = arith.constant 512 : i32
        %mul3A_38 = arith.muli %scan3A_37, %mul3A : i32
        %get3A_39 = arith.index_cast %mul3A_38 : i32 to index
        %get3A_40 = arith.constant 0 : index
        %get3A_41 = vector.load %arg2[%get3A_39, %get3A_40] : memref<4096x1024xbf16, #tpu.memory_space<vmem>>, vector<512x1024xbf16>
        %get3A_42 = arith.constant 0 : index
        %get3A_43 = arith.constant 0 : index
        %get3A_44 = vector.load %arg3[%get3A_42, %get3A_43] : memref<1024x1024xbf16, #tpu.memory_space<vmem>>, vector<1024x1024xbf16>
        %dot_general3A_45 = arith.constant dense<0.000000e+00> : vector<512x1024xf32>
        %dot_general3A_46 = tpu.matmul %get3A_41, %get3A_44, %dot_general3A_45 {dimension_numbers = #tpu.dot_dimension_numbers<[1], [1], [0], [0], [0, 0, 1, 0], [], []>, transpose_lhs_hint = false} : vector<512x1024xbf16>, vector<1024x1024xbf16>, vector<512x1024xf32> -> vector<512x1024xf32>
        %get3A_47 = arith.constant 0 : index
        %get3A_48 = arith.constant 0 : index
        %get3A_49 = vector.load %arg4[%get3A_47, %get3A_48] : memref<1x1024xf32, #tpu.memory_space<vmem>>, vector<1x1024xf32>
        %add3A_50 = vector.broadcast %get3A_49 : vector<1x1024xf32> to vector<512x1024xf32>
        %add3A_51 = arith.addf %dot_general3A_46, %add3A_50 : vector<512x1024xf32>
        %mul3A_52 = arith.constant 1024 : i32
        %mul3A_53 = arith.muli %arg1, %mul3A_52 : i32
        %iota3A = tpu.iota {dimensions = array<i32: 1>} : vector<512x1024xi32>
        %add3A_54 = vector.broadcast %mul3A_53 : i32 to vector<512x1024xi32>
        %add3A_55 = arith.addi %add3A_54, %iota3A : vector<512x1024xi32>
        %lt3A_56 = arith.constant 20000 : i32
        %lt3A_57 = vector.broadcast %lt3A_56 : i32 to vector<512x1024xi32>
        %lt3A_58 = arith.cmpi slt, %add3A_55, %lt3A_57 : vector<512x1024xi32>
        %jit3A = arith.constant -1.000000e+30 : f32
        %broadcast_in_dim3A = vector.broadcast %jit3A : f32 to vector<512x1024xf32>
        %select_n3A = arith.select %lt3A_58, %add3A_51, %broadcast_in_dim3A : vector<512x1024xi1>, vector<512x1024xf32>
        %exp3A_59 = math.exp %select_n3A : vector<512x1024xf32>
        %get3A_60 = arith.index_cast %mul3A_38 : i32 to index
        %get3A_61 = arith.constant 0 : index
        %get3A_62 = vector.load %arg9[%get3A_60, %get3A_61] : memref<4096x1xf32, #tpu.memory_space<vmem>>, vector<512x1xf32>
        %reduce_sum3A = arith.constant dense<0.000000e+00> : vector<512xf32>
        %reduce_sum3A_63 = vector.multi_reduction <add>, %exp3A_59, %reduce_sum3A [1] : vector<512x1024xf32> to vector<512xf32>
        %broadcast_in_dim3A_64 = vector.shape_cast %reduce_sum3A_63 : vector<512xf32> to vector<512x1xf32>
        %add3A_65 = arith.addf %get3A_62, %broadcast_in_dim3A_64 : vector<512x1xf32>
        %swap3A_66 = arith.index_cast %mul3A_38 : i32 to index
        %swap3A_67 = arith.constant 0 : index
        %swap3A_68 = vector.load %arg9[%swap3A_66, %swap3A_67] : memref<4096x1xf32, #tpu.memory_space<vmem>>, vector<512x1xf32>
        tpu.vector_store %arg9[%swap3A_66, %swap3A_67], %add3A_65 {strides = array<i32>} : memref<4096x1xf32, #tpu.memory_space<vmem>>, vector<512x1xf32>,
      }
      %scan3A_14 = arith.constant 8 : i32
      %get3A = arith.constant 0 : index
      %get3A_15 = arith.constant 0 : index
      %get3A_16 = vector.load %arg2[%get3A, %get3A_15] : memref<4096x1024xbf16, #tpu.memory_space<vmem>>, vector<4096x1024xbf16>
      %get3A_17 = arith.constant 0 : index
      %get3A_18 = arith.constant 0 : index
      %get3A_19 = vector.load %arg5[%get3A_17, %get3A_18] : memref<2x1024xbf16, #tpu.memory_space<vmem>>, vector<2x1024xbf16>
      %dot_general3A = arith.constant dense<0.000000e+00> : vector<4096x2xf32>
      %dot_general3A_20 = tpu.matmul %get3A_16, %get3A_19, %dot_general3A {dimension_numbers = #tpu.dot_dimension_numbers<[1], [1], [0], [0], [0, 0, 1, 0], [], []>, transpose_lhs_hint = false} : vector<4096x1024xbf16>, vector<2x1024xbf16>, vector<4096x2xf32> -> vector<4096x2xf32>
      %get3A_21 = arith.constant 0 : index
      %get3A_22 = arith.constant 0 : index
      %get3A_23 = vector.load %arg6[%get3A_21, %get3A_22] : memref<1x2xf32, #tpu.memory_space<vmem>>, vector<1x2xf32>
      %add3A = vector.broadcast %get3A_23 : vector<1x2xf32> to vector<4096x2xf32>
      %add3A_24 = arith.addf %dot_general3A_20, %add3A : vector<4096x2xf32>
      %get3A_25 = arith.constant 0 : index
      %get3A_26 = arith.constant 0 : index
      %get3A_27 = vector.load %arg9[%get3A_25, %get3A_26] : memref<4096x1xf32, #tpu.memory_space<vmem>>, vector<4096x1xf32>
      %slice3A = vector.extract_strided_slice %add3A_24 {offsets = [0, 0], sizes = [4096, 1], strides = [1, 1]} : vector<4096x2xf32> to vector<4096x1xf32>
      %exp3A = math.exp %slice3A : vector<4096x1xf32>
      %add3A_28 = arith.addf %get3A_27, %exp3A : vector<4096x1xf32>
      %slice3A_29 = vector.extract_strided_slice %add3A_24 {offsets = [0, 1], sizes = [4096, 1], strides = [1, 1]} : vector<4096x2xf32> to vector<4096x1xf32>
      %exp3A_30 = math.exp %slice3A_29 : vector<4096x1xf32>
      %add3A_31 = arith.addf %add3A_28, %exp3A_30 : vector<4096x1xf32>
      %log3A = math.log %add3A_31 : vector<4096x1xf32>
      %swap3A = arith.constant 0 : index
      %swap3A_32 = arith.constant 0 : index
      %swap3A_33 = vector.load %arg7[%swap3A, %swap3A_32] : memref<4096x1xf32, #tpu.memory_space<vmem>>, vector<4096x1xf32>
      tpu.vector_store %arg7[%swap3A, %swap3A_32], %log3A {strides = array<i32>} : memref<4096x1xf32, #tpu.memory_space<vmem>>, vector<4096x1xf32>,
      %swap3A_34 = arith.constant 0 : index
      %swap3A_35 = arith.constant 0 : index
      %swap3A_36 = vector.load %arg8[%swap3A_34, %swap3A_35] : memref<4096x2xf32, #tpu.memory_space<vmem>>, vector<4096x2xf32>
      tpu.vector_store %arg8[%swap3A_34, %swap3A_35], %add3A_24 {strides = array<i32>} : memref<4096x2xf32, #tpu.memory_space<vmem>>, vector<4096x2xf32>,
    } else {
    }
    return
  }
  func.func @transform_0(%arg0: i32, %arg1: i32) -> (i32, i32) {
    %c0_i32 = arith.constant 0 : i32
    %c0_i32_0 = arith.constant 0 : i32
    return %arg0, %c0_i32 : i32, i32
  }
  func.func @transform_1(%arg0: i32, %arg1: i32) -> (i32, i32) {
    %c0_i32 = arith.constant 0 : i32
    %c0_i32_0 = arith.constant 0 : i32
    return %arg1, %c0_i32 : i32, i32
  }
  func.func @transform_2(%arg0: i32, %arg1: i32) -> (i32, i32) {
    %c0_i32 = arith.constant 0 : i32
    %c0_i32_0 = arith.constant 0 : i32
    return %c0_i32, %arg1 : i32, i32
  }
  func.func @transform_3(%arg0: i32, %arg1: i32) -> (i32, i32) {
    %c0_i32 = arith.constant 0 : i32
    %c0_i32_0 = arith.constant 0 : i32
    %c0_i32_1 = arith.constant 0 : i32
    return %c0_i32, %c0_i32_0 : i32, i32
  }
  func.func @transform_4(%arg0: i32, %arg1: i32) -> (i32, i32) {
    %c0_i32 = arith.constant 0 : i32
    %c0_i32_0 = arith.constant 0 : i32
    %c0_i32_1 = arith.constant 0 : i32
    return %c0_i32, %c0_i32_0 : i32, i32
  }
  func.func @transform_5(%arg0: i32, %arg1: i32) -> (i32, i32) {
    %c0_i32 = arith.constant 0 : i32
    %c0_i32_0 = arith.constant 0 : i32
    return %arg0, %c0_i32 : i32, i32
  }
  func.func @transform_6(%arg0: i32, %arg1: i32) -> (i32, i32) {
    %c0_i32 = arith.constant 0 : i32
    %c0_i32_0 = arith.constant 0 : i32
    return %arg0, %c0_i32 : i32, i32
  }
}

module attributes {stable_mosaic.version = 14 : i64} {
  func.func @_final_body(%arg0: i32, %arg1: memref<1024x1xi32, #tpu.memory_space<vmem>>, %arg2: memref<1024x1xf32, #tpu.memory_space<vmem>>, %arg3: memref<1024x2xf32, #tpu.memory_space<vmem>>, %arg4: memref<1024x1xf32, #tpu.memory_space<vmem>>, %arg5: memref<1024x1xf32, #tpu.memory_space<vmem>>, %arg6: memref<1024x1024xbf16, #tpu.memory_space<vmem>>, %arg7: memref<1024x1024xf32, #tpu.memory_space<vmem>>, %arg8: memref<1024x256xbf16, #tpu.memory_space<vmem>>, %arg9: memref<1024x256xf32, #tpu.memory_space<vmem>>, %arg10: memref<1024x64xbf16, #tpu.memory_space<vmem>>, %arg11: memref<1024x128xf32, #tpu.memory_space<vmem>>, %arg12: memref<1024x1xf32, #tpu.memory_space<vmem>>) attributes {dimension_semantics = [#tpu.dimension_semantics<arbitrary>], iteration_bounds = array<i64: 8>, scalar_prefetch = 0 : i64, scratch_operands = 0 : i64, tpu.core_type = #tpu.core_type<tc>, window_params = [{transform_indices = @transform_0, window_bounds = array<i64: 1024, 1>}, {transform_indices = @transform_1, window_bounds = array<i64: 1024, 1>}, {transform_indices = @transform_2, window_bounds = array<i64: 1024, 2>}, {transform_indices = @transform_3, window_bounds = array<i64: 1024, 1>}, {transform_indices = @transform_4, window_bounds = array<i64: 1024, 1>}, {transform_indices = @transform_5, window_bounds = array<i64: 1024, 1024>}, {transform_indices = @transform_6, window_bounds = array<i64: 1024, 1024>}, {transform_indices = @transform_7, window_bounds = array<i64: 1024, 256>}, {transform_indices = @transform_8, window_bounds = array<i64: 1024, 256>}, {transform_indices = @transform_9, window_bounds = array<i64: 1024, 64>}, {transform_indices = @transform_10, window_bounds = array<i64: 1024, 128>}, {transform_indices = @transform_11, window_bounds = array<i64: 1024, 1>}]} {
    %get3A = arith.constant 0 : index
    %get3A_0 = arith.constant 0 : index
    %get3A_1 = vector.load %arg6[%get3A, %get3A_0] : memref<1024x1024xbf16, #tpu.memory_space<vmem>>, vector<1024x1024xbf16>
    %convert_element_type3A = arith.extf %get3A_1 : vector<1024x1024xbf16> to vector<1024x1024xf32>
    %get3A_2 = arith.constant 0 : index
    %get3A_3 = arith.constant 0 : index
    %get3A_4 = vector.load %arg7[%get3A_2, %get3A_3] : memref<1024x1024xf32, #tpu.memory_space<vmem>>, vector<1024x1024xf32>
    %mul3A = arith.mulf %convert_element_type3A, %get3A_4 : vector<1024x1024xf32>
    %reduce_sum3A = arith.constant dense<0.000000e+00> : vector<1024xf32>
    %reduce_sum3A_5 = vector.multi_reduction <add>, %mul3A, %reduce_sum3A [1] : vector<1024x1024xf32> to vector<1024xf32>
    %broadcast_in_dim3A = vector.shape_cast %reduce_sum3A_5 : vector<1024xf32> to vector<1024x1xf32>
    %get3A_6 = arith.constant 0 : index
    %get3A_7 = arith.constant 0 : index
    %get3A_8 = vector.load %arg8[%get3A_6, %get3A_7] : memref<1024x256xbf16, #tpu.memory_space<vmem>>, vector<1024x256xbf16>
    %convert_element_type3A_9 = arith.extf %get3A_8 : vector<1024x256xbf16> to vector<1024x256xf32>
    %get3A_10 = arith.constant 0 : index
    %get3A_11 = arith.constant 0 : index
    %get3A_12 = vector.load %arg9[%get3A_10, %get3A_11] : memref<1024x256xf32, #tpu.memory_space<vmem>>, vector<1024x256xf32>
    %mul3A_13 = arith.mulf %convert_element_type3A_9, %get3A_12 : vector<1024x256xf32>
    %reduce_sum3A_14 = arith.constant dense<0.000000e+00> : vector<1024xf32>
    %reduce_sum3A_15 = vector.multi_reduction <add>, %mul3A_13, %reduce_sum3A_14 [1] : vector<1024x256xf32> to vector<1024xf32>
    %broadcast_in_dim3A_16 = vector.shape_cast %reduce_sum3A_15 : vector<1024xf32> to vector<1024x1xf32>
    %get3A_17 = arith.constant 0 : index
    %get3A_18 = arith.constant 0 : index
    %get3A_19 = vector.load %arg10[%get3A_17, %get3A_18] : memref<1024x64xbf16, #tpu.memory_space<vmem>>, vector<1024x64xbf16>
    %convert_element_type3A_20 = arith.extf %get3A_19 : vector<1024x64xbf16> to vector<1024x64xf32>
    %get3A_21 = arith.constant 0 : index
    %get3A_22 = arith.constant 0 : index
    %get3A_23 = vector.load %arg11[%get3A_21, %get3A_22] : memref<1024x128xf32, #tpu.memory_space<vmem>>, vector<1024x64xf32>
    %mul3A_24 = arith.mulf %convert_element_type3A_20, %get3A_23 : vector<1024x64xf32>
    %reduce_sum3A_25 = arith.constant dense<0.000000e+00> : vector<1024xf32>
    %reduce_sum3A_26 = vector.multi_reduction <add>, %mul3A_24, %reduce_sum3A_25 [1] : vector<1024x64xf32> to vector<1024xf32>
    %broadcast_in_dim3A_27 = vector.shape_cast %reduce_sum3A_26 : vector<1024xf32> to vector<1024x1xf32>
    %get3A_28 = arith.constant 0 : index
    %get3A_29 = arith.constant 0 : index
    %get3A_30 = vector.load %arg1[%get3A_28, %get3A_29] : memref<1024x1xi32, #tpu.memory_space<vmem>>, vector<1024x1xi32>
    %get3A_31 = arith.constant 0 : index
    %get3A_32 = arith.constant 0 : index
    %get3A_33 = vector.load %arg3[%get3A_31, %get3A_32] : memref<1024x2xf32, #tpu.memory_space<vmem>>, vector<1024x1xf32>
    %get3A_34 = arith.constant 0 : index
    %get3A_35 = arith.constant 1 : index
    %get3A_36 = vector.load %arg3[%get3A_34, %get3A_35] : memref<1024x2xf32, #tpu.memory_space<vmem>>, vector<1024x1xf32>
    %lt3A = arith.constant 20000 : i32
    %lt3A_37 = vector.broadcast %lt3A : i32 to vector<1024x1xi32>
    %lt3A_38 = arith.cmpi slt, %get3A_30, %lt3A_37 : vector<1024x1xi32>
    %ge3A = arith.constant 60000 : i32
    %ge3A_39 = vector.broadcast %ge3A : i32 to vector<1024x1xi32>
    %ge3A_40 = arith.cmpi sge, %get3A_30, %ge3A_39 : vector<1024x1xi32>
    %select_n3A = arith.select %ge3A_40, %get3A_33, %get3A_36 : vector<1024x1xi1>, vector<1024x1xf32>
    %select_n3A_41 = arith.select %lt3A_38, %broadcast_in_dim3A, %select_n3A : vector<1024x1xi1>, vector<1024x1xf32>
    %get3A_42 = arith.constant 0 : index
    %get3A_43 = arith.constant 0 : index
    %get3A_44 = vector.load %arg2[%get3A_42, %get3A_43] : memref<1024x1xf32, #tpu.memory_space<vmem>>, vector<1024x1xf32>
    %sub3A = arith.subf %get3A_44, %select_n3A_41 : vector<1024x1xf32>
    %ge3A_45 = arith.constant 20000 : i32
    %ge3A_46 = vector.broadcast %ge3A_45 : i32 to vector<1024x1xi32>
    %ge3A_47 = arith.cmpi sge, %get3A_30, %ge3A_46 : vector<1024x1xi32>
    %lt3A_48 = arith.constant 60000 : i32
    %lt3A_49 = vector.broadcast %lt3A_48 : i32 to vector<1024x1xi32>
    %lt3A_50 = arith.cmpi slt, %get3A_30, %lt3A_49 : vector<1024x1xi32>
    %and3A = arith.andi %ge3A_47, %lt3A_50 : vector<1024x1xi1>
    %get3A_51 = arith.constant 0 : index
    %get3A_52 = arith.constant 0 : index
    %get3A_53 = vector.load %arg4[%get3A_51, %get3A_52] : memref<1024x1xf32, #tpu.memory_space<vmem>>, vector<1024x1xf32>
    %sub3A_54 = arith.subf %get3A_53, %broadcast_in_dim3A_16 : vector<1024x1xf32>
    %jit3A = arith.constant 0.000000e+00 : f32
    %broadcast_in_dim3A_55 = vector.broadcast %jit3A : f32 to vector<1024x1xf32>
    %select_n3A_56 = arith.select %and3A, %sub3A_54, %broadcast_in_dim3A_55 : vector<1024x1xi1>, vector<1024x1xf32>
    %add3A = arith.addf %sub3A, %select_n3A_56 : vector<1024x1xf32>
    %ge3A_57 = arith.constant 60000 : i32
    %ge3A_58 = vector.broadcast %ge3A_57 : i32 to vector<1024x1xi32>
    %ge3A_59 = arith.cmpi sge, %get3A_30, %ge3A_58 : vector<1024x1xi32>
    %get3A_60 = arith.constant 0 : index
    %get3A_61 = arith.constant 0 : index
    %get3A_62 = vector.load %arg5[%get3A_60, %get3A_61] : memref<1024x1xf32, #tpu.memory_space<vmem>>, vector<1024x1xf32>
    %sub3A_63 = arith.subf %get3A_62, %broadcast_in_dim3A_27 : vector<1024x1xf32>
    %jit3A_64 = arith.constant 0.000000e+00 : f32
    %broadcast_in_dim3A_65 = vector.broadcast %jit3A_64 : f32 to vector<1024x1xf32>
    %select_n3A_66 = arith.select %ge3A_59, %sub3A_63, %broadcast_in_dim3A_65 : vector<1024x1xi1>, vector<1024x1xf32>
    %add3A_67 = arith.addf %add3A, %select_n3A_66 : vector<1024x1xf32>
    %swap3A = arith.constant 0 : index
    %swap3A_68 = arith.constant 0 : index
    %swap3A_69 = vector.load %arg12[%swap3A, %swap3A_68] : memref<1024x1xf32, #tpu.memory_space<vmem>>, vector<1024x1xf32>
    tpu.vector_store %arg12[%swap3A, %swap3A_68], %add3A_67 {strides = array<i32>} : memref<1024x1xf32, #tpu.memory_space<vmem>>, vector<1024x1xf32>,
    return
  }
  func.func @transform_0(%arg0: i32) -> (i32, i32) {
    %c0_i32 = arith.constant 0 : i32
    %c0_i32_0 = arith.constant 0 : i32
    return %arg0, %c0_i32 : i32, i32
  }
  func.func @transform_1(%arg0: i32) -> (i32, i32) {
    %c0_i32 = arith.constant 0 : i32
    %c0_i32_0 = arith.constant 0 : i32
    return %arg0, %c0_i32 : i32, i32
  }
  func.func @transform_2(%arg0: i32) -> (i32, i32) {
    %c0_i32 = arith.constant 0 : i32
    %c0_i32_0 = arith.constant 0 : i32
    return %arg0, %c0_i32 : i32, i32
  }
  func.func @transform_3(%arg0: i32) -> (i32, i32) {
    %c0_i32 = arith.constant 0 : i32
    %c0_i32_0 = arith.constant 0 : i32
    return %arg0, %c0_i32 : i32, i32
  }
  func.func @transform_4(%arg0: i32) -> (i32, i32) {
    %c0_i32 = arith.constant 0 : i32
    %c0_i32_0 = arith.constant 0 : i32
    return %arg0, %c0_i32 : i32, i32
  }
  func.func @transform_5(%arg0: i32) -> (i32, i32) {
    %c0_i32 = arith.constant 0 : i32
    %c0_i32_0 = arith.constant 0 : i32
    return %arg0, %c0_i32 : i32, i32
  }
  func.func @transform_6(%arg0: i32) -> (i32, i32) {
    %c0_i32 = arith.constant 0 : i32
    %c0_i32_0 = arith.constant 0 : i32
    return %arg0, %c0_i32 : i32, i32
  }
  func.func @transform_7(%arg0: i32) -> (i32, i32) {
    %c0_i32 = arith.constant 0 : i32
    %c0_i32_0 = arith.constant 0 : i32
    return %arg0, %c0_i32 : i32, i32
  }
  func.func @transform_8(%arg0: i32) -> (i32, i32) {
    %c0_i32 = arith.constant 0 : i32
    %c0_i32_0 = arith.constant 0 : i32
    return %arg0, %c0_i32 : i32, i32
  }
  func.func @transform_9(%arg0: i32) -> (i32, i32) {
    %c0_i32 = arith.constant 0 : i32
    %c0_i32_0 = arith.constant 0 : i32
    return %arg0, %c0_i32 : i32, i32
  }
  func.func @transform_10(%arg0: i32) -> (i32, i32) {
    %c0_i32 = arith.constant 0 : i32
    %c0_i32_0 = arith.constant 0 : i32
    return %arg0, %c0_i32 : i32, i32
  }
  func.func @transform_11(%arg0: i32) -> (i32, i32) {
    %c0_i32 = arith.constant 0 : i32
    %c0_i32_0 = arith.constant 0 : i32
    return %arg0, %c0_i32 : i32, i32
  }
}

</mosaic_0001>

<sc_bundles>
// kernel: kernel.8.cloned.1.call-start
scs
__scs_entry_jumppad:
0x0: {  	(pc) =	sbr.rel $0x88, $3  }
0x1: {  	(tag) =	ssettag $0x0;
	lr =	simm.s32 $0x1  }
0x2: {  	[smem:$0x3F94] =	sst lr;
	_ =	strace $0xD0000000  }
0x3: {  	_ = 	snop  }
0x4: {  	_ = 	snop  }
0x5: {  	_ = 	snop  }
0x6: {  	_ = 	snop  }
0x7: {  	_ = 	snop  }
__scs_overlays_trampoline_lowered:
0x8: {  	[smem:$0x3FA3] =	sst s0  }
0x9: {  	[smem:$0x3FA4] =	sst s1  }
0xa: {  	[smem:$0x3FA5] =	sst s2  }
0xb: {  	[smem:$0x3FA6] =	sst s3  }
0xc: {  	[smem:$0x3FA7] =	sst s4  }
0xd: {  	[smem:$0x3FA8] =	sst s5  }
0xe: {  	[smem:$0x3FA9] =	sst s6  }
0xf: {  	[smem:$0x3FAA] =	sst s7  }
0x10: {  	[smem:$0x3FAB] =	sst s8  }
0x11: {  	[smem:$0x3FAC] =	sst s9;
	s0 =	simm.s32 @!p0 $0x0  }
0x12: {  	s1 =	sld [smem:$0x3F92];
	s0 =	simm.s32 @p0 $0x1  }
0x13: {  	[smem:$0x3FAD] =	sst s0;
	s0 =	simm.s32 @!p1 $0x0  }
0x14: {  	s2 =	sld [smem:$0x3F91];
	s0 =	simm.s32 @p1 $0x1  }
0x15: {  	[smem:$0x3FAE] =	sst s0;
	s0 =	simm.s32 @!p2 $0x0  }
0x16: {  	s3 =	sld [smem:$0x3FDB];
	s0 =	simm.s32 @p2 $0x1  }
0x17: {  	s4 =	simm.s32 $0x1BF5;
	[smem:$0x3FB0] =	sst s0  }
0x18: {  	s0 =	sld [smem:$0x3F93];
	_ =	swait.ge [sflag:s4], $0x0  }
0x19: {  	s7 =	sld [smem:$0x3F94]  }
0x1a: {  	s8 =	sadd.s32 $0xFFFFE003, lr  }
0x1b: {  	s9 =	sadd.s32 $0xFFFFFEF7, lr;
	s5 =	simm.s32 $0xFFFFFFFF;
	p2 =	slt.u32 s8, $0xFFFFF086  }
0x1c: {  	p1 =	slt.u32 s9, $0xF7A;
	s5 =	simm.s32 @!p2 $0x0  }
0x1d: {  	s5 =	simm.s32 @p1 $0x1;
	p0 =	seq.s32 s7, s2  }
0x1e: {  	s7 =	smul.u32 @!p0 $0xF7A, s2;
	p2 =	seq.s32 @!p0 s5, $0x0  }
0x1f: {  	s9 =	smul.u32 $0xF7A, s1;
	s8 =	simm.s32 @!p0 $0x1BF5;
	p2 =	por !p2, p0  }
0x20: {  	[sflag:s8] =	ssyncset.s32 @!p0 $0xFFFFF086;
	s6 =	sadd.s32 @!p0 s3, s7;
	s7 =	simm.s32 @!p0 $0x108  }
0x21: {  	s3 =	sadd.s32 s3, s9;
	s6 =	sadd.s32 @!p0 $0x88, s6;
	s7 =	simm.s32 @p2 $0x1082  }
0x22: {  	[simem:s7], [sflag:s8] =	dma.local @!p0 [hbm:s6], $0xF7A  }
0x23: {  	s9 =	sor.u32 $0xD0000000, s2;
	s6 =	simm.s32 $0x108;
	_ =	swait.ge @!p0 [sflag:s8], $0x0  }
0x24: {  	s3 =	sadd.s32 $0x88, s3;
	s6 =	simm.s32 @!p1 $0x1082;
	[sflag:s4] =	ssyncset.s32 $0xFFFFF086  }
0x25: {  	[simem:s6], [sflag:s4] =	dma.local [hbm:s3], $0xF7A  }
0x26: {  	[smem:$0x3F94] =	sst s1;
	(tag) =	ssettag s2;
	_ =	strace s9  }
0x27: {  	s1 =	sld [smem:$0x3FA4]  }
0x28: {  	s2 =	sld [smem:$0x3FA5]  }
0x29: {  	s4 =	sld [smem:$0x3FA7]  }
0x2a: {  	p0 =	seq.s32 s5, $0x0;
	s5 =	sld [smem:$0x3FA8]  }
0x2b: {  	s6 =	sld [smem:$0x3FA9]  }
0x2c: {  	s7 =	sld [smem:$0x3FAA]  }
0x2d: {  	s3 =	simm.s32 $0x108;
	s8 =	sld [smem:$0x3FAB]  }
0x2e: {  	s3 =	simm.s32 @!p0 $0x1082;
	s9 =	sld [smem:$0x3FAC]  }
0x2f: {  	lr =	sadd.s32 s0, s3;
	s0 =	sld [smem:$0x3FA3]  }
0x30: {  	s3 =	sld [smem:$0x3FA6]  }
0x31: {  	[smem:$0x3FAF] =	sst s10  }
0x32: {  	s10 =	sld [smem:$0x3FAD];
	_ =	sdelay $0x3  }
0x33: {  	p0 =	seq.s32 s10, $0x1;
	s10 =	sld [smem:$0x3FAF];
	_ =	sdelay $0x3  }
0x34: {  	[smem:$0x3FAF] =	sst s10  }
0x35: {  	s10 =	sld [smem:$0x3FAE];
	_ =	sdelay $0x3  }
0x36: {  	p1 =	seq.s32 s10, $0x1;
	s10 =	sld [smem:$0x3FAF];
	_ =	sdelay $0x3  }
0x37: {  	[smem:$0x3FAF] =	sst s10  }
0x38: {  	s10 =	sld [smem:$0x3FB0]  }
0x39: {  	_ = 	snop;
	(pc) =	sbr.ind lr, $3  }
0x3a: {  	_ = 	snop  }
0x3b: {  	_ = 	snop  }
0x3c: {  	p2 =	seq.s32 s10, $0x1;
	s10 =	sld [smem:$0x3FAF]  }
0x3d: {  	_ =	shalt  }
0x3e: {  	_ =	shalt  }
0x3f: {  	_ =	shalt  }
0x40: {  	_ =	shalt  }
0x41: {  	_ =	shalt  }
0x42: {  	_ =	shalt  }
0x43: {  	_ =	shalt  }
0x44: {  	_ =	shalt  }
0x45: {  	_ =	shalt  }
0x46: {  	_ =	shalt  }
0x47: {  	_ =	shalt  }
0x48: {  	_ =	shalt  }
0x49: {  	_ =	shalt  }
0x4a: {  	_ =	shalt  }
0x4b: {  	_ =	shalt  }
0x4c: {  	_ =	shalt  }
0x4d: {  	_ =	shalt  }
0x4e: {  	_ =	shalt  }
0x4f: {  	_ =	shalt  }
0x50: {  	_ =	shalt  }
0x51: {  	_ =	shalt  }
0x52: {  	_ =	shalt  }
0x53: {  	_ =	shalt  }
0x54: {  	_ =	shalt  }
0x55: {  	_ =	shalt  }
0x56: {  	_ =	shalt  }
0x57: {  	_ =	shalt  }
0x58: {  	_ =	shalt  }
0x59: {  	_ =	shalt  }
0x5a: {  	_ =	shalt  }
0x5b: {  	_ =	shalt  }
0x5c: {  	_ =	shalt  }
0x5d: {  	_ =	shalt  }
0x5e: {  	_ =	shalt  }
0x5f: {  	_ =	shalt  }
0x60: {  	_ =	shalt  }
0x61: {  	_ =	shalt  }
0x62: {  	_ =	shalt  }
0x63: {  	_ =	shalt  }
0x64: {  	_ =	shalt  }
0x65: {  	_ =	shalt  }
0x66: {  	_ =	shalt  }
0x67: {  	_ =	shalt  }
0x68: {  	_ =	shalt  }
0x69: {  	_ =	shalt  }
0x6a: {  	_ =	shalt  }
0x6b: {  	_ =	shalt  }
0x6c: {  	_ =	shalt  }
0x6d: {  	_ =	shalt  }
0x6e: {  	_ =	shalt  }
0x6f: {  	_ =	shalt  }
0x70: {  	_ =	shalt  }
0x71: {  	_ =	shalt  }
0x72: {  	_ =	shalt  }
0x73: {  	_ =	shalt  }
0x74: {  	_ =	shalt  }
0x75: {  	_ =	shalt  }
0x76: {  	_ =	shalt  }
0x77: {  	_ =	shalt  }
0x78: {  	_ =	shalt  }
0x79: {  	_ =	shalt  }
0x7a: {  	_ =	shalt  }
0x7b: {  	_ =	shalt  }
0x7c: {  	_ =	shalt  }
0x7d: {  	_ =	shalt  }
0x7e: {  	_ =	shalt  }
0x7f: {  	_ =	shalt  }
0x80: {  	_ =	shalt  }
0x81: {  	_ =	shalt  }
0x82: {  	_ =	shalt  }
0x83: {  	_ =	shalt  }
0x84: {  	_ =	shalt  }
0x85: {  	_ =	shalt  }
0x86: {  	_ =	shalt  }
0x87: {  	_ =	shalt  }
.Lfunc_end0:
.L_simem_size_0:
called_computation_lowered:
.L_overlay_start_0:
0x88: {  	s2 =	sld [smem:$0x3FD9]  }
0x89: {  	s3 =	sld [smem:$0x3FFE];
	_ =	sdelay $0x1  }
0x8a: {  	s1 =	srdreg.scid  }
0x8b: {  	s0 =	sand.u32 $0x1, s1  }
0x8c: {  	s17 =	sshll.u32 s0, $0xA;
	s2 =	sadd.s32 s3, s2  }
0x8d: {  	s2 =	sadd.s32 s2, s17  }
0x8e: {  	[smem:$0x3FBB] =	sst s2  }
0x8f: {  	_ = 	snop  }
0x90: {  	s2 =	sld [smem:$0x3FC8]  }
0x91: {  	s18 =	sld [smem:$0x3FC2]  }
0x92: {  	s4 =	sld [smem:$0x3FC0];
	(tm) =	ssettm $0x1  }
0x93: {  	s5 =	sld [smem:$0x3FFB];
	_ =	sdelay $0x3  }
0x94: {  	_ =	strace s5  }
0x95: {  	s5 =	sld [smem:$0x3FFC];
	_ =	sdelay $0x3  }
0x96: {  	_ =	strace s5  }
0x97: {  	s5 =	sld [smem:$0x3FFD];
	_ =	sdelay $0x3  }
0x98: {  	_ =	strace s5  }
0x99: {  	_ =	strace $0x8FFFFFFF  }
0x9a: {  	s19 =	sld [smem:$0x3FDB];
	_ =	sdelay $0x1  }
0x9b: {  	s6 =	simm.s32 $_scs_section_size  }
0x9c: {  	s7 =	simm.s32 $_size__tile_overlayer_lowered;
	s8 =	simm.s32 $_tile_overlayer_lowered  }
0x9d: {  	s22 =	simm.s32 $0x1BFF;
	s21 =	sshll.u32 s8, $0x1;
	s5 =	sadd.s32 s6, s19  }
0x9e: {  	s9 =	simm.s32 $0x0;
	s20 =	sshll.u32 s7, $0x1;
	s7 =	sadd.s32 s21, s5  }
0x9f: {  	[timem:s9], [sflag:s22] =	dma.local [hbm:s7], s20  }
0xa0: {  	_ =	swait.ge [sflag:s22], s20  }
0xa1: {  	s6 =	ssub.s32 $0x0, s20;
	[sflag:s22] =	ssyncset.done $0x0  }
0xa2: {  	[sflag:s22] =	ssyncadd.s32 s6;
	_ =	sdelay $0x1  }
0xa3: {  	s23 =	simm.s32 $0x1B8B  }
0xa4: {  	_ =	swait.ge [sflag:s23], $0x1  }
0xa5: {  	[sflag:s23] =	ssyncset.done $0x0  }
0xa6: {  	s25 =	simm.s32 $0x1B8E;
	s24 =	sld [smem:$0x3FFE];
	[sflag:s23] =	ssyncadd.s32 $0xFFFFFFFF  }
0xa7: {  	s26 =	simm.s32 $execute0_lowered;
	[smem:$0x3FD2] =	sst s25  }
0xa8: {  	s7 =	sshll.u32 s26, $0x1;
	_ =	strace $0x80000046;
	[dreg:$0x1] =	wrdreg $0xFFFFFFFF  }
0xa9: {  	s28 =	simm.s32 $_size_execute0_lowered;
	s5 =	sadd.s32 s5, s7;
	[dreg:$0x0] =	wrdreg $0x0  }
0xaa: {  	s7 =	sshll.u32 s28, $0x1;
	[dreg:$0x2] =	wrdreg s5  }
0xab: {  	[dreg:$0x3] =	wrdreg s7  }
0xac: {  	[dreg:$0x4] =	wrdreg $0xC0  }
0xad: {  	_ =	task [dreg:s9], $0x5FFFF  }
0xae: {  	[dreg:$0x1] =	wrdreg $0xFFFFFFFF  }
0xaf: {  	[dreg:$0x0] =	wrdreg $0x60  }
0xb0: {  	[dreg:$0x2] =	wrdreg s2  }
0xb1: {  	[dreg:$0x3] =	wrdreg s18  }
0xb2: {  	[dreg:$0x4] =	wrdreg s4  }
0xb3: {  	[dreg:$0x5] =	wrdreg s24  }
0xb4: {  	[dreg:$0x6] =	wrdreg $0x9  }
0xb5: {  	_ =	task.clear_ibuf [dreg:s9], $0x7FFFF;
	_ =	strace $0x90000046  }
0xb6: {  	s29 =	simm.s32 $0x9;
	_ =	strace $0x80000048  }
0xb7: {  	_ =	swait.ge [sflag:s29], $0x1  }
0xb8: {  	[sflag:s29] =	ssyncadd.s32 $0xFFFFFFFF  }
0xb9: {  	_ =	strace $0x90000048  }
0xba: {  	_ =	sfence  }
0xbb: {  	s30 =	sld [smem:$0x0];
	_ =	sdelay $0x2  }
0xbc: {  	s31 =	sshll.u32 s1, $0xD;
	s1 =	sshrl.u32 s1, $0x2  }
0xbd: {  	s3 =	sand.u32 $0x4000, s31;
	s1 =	sadd.s32 s1, s30  }
0xbe: {  	s0 =	sor.u32 s3, s0;
	s1 =	sshll.u32 s1, $0x11  }
0xbf: {  	s0 =	sor.u32 s1, s0  }
0xc0: {  	s0 =	sadd.s32 $0x8F2B, s0  }
0xc1: {  	[sflag:s0] =	ssyncadd.remote.s32 $0x1  }
0xc2: {  	_ =	sfence.sel $0xFFFF  }
0xc3: {  	[dreg:$0x0] =	wrdreg $0xFFFFFFFF;
	(pc) =	sbr.abs _section_cstart, $3  }
0xc4: {  	[dreg:$0x1] =	wrdreg $0xFFFFFFFF  }
0xc5: {  	_ =	task.clear_ibuf [dreg:s9], $0x2FFFF;
	_ =	strace $0x9FFFFFFF  }
0xc6: {  	(tm) =	ssettm $0x7FFFFFFF  }
0xc7: {  	_ =	shalt  }
tec
execute0_lowered:
.L_overlay_start_1:
0x0: {  	(tag) =	ssettag $0x1  }
0x1: {  	s6 =	rddreg [dreg:$0x0];
	s2 =	srdreg.scid  }
0x2: {  	s1 =	rddreg [dreg:$0x1];
	s0 =	stileid.u32;
	s2 =	sand.u32 $0x1, s2  }
0x3: {  	s3 =	rddreg [dreg:$0x2];
	s7 =	sshll.u32 s0, $0x9;
	s8 =	sshll.u32 s2, $0x8  }
0x4: {  	s5 =	rddreg [dreg:$0x3];
	s7 =	sor.u32 s8, s7  }
0x5: {  	s4 =	simm.s32 $0x0;
	s8 =	sshll.u32 s7, $0x7;
	s9 =	sshrl.u32 s7, $0x3  }
0x6: {  	[smem:$0x7FF] =	sst s4;
	s8 =	sadd.s32 s8, s5;
	s6 =	sadd.s32 s6, s9  }
0x7: {  	_ =	strace $0x80000047;
	[dreg:$0x5] =	wrdreg s6;
	s23 =	sadd.s32 $0x9E800, s8  }
0x8: {  	s24 =	sadd.s32 $0x9F000, s8;
	[dreg:$0x6] =	wrdreg s23  }
0x9: {  	s25 =	sadd.s32 $0x9F800, s8;
	[dreg:$0x7] =	wrdreg s24  }
0xa: {  	s26 =	sadd.s32 $0xA0000, s8;
	[dreg:$0x8] =	wrdreg s25  }
0xb: {  	s0 =	sadd.s32 $0xA0800, s8;
	[dreg:$0x9] =	wrdreg s26  }
0xc: {  	s9 =	sadd.s32 $0xA1000, s8;
	[dreg:$0xa] =	wrdreg s0  }
0xd: {  	s10 =	sadd.s32 $0xA1800, s8;
	[dreg:$0xb] =	wrdreg s9  }
0xe: {  	s11 =	sadd.s32 $0xA2000, s8;
	[dreg:$0xc] =	wrdreg s10  }
0xf: {  	s12 =	sadd.s32 $0xA2800, s8;
	[dreg:$0xd] =	wrdreg s11  }
0x10: {  	s13 =	sadd.s32 $0xA3000, s8;
	[dreg:$0xe] =	wrdreg s12  }
0x11: {  	s14 =	sadd.s32 $0xA3800, s8;
	[dreg:$0xf] =	wrdreg s13  }
0x12: {  	s15 =	sadd.s32 $0xA4000, s8;
	[dreg:$0x10] =	wrdreg s14  }
0x13: {  	s16 =	sadd.s32 $0xA4800, s8;
	[dreg:$0x11] =	wrdreg s15  }
0x14: {  	s17 =	sshll.u32 s7, $0x5;
	s18 =	sadd.s32 $0xA5000, s8;
	[dreg:$0x12] =	wrdreg s16  }
0x15: {  	s7 =	sshll.u32 s7, $0x4;
	s19 =	sadd.s32 $0xA5800, s8;
	[dreg:$0x13] =	wrdreg s18  }
0x16: {  	s7 =	sadd.s32 s7, s5;
	s20 =	sadd.s32 $0xA6000, s8;
	[dreg:$0x14] =	wrdreg s19  }
0x17: {  	s22 =	sadd.s32 $0x1DE800, s7;
	[dreg:$0x15] =	wrdreg s20  }
0x18: {  	s7 =	simm.s32 $0x7400;
	[dreg:$0x17] =	wrdreg s22  }
0x19: {  	s28 =	simm.s32 $0x12C00;
	s8 =	simm.s32 $0x7C00;
	[dreg:$0x1d] =	wrdreg s7  }
0x1a: {  	s29 =	simm.s32 $0x13400;
	s23 =	simm.s32 $0x4C00;
	[dreg:$0x1e] =	wrdreg s8  }
0x1b: {  	s30 =	simm.s32 $0x13C00;
	s24 =	simm.s32 $0x5400;
	[dreg:$0x18] =	wrdreg s23  }
0x1c: {  	s31 =	simm.s32 $0x380;
	s25 =	simm.s32 $0x5C00;
	[dreg:$0x19] =	wrdreg s24  }
0x1d: {  	s2 =	ssub.s32 $0x2, s2;
	s26 =	simm.s32 $0x6400;
	[dreg:$0x1a] =	wrdreg s25  }
0x1e: {  	s6 =	sadd.s32 $0x100, s1;
	s0 =	simm.s32 $0x6C00;
	[dreg:$0x1b] =	wrdreg s26  }
0x1f: {  	s9 =	sadd.s32 s17, s5;
	s11 =	simm.s32 $0x8C00;
	[dreg:$0x1c] =	wrdreg s0  }
0x20: {  	s5 =	sadd.s32 $0x2400, s5;
	s12 =	simm.s32 $0x9400;
	[smem:$0x7ED] =	sst s11  }
0x21: {  	s10 =	sshrl.u32 s2, $0x1;
	s13 =	simm.s32 $0x9C00;
	[smem:$0x7EE] =	sst s12  }
0x22: {  	s7 =	sadd.s32 $0x200, s1;
	s14 =	simm.s32 $0xA400;
	[smem:$0x7EF] =	sst s13  }
0x23: {  	s8 =	sadd.s32 $0x300, s1;
	s15 =	simm.s32 $0xB400;
	[smem:$0x7F0] =	sst s14  }
0x24: {  	s16 =	simm.s32 $0xBC00;
	s17 =	simm.s32 $0x300;
	[smem:$0x7F2] =	sst s15  }
0x25: {  	s18 =	simm.s32 $0xC400;
	s19 =	simm.s32 $0xCC00;
	[smem:$0x7F3] =	sst s16  }
0x26: {  	s20 =	simm.s32 $0xD400;
	s22 =	simm.s32 $0xE400;
	[smem:$0x7F4] =	sst s17  }
0x27: {  	s21 =	sadd.s32 $0x19E800, s9;
	s9 =	simm.s32 $0x8400;
	[smem:$0x7F5] =	sst s18  }
0x28: {  	s2 =	ssub.s32 s2, s10;
	s10 =	simm.s32 $0xAC00;
	[smem:$0x7F6] =	sst s19  }
0x29: {  	s11 =	simm.s32 $0x400;
	s12 =	simm.s32 $0xC00;
	[smem:$0x7F7] =	sst s20  }
0x2a: {  	s13 =	simm.s32 $0x1400;
	s14 =	simm.s32 $0x1C00;
	[smem:$0x7F9] =	sst s22  }
0x2b: {  	s15 =	simm.s32 $0x2400;
	s16 =	simm.s32 $0x2C00;
	[dreg:$0x16] =	wrdreg s21  }
0x2c: {  	s17 =	simm.s32 $0x3400;
	s23 =	simm.s32 $0xEC00;
	[dreg:$0x1f] =	wrdreg s9  }
0x2d: {  	s18 =	simm.s32 $0x3C00;
	s24 =	simm.s32 $0xF400;
	[smem:$0x7F1] =	sst s10  }
0x2e: {  	s19 =	simm.s32 $0x1;
	s25 =	simm.s32 $0xFC00;
	[smem:$0x7FA] =	sst s23  }
0x2f: {  	s20 =	simm.s32 $0x4400;
	s26 =	simm.s32 $0x10400;
	[smem:$0x7FB] =	sst s24  }
0x30: {  	s22 =	simm.s32 $0x14400;
	s9 =	smax.u32 s2, $0x1;
	[smem:$0x7FC] =	sst s25  }
0x31: {  	v2 =	vlaneseq.u32;
	s10 =	simm.s32 $0x2;
	s21 =	simm.s32 $0xDC00;
	[smem:$0x7FD] =	sst s26  }
0x32: {  	vm0 =	vmmov $0xffff;
	v1 =	vshrl.u32 v2, $0x3;
	s24 =	simm.s32 $0x11400;
	s25 =	simm.s32 $0x11C00;
	s26 =	simm.s32 $0x12400  }
0x33: {  	v0 =	vand.u32 $0x7, v2;
	v2 =	vor.u32 $0x8, v2;
	v1 =	vmul.u32 $0x8, v1;
	s2 =	simm.s32 $0x18400;
	[smem:$0x7F8] =	sst s21;
	s21 =	simm.s32 $0x80  }
.LBB2_1:
0x34: {  	s0 =	rddreg [dreg:$0x5]  }
0x35: {  	[tilespmem:s4], [sflag:$0x2] =	stream.linear.gather [hbm4b:s0+s4], $0x100, $0x38;
	[tilespmem:$0x1C400] =	vst v63  }
0x36: {  	_ =	swait.ge [sflag:s10], $0x100  }
0x37: {  	[sflag:s10] =	ssyncset.done $0x0  }
0x38: {  	[sflag:s10] =	ssyncadd.s32 $0xFFFFFF00  }
0x39: {  	v3 =	vld [tilespmem:$0x0];
	_ =	sdelay $0x2  }
0x3a: {  	v4 =	vld [tilespmem:$0x10];
	_ =	sdelay $0x1  }
0x3b: {  	vm1 =	vlt.s32 v3, $0x4E20;
	v5 =	vadd.s32 $0xFFFFB1E0, v3  }
0x3c: {  	v7 =	vld [tilespmem:$0x20];
	vm2 =	vgt.s32 v3, $0xEA60;
	v6 =	vnsel vm1, $0x0, v3;
	vm1 =	vlt.u32 v5, $0x9C40  }
0x3d: {  	v35 =	vld [tilespmem:$0x30];
	v3 =	vnsel vm2, $0xEA60, v3;
	[tilespmem:$0x100] =	vst v6;
	v5 =	vnsel vm1, $0x0, v5  }
0x3e: {  	v34 =	vadd.s32 $0xFFFFB1E0, v4;
	v3 =	vadd.s32 $0xFFFF15A0, v3;
	vm1 =	vlt.s32 v4, $0x4E20;
	[tilespmem:$0x200] =	vst v5  }
0x3f: {  	v38 =	vld [tilespmem:$0x40];
	vm2 =	vgt.s32 v4, $0xEA60;
	[tilespmem:$0x300] =	vst v3;
	v3 =	vnsel vm1, $0x0, v4;
	vm1 =	vlt.u32 v34, $0x9C40  }
0x40: {  	v60 =	vld [tilespmem:$0xA0];
	v4 =	vnsel vm2, $0xEA60, v4;
	[tilespmem:$0x110] =	vst v3;
	v3 =	vnsel vm1, $0x0, v34  }
0x41: {  	v42 =	vld [tilespmem:$0x50];
	vm2 =	vgt.s32 v7, $0xEA60;
	v4 =	vadd.s32 $0xFFFF15A0, v4;
	vm1 =	vlt.s32 v7, $0x4E20;
	[tilespmem:$0x210] =	vst v3  }
0x42: {  	v46 =	vld [tilespmem:$0x60];
	v37 =	vnsel vm2, $0xEA60, v7;
	vm2 =	vgt.s32 v35, $0xEA60;
	[tilespmem:$0x310] =	vst v4;
	v36 =	vnsel vm1, $0x0, v7  }
0x43: {  	v3 =	vadd.s32 $0xFFFFB1E0, v7;
	v39 =	vadd.s32 $0xFFFF15A0, v37;
	v41 =	vnsel vm2, $0xEA60, v35;
	[tilespmem:$0x120] =	vst v36  }
0x44: {  	v50 =	vld [tilespmem:$0x70];
	vm2 =	vgt.s32 v38, $0xEA60;
	vm1 =	vlt.u32 v3, $0x9C40;
	[tilespmem:$0x320] =	vst v39;
	v43 =	vadd.s32 $0xFFFF15A0, v41  }
0x45: {  	v54 =	vld [tilespmem:$0x80];
	v13 =	vadd.s32 $0xFFFFB1E0, v60;
	v45 =	vnsel vm2, $0xEA60, v38;
	v3 =	vnsel vm1, $0x0, v3;
	[tilespmem:$0x330] =	vst v43  }
0x46: {  	vm2 =	vgt.s32 v42, $0xEA60;
	vm1 =	vlt.s32 v35, $0x4E20;
	v47 =	vadd.s32 $0xFFFF15A0, v45;
	[tilespmem:$0x220] =	vst v3  }
0x47: {  	v58 =	vld [tilespmem:$0x90];
	v49 =	vnsel vm2, $0xEA60, v42;
	vm2 =	vgt.s32 v46, $0xEA60;
	v40 =	vnsel vm1, $0x0, v35;
	[tilespmem:$0x340] =	vst v47  }
0x48: {  	v3 =	vadd.s32 $0xFFFFB1E0, v35;
	v51 =	vadd.s32 $0xFFFF15A0, v49;
	v53 =	vnsel vm2, $0xEA60, v46;
	[tilespmem:$0x130] =	vst v40  }
0x49: {  	vm2 =	vgt.s32 v50, $0xEA60;
	vm1 =	vlt.u32 v3, $0x9C40;
	[tilespmem:$0x350] =	vst v51;
	v55 =	vadd.s32 $0xFFFF15A0, v53  }
0x4a: {  	v57 =	vnsel vm2, $0xEA60, v50;
	vm2 =	vgt.s32 v54, $0xEA60;
	v3 =	vnsel vm1, $0x0, v3;
	[tilespmem:$0x360] =	vst v55  }
0x4b: {  	v63 =	vld [tilespmem:$0xB0];
	vm1 =	vlt.s32 v38, $0x4E20;
	v59 =	vadd.s32 $0xFFFF15A0, v57;
	v7 =	vnsel vm2, $0xEA60, v54;
	[tilespmem:$0x230] =	vst v3  }
0x4c: {  	v8 =	vld [tilespmem:$0xC0];
	vm2 =	vgt.s32 v58, $0xEA60;
	v3 =	vadd.s32 $0xFFFFB1E0, v38;
	v44 =	vnsel vm1, $0x0, v38;
	[tilespmem:$0x370] =	vst v59  }
0x4d: {  	v62 =	vadd.s32 $0xFFFF15A0, v7;
	v6 =	vnsel vm2, $0xEA60, v58;
	vm1 =	vlt.u32 v3, $0x9C40;
	[tilespmem:$0x140] =	vst v44  }
0x4e: {  	vm2 =	vlt.u32 v13, $0x9C40;
	[tilespmem:$0x380] =	vst v62;
	v12 =	vadd.s32 $0xFFFF15A0, v6;
	v3 =	vnsel vm1, $0x0, v3  }
0x4f: {  	v16 =	vld [tilespmem:$0xD0];
	v14 =	vnsel vm2, $0x0, v13;
	vm1 =	vlt.s32 v42, $0x4E20;
	[tilespmem:$0x240] =	vst v3;
	v3 =	vadd.s32 $0xFFFFB1E0, v42  }
0x50: {  	vm2 =	vgt.s32 v63, $0xEA60;
	[tilespmem:$0x390] =	vst v12;
	v48 =	vnsel vm1, $0x0, v42;
	vm1 =	vlt.u32 v3, $0x9C40  }
0x51: {  	v19 =	vadd.s32 $0xFFFFB1E0, v8;
	[tilespmem:$0x2A0] =	vst v14;
	v18 =	vnsel vm2, $0xEA60, v63;
	v3 =	vnsel vm1, $0x0, v3  }
0x52: {  	vm2 =	vlt.u32 v19, $0x9C40;
	vm1 =	vlt.s32 v46, $0x4E20;
	[tilespmem:$0x250] =	vst v3;
	v3 =	vadd.s32 $0xFFFFB1E0, v46  }
0x53: {  	v20 =	vadd.s32 $0xFFFF15A0, v18;
	[tilespmem:$0x150] =	vst v48;
	v52 =	vnsel vm1, $0x0, v46;
	vm1 =	vlt.u32 v3, $0x9C40  }
0x54: {  	v7 =	vnsel vm2, $0x0, v19;
	vm2 =	vgt.s32 v16, $0xEA60;
	[tilespmem:$0x3B0] =	vst v20;
	v3 =	vnsel vm1, $0x0, v3  }
0x55: {  	v6 =	vnsel vm2, $0xEA60, v16;
	vm1 =	vlt.s32 v50, $0x4E20;
	[tilespmem:$0x260] =	vst v3;
	v3 =	vadd.s32 $0xFFFFB1E0, v50  }
0x56: {  	[tilespmem:$0x2C0] =	vst v7;
	v25 =	vadd.s32 $0xFFFF15A0, v6;
	v56 =	vnsel vm1, $0x0, v50;
	vm1 =	vlt.u32 v3, $0x9C40  }
0x57: {  	[tilespmem:$0x3D0] =	vst v25;
	v3 =	vnsel vm1, $0x0, v3  }
0x58: {  	vm1 =	vlt.s32 v54, $0x4E20;
	[tilespmem:$0x270] =	vst v3;
	v3 =	vadd.s32 $0xFFFFB1E0, v54  }
0x59: {  	[tilespmem:$0x160] =	vst v52;
	v61 =	vnsel vm1, $0x0, v54;
	vm1 =	vlt.u32 v3, $0x9C40  }
0x5a: {  	[tilespmem:$0x170] =	vst v56;
	v3 =	vnsel vm1, $0x0, v3  }
0x5b: {  	vm1 =	vlt.s32 v58, $0x4E20;
	[tilespmem:$0x280] =	vst v3;
	v3 =	vadd.s32 $0xFFFFB1E0, v58  }
0x5c: {  	v9 =	vld [tilespmem:$0xE0];
	vm3 =	vgt.s32 v60, $0xEA60;
	[tilespmem:$0x180] =	vst v61;
	v11 =	vnsel vm1, $0x0, v58;
	vm1 =	vlt.u32 v3, $0x9C40  }
0x5d: {  	v15 =	vadd.s32 $0xFFFFB1E0, v63;
	v21 =	vld [tilespmem:$0x100];
	[tilespmem:$0x190] =	vst v11;
	v3 =	vnsel vm1, $0x0, v3;
	vm1 =	vlt.s32 v60, $0x4E20  }
0x5e: {  	v5 =	vnsel vm3, $0xEA60, v60;
	[tilespmem:$0x290] =	vst v3;
	v3 =	vnsel vm1, $0x0, v60;
	vm1 =	vlt.s32 v63, $0x4E20  }
0x5f: {  	[tilespmem:$0x1A0] =	vst v3;
	v3 =	vadd.s32 $0xFFFF15A0, v5;
	v17 =	vnsel vm1, $0x0, v63;
	vm1 =	vlt.u32 v15, $0x9C40  }
0x60: {  	v23 =	vadd.s32 $0xFFFFB1E0, v16;
	[tilespmem:$0x3A0] =	vst v3;
	v3 =	vnsel vm1, $0x0, v15;
	vm1 =	vlt.s32 v8, $0x4E20  }
0x61: {  	v28 =	vadd.s32 $0xFFFFB1E0, v9;
	[tilespmem:$0x2B0] =	vst v3;
	v3 =	vnsel vm1, $0x0, v8;
	vm1 =	vgt.s32 v8, $0xEA60  }
0x62: {  	v26 =	vld [tilespmem:$0xF0];
	v27 =	vshll.u32 v21, $0x3;
	vm2 =	vlt.u32 v28, $0x9C40;
	[tilespmem:$0x1B0] =	vst v17;
	v22 =	vnsel vm1, $0xEA60, v8  }
0x63: {  	v5 =	vand.u32 $0x7, v21;
	vm1 =	vlt.s32 v16, $0x4E20;
	[tilespmem:$0x1C0] =	vst v3;
	v4 =	vadd.s32 $0xFFFF15A0, v22  }
0x64: {  	v8 =	vand.u32 $0xFFFFFFC0, v27;
	v3 =	vnsel vm1, $0x0, v16;
	vm1 =	vlt.u32 v23, $0x9C40;
	[tilespmem:$0x3C0] =	vst v4  }
0x65: {  	v5 =	vor.u32 v5, v8;
	v24 =	vnsel vm1, $0x0, v23;
	vm1 =	vlt.s32 v9, $0x4E20;
	[tilespmem:$0x1D0] =	vst v3  }
0x66: {  	v8 =	vperm.xlane v5, v0;
	v3 =	vnsel vm1, $0x0, v9;
	[tilespmem:$0x2D0] =	vst v24;
	vm1 =	vgt.s32 v9, $0xEA60  }
0x67: {  	v29 =	vnsel vm1, $0xEA60, v9;
	[tilespmem:$0x1E0] =	vst v3;
	v3 =	vnsel vm2, $0x0, v28;
	vm1 =	vlt.s32 v26, $0x4E20  }
0x68: {  	v30 =	vadd.s32 v1, v8;
	v4 =	vadd.s32 $0xFFFF15A0, v29;
	[tilespmem:$0x2E0] =	vst v3;
	v3 =	vadd.s32 $0xFFFFB1E0, v26  }
0x69: {  	vm2 =	vgt.s32 v26, $0xEA60;
	v31 =	vnsel vm1, $0x0, v26;
	[tilespmem:$0x3E0] =	vst v4;
	vm1 =	vlt.u32 v3, $0x9C40  }
0x6a: {  	v32 =	vnsel vm2, $0xEA60, v26;
	[tilespmem:$0x1F0] =	vst v31;
	v3 =	vnsel vm1, $0x0, v3  }
0x6b: {  	[tilespmem:$0x2F0] =	vst v3;
	v3 =	vadd.s32 $0xFFFF15A0, v32  }
0x6c: {  	[tilespmem:$0x3F0] =	vst v3  }
0x6d: {  	[tilespmem:s11], [sflag:$0x1] =	stream.indirect_vreg.gather [hbm4b:s1+s4], $0x80, v30, vm0, $0xb8;
	[tilespmem:$0x1C400] =	vst v63  }
0x6e: {  	v3 =	vperm.xlane v5, v2  }
0x6f: {  	[tilespmem:s12], [sflag:$0x1] =	stream.indirect_vreg.gather [hbm4b:s6+s4], $0x80, v30, vm0, $0xb8;
	[tilespmem:$0x1C400] =	vst v63  }
0x70: {  	v3 =	vadd.s32 v1, v3  }
0x71: {  	[tilespmem:s13], [sflag:$0x1] =	stream.indirect_vreg.gather [hbm4b:s7+s4], $0x80, v30, vm0, $0xb8;
	[tilespmem:$0x1C400] =	vst v63  }
0x72: {  	_ = 	snop  }
0x73: {  	[tilespmem:s14], [sflag:$0x1] =	stream.indirect_vreg.gather [hbm4b:s8+s4], $0x80, v30, vm0, $0xb8;
	[tilespmem:$0x1C400] =	vst v63  }
0x74: {  	_ = 	snop  }
0x75: {  	[tilespmem:s15], [sflag:$0x1] =	stream.indirect_vreg.gather [hbm4b:s1+s4], $0x80, v3, vm0, $0xb8;
	[tilespmem:$0x1C400] =	vst v63  }
0x76: {  	_ = 	snop  }
0x77: {  	[tilespmem:s16], [sflag:$0x1] =	stream.indirect_vreg.gather [hbm4b:s6+s4], $0x80, v3, vm0, $0xb8;
	[tilespmem:$0x1C400] =	vst v63  }
0x78: {  	_ = 	snop  }
0x79: {  	[tilespmem:s17], [sflag:$0x1] =	stream.indirect_vreg.gather [hbm4b:s7+s4], $0x80, v3, vm0, $0xb8;
	[tilespmem:$0x1C400] =	vst v63  }
0x7a: {  	_ = 	snop  }
0x7b: {  	[tilespmem:s18], [sflag:$0x1] =	stream.indirect_vreg.gather [hbm4b:s8+s4], $0x80, v3, vm0, $0xb8;
	[tilespmem:$0x1C400] =	vst v63  }
0x7c: {  	_ =	swait.ge [sflag:s19], $0x4000  }
0x7d: {  	[sflag:s19] =	ssyncset.done $0x0  }
0x7e: {  	s23 =	rddreg [dreg:$0x6];
	[sflag:s19] =	ssyncadd.s32 $0xFFFFC000  }
0x7f: {  	[hbm4b:s23+s4] =	stream.linear.scatter [tilespmem:s11], [sflag:$0x2], $0x4000, $0x38;
	[tilespmem:$0x1C400] =	vst v63  }
0x80: {  	_ =	swait.ge [sflag:s10], $0x4000  }
0x81: {  	[sflag:s10] =	ssyncset.done $0x0  }
0x82: {  	[sflag:s10] =	ssyncadd.s32 $0xFFFFC000  }
0x83: {  	v3 =	vld [tilespmem:$0x110];
	_ =	sdelay $0x4  }
0x84: {  	v33 =	vshll.u32 v3, $0x3  }
0x85: {  	v3 =	vand.u32 $0x7, v3;
	v4 =	vand.u32 $0xFFFFFFC0, v33  }
0x86: {  	v3 =	vor.u32 v3, v4  }
0x87: {  	v4 =	vperm.xlane v3, v0;
	_ =	sdelay $0x1  }
0x88: {  	v4 =	vadd.s32 v1, v4;
	_ =	sdelay $0x4  }
0x89: {  	[tilespmem:s11], [sflag:$0x1] =	stream.indirect_vreg.gather [hbm4b:s1+s4], $0x80, v4, vm0, $0xb8;
	[tilespmem:$0x1C400] =	vst v63  }
0x8a: {  	v3 =	vperm.xlane v3, v2  }
0x8b: {  	[tilespmem:s12], [sflag:$0x1] =	stream.indirect_vreg.gather [hbm4b:s6+s4], $0x80, v4, vm0, $0xb8;
	[tilespmem:$0x1C400] =	vst v63  }
0x8c: {  	v3 =	vadd.s32 v1, v3  }
0x8d: {  	[tilespmem:s13], [sflag:$0x1] =	stream.indirect_vreg.gather [hbm4b:s7+s4], $0x80, v4, vm0, $0xb8;
	[tilespmem:$0x1C400] =	vst v63  }
0x8e: {  	_ = 	snop  }
0x8f: {  	[tilespmem:s14], [sflag:$0x1] =	stream.indirect_vreg.gather [hbm4b:s8+s4], $0x80, v4, vm0, $0xb8;
	[tilespmem:$0x1C400] =	vst v63  }
0x90: {  	_ = 	snop  }
0x91: {  	[tilespmem:s15], [sflag:$0x1] =	stream.indirect_vreg.gather [hbm4b:s1+s4], $0x80, v3, vm0, $0xb8;
	[tilespmem:$0x1C400] =	vst v63  }
0x92: {  	_ = 	snop  }
0x93: {  	[tilespmem:s16], [sflag:$0x1] =	stream.indirect_vreg.gather [hbm4b:s6+s4], $0x80, v3, vm0, $0xb8;
	[tilespmem:$0x1C400] =	vst v63  }
0x94: {  	_ = 	snop  }
0x95: {  	[tilespmem:s17], [sflag:$0x1] =	stream.indirect_vreg.gather [hbm4b:s7+s4], $0x80, v3, vm0, $0xb8;
	[tilespmem:$0x1C400] =	vst v63  }
0x96: {  	_ = 	snop  }
0x97: {  	[tilespmem:s18], [sflag:$0x1] =	stream.indirect_vreg.gather [hbm4b:s8+s4], $0x80, v3, vm0, $0xb8;
	[tilespmem:$0x1C400] =	vst v63  }
0x98: {  	_ =	swait.ge [sflag:s19], $0x4000  }
0x99: {  	[sflag:s19] =	ssyncset.done $0x0  }
0x9a: {  	s23 =	rddreg [dreg:$0x7];
	[sflag:s19] =	ssyncadd.s32 $0xFFFFC000  }
0x9b: {  	[hbm4b:s23+s4] =	stream.linear.scatter [tilespmem:s11], [sflag:$0x2], $0x4000, $0x38;
	[tilespmem:$0x1C400] =	vst v63  }
0x9c: {  	_ =	swait.ge [sflag:s10], $0x4000  }
0x9d: {  	[sflag:s10] =	ssyncset.done $0x0  }
0x9e: {  	[sflag:s10] =	ssyncadd.s32 $0xFFFFC000  }
0x9f: {  	v3 =	vld [tilespmem:$0x120];
	_ =	sdelay $0x4  }
0xa0: {  	v34 =	vshll.u32 v3, $0x3  }
0xa1: {  	v3 =	vand.u32 $0x7, v3;
	v4 =	vand.u32 $0xFFFFFFC0, v34  }
0xa2: {  	v3 =	vor.u32 v3, v4  }
0xa3: {  	v4 =	vperm.xlane v3, v0;
	_ =	sdelay $0x1  }
0xa4: {  	v4 =	vadd.s32 v1, v4;
	_ =	sdelay $0x4  }
0xa5: {  	[tilespmem:s11], [sflag:$0x1] =	stream.indirect_vreg.gather [hbm4b:s1+s4], $0x80, v4, vm0, $0xb8;
	[tilespmem:$0x1C400] =	vst v63  }
0xa6: {  	v3 =	vperm.xlane v3, v2  }
0xa7: {  	[tilespmem:s12], [sflag:$0x1] =	stream.indirect_vreg.gather [hbm4b:s6+s4], $0x80, v4, vm0, $0xb8;
	[tilespmem:$0x1C400] =	vst v63  }
0xa8: {  	v3 =	vadd.s32 v1, v3  }
0xa9: {  	[tilespmem:s13], [sflag:$0x1] =	stream.indirect_vreg.gather [hbm4b:s7+s4], $0x80, v4, vm0, $0xb8;
	[tilespmem:$0x1C400] =	vst v63  }
0xaa: {  	_ = 	snop  }
0xab: {  	[tilespmem:s14], [sflag:$0x1] =	stream.indirect_vreg.gather [hbm4b:s8+s4], $0x80, v4, vm0, $0xb8;
	[tilespmem:$0x1C400] =	vst v63  }
0xac: {  	_ = 	snop  }
0xad: {  	[tilespmem:s15], [sflag:$0x1] =	stream.indirect_vreg.gather [hbm4b:s1+s4], $0x80, v3, vm0, $0xb8;
	[tilespmem:$0x1C400] =	vst v63  }
0xae: {  	_ = 	snop  }
0xaf: {  	[tilespmem:s16], [sflag:$0x1] =	stream.indirect_vreg.gather [hbm4b:s6+s4], $0x80, v3, vm0, $0xb8;
	[tilespmem:$0x1C400] =	vst v63  }
0xb0: {  	_ = 	snop  }
0xb1: {  	[tilespmem:s17], [sflag:$0x1] =	stream.indirect_vreg.gather [hbm4b:s7+s4], $0x80, v3, vm0, $0xb8;
	[tilespmem:$0x1C400] =	vst v63  }
0xb2: {  	_ = 	snop  }
0xb3: {  	[tilespmem:s18], [sflag:$0x1] =	stream.indirect_vreg.gather [hbm4b:s8+s4], $0x80, v3, vm0, $0xb8;
	[tilespmem:$0x1C400] =	vst v63  }
0xb4: {  	_ =	swait.ge [sflag:s19], $0x4000  }
0xb5: {  	[sflag:s19] =	ssyncset.done $0x0  }
0xb6: {  	s23 =	rddreg [dreg:$0x8];
	[sflag:s19] =	ssyncadd.s32 $0xFFFFC000  }
0xb7: {  	[hbm4b:s23+s4] =	stream.linear.scatter [tilespmem:s11], [sflag:$0x2], $0x4000, $0x38;
	[tilespmem:$0x1C400] =	vst v63  }
0xb8: {  	_ =	swait.ge [sflag:s10], $0x4000  }
0xb9: {  	[sflag:s10] =	ssyncset.done $0x0  }
0xba: {  	[sflag:s10] =	ssyncadd.s32 $0xFFFFC000  }
0xbb: {  	v3 =	vld [tilespmem:$0x130];
	_ =	sdelay $0x4  }
0xbc: {  	v35 =	vshll.u32 v3, $0x3  }
0xbd: {  	v3 =	vand.u32 $0x7, v3;
	v4 =	vand.u32 $0xFFFFFFC0, v35  }
0xbe: {  	v3 =	vor.u32 v3, v4  }
0xbf: {  	v4 =	vperm.xlane v3, v0;
	_ =	sdelay $0x1  }
0xc0: {  	v4 =	vadd.s32 v1, v4;
	_ =	sdelay $0x4  }
0xc1: {  	[tilespmem:s11], [sflag:$0x1] =	stream.indirect_vreg.gather [hbm4b:s1+s4], $0x80, v4, vm0, $0xb8;
	[tilespmem:$0x1C400] =	vst v63  }
0xc2: {  	v3 =	vperm.xlane v3, v2  }
0xc3: {  	[tilespmem:s12], [sflag:$0x1] =	stream.indirect_vreg.gather [hbm4b:s6+s4], $0x80, v4, vm0, $0xb8;
	[tilespmem:$0x1C400] =	vst v63  }
0xc4: {  	v3 =	vadd.s32 v1, v3  }
0xc5: {  	[tilespmem:s13], [sflag:$0x1] =	stream.indirect_vreg.gather [hbm4b:s7+s4], $0x80, v4, vm0, $0xb8;
	[tilespmem:$0x1C400] =	vst v63  }
0xc6: {  	_ = 	snop  }
0xc7: {  	[tilespmem:s14], [sflag:$0x1] =	stream.indirect_vreg.gather [hbm4b:s8+s4], $0x80, v4, vm0, $0xb8;
	[tilespmem:$0x1C400] =	vst v63  }
0xc8: {  	_ = 	snop  }
0xc9: {  	[tilespmem:s15], [sflag:$0x1] =	stream.indirect_vreg.gather [hbm4b:s1+s4], $0x80, v3, vm0, $0xb8;
	[tilespmem:$0x1C400] =	vst v63  }
0xca: {  	_ = 	snop  }
0xcb: {  	[tilespmem:s16], [sflag:$0x1] =	stream.indirect_vreg.gather [hbm4b:s6+s4], $0x80, v3, vm0, $0xb8;
	[tilespmem:$0x1C400] =	vst v63  }
0xcc: {  	_ = 	snop  }
0xcd: {  	[tilespmem:s17], [sflag:$0x1] =	stream.indirect_vreg.gather [hbm4b:s7+s4], $0x80, v3, vm0, $0xb8;
	[tilespmem:$0x1C400] =	vst v63  }
0xce: {  	_ = 	snop  }
0xcf: {  	[tilespmem:s18], [sflag:$0x1] =	stream.indirect_vreg.gather [hbm4b:s8+s4], $0x80, v3, vm0, $0xb8;
	[tilespmem:$0x1C400] =	vst v63  }
0xd0: {  	_ =	swait.ge [sflag:s19], $0x4000  }
0xd1: {  	[sflag:s19] =	ssyncset.done $0x0  }
0xd2: {  	s23 =	rddreg [dreg:$0x9];
	[sflag:s19] =	ssyncadd.s32 $0xFFFFC000  }
0xd3: {  	[hbm4b:s23+s4] =	stream.linear.scatter [tilespmem:s11], [sflag:$0x2], $0x4000, $0x38;
	[tilespmem:$0x1C400] =	vst v63  }
0xd4: {  	_ =	swait.ge [sflag:s10], $0x4000  }
0xd5: {  	[sflag:s10] =	ssyncset.done $0x0  }
0xd6: {  	[sflag:s10] =	ssyncadd.s32 $0xFFFFC000  }
0xd7: {  	v3 =	vld [tilespmem:$0x140];
	_ =	sdelay $0x4  }
0xd8: {  	v36 =	vshll.u32 v3, $0x3  }
0xd9: {  	v3 =	vand.u32 $0x7, v3;
	v4 =	vand.u32 $0xFFFFFFC0, v36  }
0xda: {  	v3 =	vor.u32 v3, v4  }
0xdb: {  	v4 =	vperm.xlane v3, v0;
	_ =	sdelay $0x1  }
0xdc: {  	v4 =	vadd.s32 v1, v4;
	_ =	sdelay $0x4  }
0xdd: {  	[tilespmem:s11], [sflag:$0x1] =	stream.indirect_vreg.gather [hbm4b:s1+s4], $0x80, v4, vm0, $0xb8;
	[tilespmem:$0x1C400] =	vst v63  }
0xde: {  	v3 =	vperm.xlane v3, v2  }
0xdf: {  	[tilespmem:s12], [sflag:$0x1] =	stream.indirect_vreg.gather [hbm4b:s6+s4], $0x80, v4, vm0, $0xb8;
	[tilespmem:$0x1C400] =	vst v63  }
0xe0: {  	v3 =	vadd.s32 v1, v3  }
0xe1: {  	[tilespmem:s13], [sflag:$0x1] =	stream.indirect_vreg.gather [hbm4b:s7+s4], $0x80, v4, vm0, $0xb8;
	[tilespmem:$0x1C400] =	vst v63  }
0xe2: {  	_ = 	snop  }
0xe3: {  	[tilespmem:s14], [sflag:$0x1] =	stream.indirect_vreg.gather [hbm4b:s8+s4], $0x80, v4, vm0, $0xb8;
	[tilespmem:$0x1C400] =	vst v63  }
0xe4: {  	_ = 	snop  }
0xe5: {  	[tilespmem:s15], [sflag:$0x1] =	stream.indirect_vreg.gather [hbm4b:s1+s4], $0x80, v3, vm0, $0xb8;
	[tilespmem:$0x1C400] =	vst v63  }
0xe6: {  	_ = 	snop  }
0xe7: {  	[tilespmem:s16], [sflag:$0x1] =	stream.indirect_vreg.gather [hbm4b:s6+s4], $0x80, v3, vm0, $0xb8;
	[tilespmem:$0x1C400] =	vst v63  }
0xe8: {  	_ = 	snop  }
0xe9: {  	[tilespmem:s17], [sflag:$0x1] =	stream.indirect_vreg.gather [hbm4b:s7+s4], $0x80, v3, vm0, $0xb8;
	[tilespmem:$0x1C400] =	vst v63  }
0xea: {  	_ = 	snop  }
0xeb: {  	[tilespmem:s18], [sflag:$0x1] =	stream.indirect_vreg.gather [hbm4b:s8+s4], $0x80, v3, vm0, $0xb8;
	[tilespmem:$0x1C400] =	vst v63  }
0xec: {  	_ =	swait.ge [sflag:s19], $0x4000  }
0xed: {  	[sflag:s19] =	ssyncset.done $0x0  }
0xee: {  	s23 =	rddreg [dreg:$0xa];
	[sflag:s19] =	ssyncadd.s32 $0xFFFFC000  }
0xef: {  	[hbm4b:s23+s4] =	stream.linear.scatter [tilespmem:s11], [sflag:$0x2], $0x4000, $0x38;
	[tilespmem:$0x1C400] =	vst v63  }
0xf0: {  	_ =	swait.ge [sflag:s10], $0x4000  }
0xf1: {  	[sflag:s10] =	ssyncset.done $0x0  }
0xf2: {  	[sflag:s10] =	ssyncadd.s32 $0xFFFFC000  }
0xf3: {  	v3 =	vld [tilespmem:$0x150];
	_ =	sdelay $0x4  }
0xf4: {  	v37 =	vshll.u32 v3, $0x3  }
0xf5: {  	v3 =	vand.u32 $0x7, v3;
	v4 =	vand.u32 $0xFFFFFFC0, v37  }
0xf6: {  	v3 =	vor.u32 v3, v4  }
0xf7: {  	v4 =	vperm.xlane v3, v0;
	_ =	sdelay $0x1  }
0xf8: {  	v4 =	vadd.s32 v1, v4;
	_ =	sdelay $0x4  }
0xf9: {  	[tilespmem:s11], [sflag:$0x1] =	stream.indirect_vreg.gather [hbm4b:s1+s4], $0x80, v4, vm0, $0xb8;
	[tilespmem:$0x1C400] =	vst v63  }
0xfa: {  	v3 =	vperm.xlane v3, v2  }
0xfb: {  	[tilespmem:s12], [sflag:$0x1] =	stream.indirect_vreg.gather [hbm4b:s6+s4], $0x80, v4, vm0, $0xb8;
	[tilespmem:$0x1C400] =	vst v63  }
0xfc: {  	v3 =	vadd.s32 v1, v3  }
0xfd: {  	[tilespmem:s13], [sflag:$0x1] =	stream.indirect_vreg.gather [hbm4b:s7+s4], $0x80, v4, vm0, $0xb8;
	[tilespmem:$0x1C400] =	vst v63  }
0xfe: {  	_ = 	snop  }
0xff: {  	[tilespmem:s14], [sflag:$0x1] =	stream.indirect_vreg.gather [hbm4b:s8+s4], $0x80, v4, vm0, $0xb8;
	[tilespmem:$0x1C400] =	vst v63  }
0x100: {  	_ = 	snop  }
0x101: {  	[tilespmem:s15], [sflag:$0x1] =	stream.indirect_vreg.gather [hbm4b:s1+s4], $0x80, v3, vm0, $0xb8;
	[tilespmem:$0x1C400] =	vst v63  }
0x102: {  	_ = 	snop  }
0x103: {  	[tilespmem:s16], [sflag:$0x1] =	stream.indirect_vreg.gather [hbm4b:s6+s4], $0x80, v3, vm0, $0xb8;
	[tilespmem:$0x1C400] =	vst v63  }
0x104: {  	_ = 	snop  }
0x105: {  	[tilespmem:s17], [sflag:$0x1] =	stream.indirect_vreg.gather [hbm4b:s7+s4], $0x80, v3, vm0, $0xb8;
	[tilespmem:$0x1C400] =	vst v63  }
0x106: {  	_ = 	snop  }
0x107: {  	[tilespmem:s18], [sflag:$0x1] =	stream.indirect_vreg.gather [hbm4b:s8+s4], $0x80, v3, vm0, $0xb8;
	[tilespmem:$0x1C400] =	vst v63  }
0x108: {  	_ =	swait.ge [sflag:s19], $0x4000  }
0x109: {  	[sflag:s19] =	ssyncset.done $0x0  }
0x10a: {  	s23 =	rddreg [dreg:$0xb];
	[sflag:s19] =	ssyncadd.s32 $0xFFFFC000  }
0x10b: {  	[hbm4b:s23+s4] =	stream.linear.scatter [tilespmem:s11], [sflag:$0x2], $0x4000, $0x38;
	[tilespmem:$0x1C400] =	vst v63  }
0x10c: {  	_ =	swait.ge [sflag:s10], $0x4000  }
0x10d: {  	[sflag:s10] =	ssyncset.done $0x0  }
0x10e: {  	[sflag:s10] =	ssyncadd.s32 $0xFFFFC000  }
0x10f: {  	v3 =	vld [tilespmem:$0x160];
	_ =	sdelay $0x4  }
0x110: {  	v38 =	vshll.u32 v3, $0x3  }
0x111: {  	v3 =	vand.u32 $0x7, v3;
	v4 =	vand.u32 $0xFFFFFFC0, v38  }
0x112: {  	v3 =	vor.u32 v3, v4  }
0x113: {  	v4 =	vperm.xlane v3, v0;
	_ =	sdelay $0x1  }
0x114: {  	v4 =	vadd.s32 v1, v4;
	_ =	sdelay $0x4  }
0x115: {  	[tilespmem:s11], [sflag:$0x1] =	stream.indirect_vreg.gather [hbm4b:s1+s4], $0x80, v4, vm0, $0xb8;
	[tilespmem:$0x1C400] =	vst v63  }
0x116: {  	v3 =	vperm.xlane v3, v2  }
0x117: {  	[tilespmem:s12], [sflag:$0x1] =	stream.indirect_vreg.gather [hbm4b:s6+s4], $0x80, v4, vm0, $0xb8;
	[tilespmem:$0x1C400] =	vst v63  }
0x118: {  	v3 =	vadd.s32 v1, v3  }
0x119: {  	[tilespmem:s13], [sflag:$0x1] =	stream.indirect_vreg.gather [hbm4b:s7+s4], $0x80, v4, vm0, $0xb8;
	[tilespmem:$0x1C400] =	vst v63  }
0x11a: {  	_ = 	snop  }
0x11b: {  	[tilespmem:s14], [sflag:$0x1] =	stream.indirect_vreg.gather [hbm4b:s8+s4], $0x80, v4, vm0, $0xb8;
	[tilespmem:$0x1C400] =	vst v63  }
0x11c: {  	_ = 	snop  }
0x11d: {  	[tilespmem:s15], [sflag:$0x1] =	stream.indirect_vreg.gather [hbm4b:s1+s4], $0x80, v3, vm0, $0xb8;
	[tilespmem:$0x1C400] =	vst v63  }
0x11e: {  	_ = 	snop  }
0x11f: {  	[tilespmem:s16], [sflag:$0x1] =	stream.indirect_vreg.gather [hbm4b:s6+s4], $0x80, v3, vm0, $0xb8;
	[tilespmem:$0x1C400] =	vst v63  }
0x120: {  	_ = 	snop  }
0x121: {  	[tilespmem:s17], [sflag:$0x1] =	stream.indirect_vreg.gather [hbm4b:s7+s4], $0x80, v3, vm0, $0xb8;
	[tilespmem:$0x1C400] =	vst v63  }
0x122: {  	_ = 	snop  }
0x123: {  	[tilespmem:s18], [sflag:$0x1] =	stream.indirect_vreg.gather [hbm4b:s8+s4], $0x80, v3, vm0, $0xb8;
	[tilespmem:$0x1C400] =	vst v63  }
0x124: {  	_ =	swait.ge [sflag:s19], $0x4000  }
0x125: {  	[sflag:s19] =	ssyncset.done $0x0  }
0x126: {  	s23 =	rddreg [dreg:$0xc];
	[sflag:s19] =	ssyncadd.s32 $0xFFFFC000  }
0x127: {  	[hbm4b:s23+s4] =	stream.linear.scatter [tilespmem:s11], [sflag:$0x2], $0x4000, $0x38;
	[tilespmem:$0x1C400] =	vst v63  }
0x128: {  	_ =	swait.ge [sflag:s10], $0x4000  }
0x129: {  	[sflag:s10] =	ssyncset.done $0x0  }
0x12a: {  	[sflag:s10] =	ssyncadd.s32 $0xFFFFC000  }
0x12b: {  	v3 =	vld [tilespmem:$0x170];
	_ =	sdelay $0x4  }
0x12c: {  	v39 =	vshll.u32 v3, $0x3  }
0x12d: {  	v3 =	vand.u32 $0x7, v3;
	v4 =	vand.u32 $0xFFFFFFC0, v39  }
0x12e: {  	v3 =	vor.u32 v3, v4  }
0x12f: {  	v4 =	vperm.xlane v3, v0;
	_ =	sdelay $0x1  }
0x130: {  	v4 =	vadd.s32 v1, v4;
	_ =	sdelay $0x4  }
0x131: {  	[tilespmem:s11], [sflag:$0x1] =	stream.indirect_vreg.gather [hbm4b:s1+s4], $0x80, v4, vm0, $0xb8;
	[tilespmem:$0x1C400] =	vst v63  }
0x132: {  	v3 =	vperm.xlane v3, v2  }
0x133: {  	[tilespmem:s12], [sflag:$0x1] =	stream.indirect_vreg.gather [hbm4b:s6+s4], $0x80, v4, vm0, $0xb8;
	[tilespmem:$0x1C400] =	vst v63  }
0x134: {  	v3 =	vadd.s32 v1, v3  }
0x135: {  	[tilespmem:s13], [sflag:$0x1] =	stream.indirect_vreg.gather [hbm4b:s7+s4], $0x80, v4, vm0, $0xb8;
	[tilespmem:$0x1C400] =	vst v63  }
0x136: {  	_ = 	snop  }
0x137: {  	[tilespmem:s14], [sflag:$0x1] =	stream.indirect_vreg.gather [hbm4b:s8+s4], $0x80, v4, vm0, $0xb8;
	[tilespmem:$0x1C400] =	vst v63  }
0x138: {  	_ = 	snop  }
0x139: {  	[tilespmem:s15], [sflag:$0x1] =	stream.indirect_vreg.gather [hbm4b:s1+s4], $0x80, v3, vm0, $0xb8;
	[tilespmem:$0x1C400] =	vst v63  }
0x13a: {  	_ = 	snop  }
0x13b: {  	[tilespmem:s16], [sflag:$0x1] =	stream.indirect_vreg.gather [hbm4b:s6+s4], $0x80, v3, vm0, $0xb8;
	[tilespmem:$0x1C400] =	vst v63  }
0x13c: {  	_ = 	snop  }
0x13d: {  	[tilespmem:s17], [sflag:$0x1] =	stream.indirect_vreg.gather [hbm4b:s7+s4], $0x80, v3, vm0, $0xb8;
	[tilespmem:$0x1C400] =	vst v63  }
0x13e: {  	_ = 	snop  }
0x13f: {  	[tilespmem:s18], [sflag:$0x1] =	stream.indirect_vreg.gather [hbm4b:s8+s4], $0x80, v3, vm0, $0xb8;
	[tilespmem:$0x1C400] =	vst v63  }
0x140: {  	_ =	swait.ge [sflag:s19], $0x4000  }
0x141: {  	[sflag:s19] =	ssyncset.done $0x0  }
0x142: {  	s23 =	rddreg [dreg:$0xd];
	[sflag:s19] =	ssyncadd.s32 $0xFFFFC000  }
0x143: {  	[hbm4b:s23+s4] =	stream.linear.scatter [tilespmem:s11], [sflag:$0x2], $0x4000, $0x38;
	[tilespmem:$0x1C400] =	vst v63  }
0x144: {  	_ =	swait.ge [sflag:s10], $0x4000  }
0x145: {  	[sflag:s10] =	ssyncset.done $0x0  }
0x146: {  	[sflag:s10] =	ssyncadd.s32 $0xFFFFC000  }
0x147: {  	v3 =	vld [tilespmem:$0x180];
	_ =	sdelay $0x4  }
0x148: {  	v40 =	vshll.u32 v3, $0x3  }
0x149: {  	v3 =	vand.u32 $0x7, v3;
	v4 =	vand.u32 $0xFFFFFFC0, v40  }
0x14a: {  	v3 =	vor.u32 v3, v4  }
0x14b: {  	v4 =	vperm.xlane v3, v0;
	_ =	sdelay $0x1  }
0x14c: {  	v4 =	vadd.s32 v1, v4;
	_ =	sdelay $0x4  }
0x14d: {  	[tilespmem:s11], [sflag:$0x1] =	stream.indirect_vreg.gather [hbm4b:s1+s4], $0x80, v4, vm0, $0xb8;
	[tilespmem:$0x1C400] =	vst v63  }
0x14e: {  	v3 =	vperm.xlane v3, v2  }
0x14f: {  	[tilespmem:s12], [sflag:$0x1] =	stream.indirect_vreg.gather [hbm4b:s6+s4], $0x80, v4, vm0, $0xb8;
	[tilespmem:$0x1C400] =	vst v63  }
0x150: {  	v3 =	vadd.s32 v1, v3  }
0x151: {  	[tilespmem:s13], [sflag:$0x1] =	stream.indirect_vreg.gather [hbm4b:s7+s4], $0x80, v4, vm0, $0xb8;
	[tilespmem:$0x1C400] =	vst v63  }
0x152: {  	_ = 	snop  }
0x153: {  	[tilespmem:s14], [sflag:$0x1] =	stream.indirect_vreg.gather [hbm4b:s8+s4], $0x80, v4, vm0, $0xb8;
	[tilespmem:$0x1C400] =	vst v63  }
0x154: {  	_ = 	snop  }
0x155: {  	[tilespmem:s15], [sflag:$0x1] =	stream.indirect_vreg.gather [hbm4b:s1+s4], $0x80, v3, vm0, $0xb8;
	[tilespmem:$0x1C400] =	vst v63  }
0x156: {  	_ = 	snop  }
0x157: {  	[tilespmem:s16], [sflag:$0x1] =	stream.indirect_vreg.gather [hbm4b:s6+s4], $0x80, v3, vm0, $0xb8;
	[tilespmem:$0x1C400] =	vst v63  }
0x158: {  	_ = 	snop  }
0x159: {  	[tilespmem:s17], [sflag:$0x1] =	stream.indirect_vreg.gather [hbm4b:s7+s4], $0x80, v3, vm0, $0xb8;
	[tilespmem:$0x1C400] =	vst v63  }
0x15a: {  	_ = 	snop  }
0x15b: {  	[tilespmem:s18], [sflag:$0x1] =	stream.indirect_vreg.gather [hbm4b:s8+s4], $0x80, v3, vm0, $0xb8;
	[tilespmem:$0x1C400] =	vst v63  }
0x15c: {  	_ =	swait.ge [sflag:s19], $0x4000  }
0x15d: {  	[sflag:s19] =	ssyncset.done $0x0  }
0x15e: {  	s23 =	rddreg [dreg:$0xe];
	[sflag:s19] =	ssyncadd.s32 $0xFFFFC000  }
0x15f: {  	[hbm4b:s23+s4] =	stream.linear.scatter [tilespmem:s11], [sflag:$0x2], $0x4000, $0x38;
	[tilespmem:$0x1C400] =	vst v63  }
0x160: {  	_ =	swait.ge [sflag:s10], $0x4000  }
0x161: {  	[sflag:s10] =	ssyncset.done $0x0  }
0x162: {  	[sflag:s10] =	ssyncadd.s32 $0xFFFFC000  }
0x163: {  	v3 =	vld [tilespmem:$0x190];
	_ =	sdelay $0x4  }
0x164: {  	v41 =	vshll.u32 v3, $0x3  }
0x165: {  	v3 =	vand.u32 $0x7, v3;
	v4 =	vand.u32 $0xFFFFFFC0, v41  }
0x166: {  	v3 =	vor.u32 v3, v4  }
0x167: {  	v4 =	vperm.xlane v3, v0;
	_ =	sdelay $0x1  }
0x168: {  	v4 =	vadd.s32 v1, v4;
	_ =	sdelay $0x4  }
0x169: {  	[tilespmem:s11], [sflag:$0x1] =	stream.indirect_vreg.gather [hbm4b:s1+s4], $0x80, v4, vm0, $0xb8;
	[tilespmem:$0x1C400] =	vst v63  }
0x16a: {  	v3 =	vperm.xlane v3, v2  }
0x16b: {  	[tilespmem:s12], [sflag:$0x1] =	stream.indirect_vreg.gather [hbm4b:s6+s4], $0x80, v4, vm0, $0xb8;
	[tilespmem:$0x1C400] =	vst v63  }
0x16c: {  	v3 =	vadd.s32 v1, v3  }
0x16d: {  	[tilespmem:s13], [sflag:$0x1] =	stream.indirect_vreg.gather [hbm4b:s7+s4], $0x80, v4, vm0, $0xb8;
	[tilespmem:$0x1C400] =	vst v63  }
0x16e: {  	_ = 	snop  }
0x16f: {  	[tilespmem:s14], [sflag:$0x1] =	stream.indirect_vreg.gather [hbm4b:s8+s4], $0x80, v4, vm0, $0xb8;
	[tilespmem:$0x1C400] =	vst v63  }
0x170: {  	_ = 	snop  }
0x171: {  	[tilespmem:s15], [sflag:$0x1] =	stream.indirect_vreg.gather [hbm4b:s1+s4], $0x80, v3, vm0, $0xb8;
	[tilespmem:$0x1C400] =	vst v63  }
0x172: {  	_ = 	snop  }
0x173: {  	[tilespmem:s16], [sflag:$0x1] =	stream.indirect_vreg.gather [hbm4b:s6+s4], $0x80, v3, vm0, $0xb8;
	[tilespmem:$0x1C400] =	vst v63  }
0x174: {  	_ = 	snop  }
0x175: {  	[tilespmem:s17], [sflag:$0x1] =	stream.indirect_vreg.gather [hbm4b:s7+s4], $0x80, v3, vm0, $0xb8;
	[tilespmem:$0x1C400] =	vst v63  }
0x176: {  	_ = 	snop  }
0x177: {  	[tilespmem:s18], [sflag:$0x1] =	stream.indirect_vreg.gather [hbm4b:s8+s4], $0x80, v3, vm0, $0xb8;
	[tilespmem:$0x1C400] =	vst v63  }
0x178: {  	_ =	swait.ge [sflag:s19], $0x4000  }
0x179: {  	[sflag:s19] =	ssyncset.done $0x0  }
0x17a: {  	s23 =	rddreg [dreg:$0xf];
	[sflag:s19] =	ssyncadd.s32 $0xFFFFC000  }
0x17b: {  	[hbm4b:s23+s4] =	stream.linear.scatter [tilespmem:s11], [sflag:$0x2], $0x4000, $0x38;
	[tilespmem:$0x1C400] =	vst v63  }
0x17c: {  	_ =	swait.ge [sflag:s10], $0x4000  }
0x17d: {  	[sflag:s10] =	ssyncset.done $0x0  }
0x17e: {  	[sflag:s10] =	ssyncadd.s32 $0xFFFFC000  }
0x17f: {  	v3 =	vld [tilespmem:$0x1A0];
	_ =	sdelay $0x4  }
0x180: {  	v42 =	vshll.u32 v3, $0x3  }
0x181: {  	v3 =	vand.u32 $0x7, v3;
	v4 =	vand.u32 $0xFFFFFFC0, v42  }
0x182: {  	v3 =	vor.u32 v3, v4  }
0x183: {  	v4 =	vperm.xlane v3, v0;
	_ =	sdelay $0x1  }
0x184: {  	v4 =	vadd.s32 v1, v4;
	_ =	sdelay $0x4  }
0x185: {  	[tilespmem:s11], [sflag:$0x1] =	stream.indirect_vreg.gather [hbm4b:s1+s4], $0x80, v4, vm0, $0xb8;
	[tilespmem:$0x1C400] =	vst v63  }
0x186: {  	v3 =	vperm.xlane v3, v2  }
0x187: {  	[tilespmem:s12], [sflag:$0x1] =	stream.indirect_vreg.gather [hbm4b:s6+s4], $0x80, v4, vm0, $0xb8;
	[tilespmem:$0x1C400] =	vst v63  }
0x188: {  	v3 =	vadd.s32 v1, v3  }
0x189: {  	[tilespmem:s13], [sflag:$0x1] =	stream.indirect_vreg.gather [hbm4b:s7+s4], $0x80, v4, vm0, $0xb8;
	[tilespmem:$0x1C400] =	vst v63  }
0x18a: {  	_ = 	snop  }
0x18b: {  	[tilespmem:s14], [sflag:$0x1] =	stream.indirect_vreg.gather [hbm4b:s8+s4], $0x80, v4, vm0, $0xb8;
	[tilespmem:$0x1C400] =	vst v63  }
0x18c: {  	_ = 	snop  }
0x18d: {  	[tilespmem:s15], [sflag:$0x1] =	stream.indirect_vreg.gather [hbm4b:s1+s4], $0x80, v3, vm0, $0xb8;
	[tilespmem:$0x1C400] =	vst v63  }
0x18e: {  	_ = 	snop  }
0x18f: {  	[tilespmem:s16], [sflag:$0x1] =	stream.indirect_vreg.gather [hbm4b:s6+s4], $0x80, v3, vm0, $0xb8;
	[tilespmem:$0x1C400] =	vst v63  }
0x190: {  	_ = 	snop  }
0x191: {  	[tilespmem:s17], [sflag:$0x1] =	stream.indirect_vreg.gather [hbm4b:s7+s4], $0x80, v3, vm0, $0xb8;
	[tilespmem:$0x1C400] =	vst v63  }
0x192: {  	_ = 	snop  }
0x193: {  	[tilespmem:s18], [sflag:$0x1] =	stream.indirect_vreg.gather [hbm4b:s8+s4], $0x80, v3, vm0, $0xb8;
	[tilespmem:$0x1C400] =	vst v63  }
0x194: {  	_ =	swait.ge [sflag:s19], $0x4000  }
0x195: {  	[sflag:s19] =	ssyncset.done $0x0  }
0x196: {  	s23 =	rddreg [dreg:$0x10];
	[sflag:s19] =	ssyncadd.s32 $0xFFFFC000  }
0x197: {  	[hbm4b:s23+s4] =	stream.linear.scatter [tilespmem:s11], [sflag:$0x2], $0x4000, $0x38;
	[tilespmem:$0x1C400] =	vst v63  }
0x198: {  	_ =	swait.ge [sflag:s10], $0x4000  }
0x199: {  	[sflag:s10] =	ssyncset.done $0x0  }
0x19a: {  	[sflag:s10] =	ssyncadd.s32 $0xFFFFC000  }
0x19b: {  	v3 =	vld [tilespmem:$0x1B0];
	_ =	sdelay $0x4  }
0x19c: {  	v43 =	vshll.u32 v3, $0x3  }
0x19d: {  	v3 =	vand.u32 $0x7, v3;
	v4 =	vand.u32 $0xFFFFFFC0, v43  }
0x19e: {  	v3 =	vor.u32 v3, v4  }
0x19f: {  	v4 =	vperm.xlane v3, v0;
	_ =	sdelay $0x1  }
0x1a0: {  	v4 =	vadd.s32 v1, v4;
	_ =	sdelay $0x4  }
0x1a1: {  	[tilespmem:s11], [sflag:$0x1] =	stream.indirect_vreg.gather [hbm4b:s1+s4], $0x80, v4, vm0, $0xb8;
	[tilespmem:$0x1C400] =	vst v63  }
0x1a2: {  	v3 =	vperm.xlane v3, v2  }
0x1a3: {  	[tilespmem:s12], [sflag:$0x1] =	stream.indirect_vreg.gather [hbm4b:s6+s4], $0x80, v4, vm0, $0xb8;
	[tilespmem:$0x1C400] =	vst v63  }
0x1a4: {  	v3 =	vadd.s32 v1, v3  }
0x1a5: {  	[tilespmem:s13], [sflag:$0x1] =	stream.indirect_vreg.gather [hbm4b:s7+s4], $0x80, v4, vm0, $0xb8;
	[tilespmem:$0x1C400] =	vst v63  }
0x1a6: {  	_ = 	snop  }
0x1a7: {  	[tilespmem:s14], [sflag:$0x1] =	stream.indirect_vreg.gather [hbm4b:s8+s4], $0x80, v4, vm0, $0xb8;
	[tilespmem:$0x1C400] =	vst v63  }
0x1a8: {  	_ = 	snop  }
0x1a9: {  	[tilespmem:s15], [sflag:$0x1] =	stream.indirect_vreg.gather [hbm4b:s1+s4], $0x80, v3, vm0, $0xb8;
	[tilespmem:$0x1C400] =	vst v63  }
0x1aa: {  	_ = 	snop  }
0x1ab: {  	[tilespmem:s16], [sflag:$0x1] =	stream.indirect_vreg.gather [hbm4b:s6+s4], $0x80, v3, vm0, $0xb8;
	[tilespmem:$0x1C400] =	vst v63  }
0x1ac: {  	_ = 	snop  }
0x1ad: {  	[tilespmem:s17], [sflag:$0x1] =	stream.indirect_vreg.gather [hbm4b:s7+s4], $0x80, v3, vm0, $0xb8;
	[tilespmem:$0x1C400] =	vst v63  }
0x1ae: {  	_ = 	snop  }
0x1af: {  	[tilespmem:s18], [sflag:$0x1] =	stream.indirect_vreg.gather [hbm4b:s8+s4], $0x80, v3, vm0, $0xb8;
	[tilespmem:$0x1C400] =	vst v63  }
0x1b0: {  	_ =	swait.ge [sflag:s19], $0x4000  }
0x1b1: {  	[sflag:s19] =	ssyncset.done $0x0  }
0x1b2: {  	s23 =	rddreg [dreg:$0x11];
	[sflag:s19] =	ssyncadd.s32 $0xFFFFC000  }
0x1b3: {  	[hbm4b:s23+s4] =	stream.linear.scatter [tilespmem:s11], [sflag:$0x2], $0x4000, $0x38;
	[tilespmem:$0x1C400] =	vst v63  }
0x1b4: {  	_ =	swait.ge [sflag:s10], $0x4000  }
0x1b5: {  	[sflag:s10] =	ssyncset.done $0x0  }
0x1b6: {  	[sflag:s10] =	ssyncadd.s32 $0xFFFFC000  }
0x1b7: {  	v3 =	vld [tilespmem:$0x1C0];
	_ =	sdelay $0x4  }
0x1b8: {  	v44 =	vshll.u32 v3, $0x3  }
0x1b9: {  	v3 =	vand.u32 $0x7, v3;
	v4 =	vand.u32 $0xFFFFFFC0, v44  }
0x1ba: {  	v3 =	vor.u32 v3, v4  }
0x1bb: {  	v4 =	vperm.xlane v3, v0;
	_ =	sdelay $0x1  }
0x1bc: {  	v4 =	vadd.s32 v1, v4;
	_ =	sdelay $0x4  }
0x1bd: {  	[tilespmem:s11], [sflag:$0x1] =	stream.indirect_vreg.gather [hbm4b:s1+s4], $0x80, v4, vm0, $0xb8;
	[tilespmem:$0x1C400] =	vst v63  }
0x1be: {  	v3 =	vperm.xlane v3, v2  }
0x1bf: {  	[tilespmem:s12], [sflag:$0x1] =	stream.indirect_vreg.gather [hbm4b:s6+s4], $0x80, v4, vm0, $0xb8;
	[tilespmem:$0x1C400] =	vst v63  }
0x1c0: {  	v3 =	vadd.s32 v1, v3  }
0x1c1: {  	[tilespmem:s13], [sflag:$0x1] =	stream.indirect_vreg.gather [hbm4b:s7+s4], $0x80, v4, vm0, $0xb8;
	[tilespmem:$0x1C400] =	vst v63  }
0x1c2: {  	_ = 	snop  }
0x1c3: {  	[tilespmem:s14], [sflag:$0x1] =	stream.indirect_vreg.gather [hbm4b:s8+s4], $0x80, v4, vm0, $0xb8;
	[tilespmem:$0x1C400] =	vst v63  }
0x1c4: {  	_ = 	snop  }
0x1c5: {  	[tilespmem:s15], [sflag:$0x1] =	stream.indirect_vreg.gather [hbm4b:s1+s4], $0x80, v3, vm0, $0xb8;
	[tilespmem:$0x1C400] =	vst v63  }
0x1c6: {  	_ = 	snop  }
0x1c7: {  	[tilespmem:s16], [sflag:$0x1] =	stream.indirect_vreg.gather [hbm4b:s6+s4], $0x80, v3, vm0, $0xb8;
	[tilespmem:$0x1C400] =	vst v63  }
0x1c8: {  	_ = 	snop  }
0x1c9: {  	[tilespmem:s17], [sflag:$0x1] =	stream.indirect_vreg.gather [hbm4b:s7+s4], $0x80, v3, vm0, $0xb8;
	[tilespmem:$0x1C400] =	vst v63  }
0x1ca: {  	_ = 	snop  }
0x1cb: {  	[tilespmem:s18], [sflag:$0x1] =	stream.indirect_vreg.gather [hbm4b:s8+s4], $0x80, v3, vm0, $0xb8;
	[tilespmem:$0x1C400] =	vst v63  }
0x1cc: {  	_ =	swait.ge [sflag:s19], $0x4000  }
0x1cd: {  	[sflag:s19] =	ssyncset.done $0x0  }
0x1ce: {  	s23 =	rddreg [dreg:$0x12];
	[sflag:s19] =	ssyncadd.s32 $0xFFFFC000  }
0x1cf: {  	[hbm4b:s23+s4] =	stream.linear.scatter [tilespmem:s11], [sflag:$0x2], $0x4000, $0x38;
	[tilespmem:$0x1C400] =	vst v63  }
0x1d0: {  	_ =	swait.ge [sflag:s10], $0x4000  }
0x1d1: {  	[sflag:s10] =	ssyncset.done $0x0  }
0x1d2: {  	[sflag:s10] =	ssyncadd.s32 $0xFFFFC000  }
0x1d3: {  	v3 =	vld [tilespmem:$0x1D0];
	_ =	sdelay $0x4  }
0x1d4: {  	v45 =	vshll.u32 v3, $0x3  }
0x1d5: {  	v3 =	vand.u32 $0x7, v3;
	v4 =	vand.u32 $0xFFFFFFC0, v45  }
0x1d6: {  	v3 =	vor.u32 v3, v4  }
0x1d7: {  	v4 =	vperm.xlane v3, v0;
	_ =	sdelay $0x1  }
0x1d8: {  	v4 =	vadd.s32 v1, v4;
	_ =	sdelay $0x4  }
0x1d9: {  	[tilespmem:s11], [sflag:$0x1] =	stream.indirect_vreg.gather [hbm4b:s1+s4], $0x80, v4, vm0, $0xb8;
	[tilespmem:$0x1C400] =	vst v63  }
0x1da: {  	v3 =	vperm.xlane v3, v2  }
0x1db: {  	[tilespmem:s12], [sflag:$0x1] =	stream.indirect_vreg.gather [hbm4b:s6+s4], $0x80, v4, vm0, $0xb8;
	[tilespmem:$0x1C400] =	vst v63  }
0x1dc: {  	v3 =	vadd.s32 v1, v3  }
0x1dd: {  	[tilespmem:s13], [sflag:$0x1] =	stream.indirect_vreg.gather [hbm4b:s7+s4], $0x80, v4, vm0, $0xb8;
	[tilespmem:$0x1C400] =	vst v63  }
0x1de: {  	_ = 	snop  }
0x1df: {  	[tilespmem:s14], [sflag:$0x1] =	stream.indirect_vreg.gather [hbm4b:s8+s4], $0x80, v4, vm0, $0xb8;
	[tilespmem:$0x1C400] =	vst v63  }
0x1e0: {  	_ = 	snop  }
0x1e1: {  	[tilespmem:s15], [sflag:$0x1] =	stream.indirect_vreg.gather [hbm4b:s1+s4], $0x80, v3, vm0, $0xb8;
	[tilespmem:$0x1C400] =	vst v63  }
0x1e2: {  	_ = 	snop  }
0x1e3: {  	[tilespmem:s16], [sflag:$0x1] =	stream.indirect_vreg.gather [hbm4b:s6+s4], $0x80, v3, vm0, $0xb8;
	[tilespmem:$0x1C400] =	vst v63  }
0x1e4: {  	_ = 	snop  }
0x1e5: {  	[tilespmem:s17], [sflag:$0x1] =	stream.indirect_vreg.gather [hbm4b:s7+s4], $0x80, v3, vm0, $0xb8;
	[tilespmem:$0x1C400] =	vst v63  }
0x1e6: {  	_ = 	snop  }
0x1e7: {  	[tilespmem:s18], [sflag:$0x1] =	stream.indirect_vreg.gather [hbm4b:s8+s4], $0x80, v3, vm0, $0xb8;
	[tilespmem:$0x1C400] =	vst v63  }
0x1e8: {  	_ =	swait.ge [sflag:s19], $0x4000  }
0x1e9: {  	[sflag:s19] =	ssyncset.done $0x0  }
0x1ea: {  	s23 =	rddreg [dreg:$0x13];
	[sflag:s19] =	ssyncadd.s32 $0xFFFFC000  }
0x1eb: {  	[hbm4b:s23+s4] =	stream.linear.scatter [tilespmem:s11], [sflag:$0x2], $0x4000, $0x38;
	[tilespmem:$0x1C400] =	vst v63  }
0x1ec: {  	_ =	swait.ge [sflag:s10], $0x4000  }
0x1ed: {  	[sflag:s10] =	ssyncset.done $0x0  }
0x1ee: {  	[sflag:s10] =	ssyncadd.s32 $0xFFFFC000  }
0x1ef: {  	v3 =	vld [tilespmem:$0x1E0];
	_ =	sdelay $0x4  }
0x1f0: {  	v46 =	vshll.u32 v3, $0x3  }
0x1f1: {  	v3 =	vand.u32 $0x7, v3;
	v4 =	vand.u32 $0xFFFFFFC0, v46  }
0x1f2: {  	v3 =	vor.u32 v3, v4  }
0x1f3: {  	v4 =	vperm.xlane v3, v0;
	_ =	sdelay $0x1  }
0x1f4: {  	v4 =	vadd.s32 v1, v4;
	_ =	sdelay $0x4  }
0x1f5: {  	[tilespmem:s11], [sflag:$0x1] =	stream.indirect_vreg.gather [hbm4b:s1+s4], $0x80, v4, vm0, $0xb8;
	[tilespmem:$0x1C400] =	vst v63  }
0x1f6: {  	v3 =	vperm.xlane v3, v2  }
0x1f7: {  	[tilespmem:s12], [sflag:$0x1] =	stream.indirect_vreg.gather [hbm4b:s6+s4], $0x80, v4, vm0, $0xb8;
	[tilespmem:$0x1C400] =	vst v63  }
0x1f8: {  	v3 =	vadd.s32 v1, v3  }
0x1f9: {  	[tilespmem:s13], [sflag:$0x1] =	stream.indirect_vreg.gather [hbm4b:s7+s4], $0x80, v4, vm0, $0xb8;
	[tilespmem:$0x1C400] =	vst v63  }
0x1fa: {  	_ = 	snop  }
0x1fb: {  	[tilespmem:s14], [sflag:$0x1] =	stream.indirect_vreg.gather [hbm4b:s8+s4], $0x80, v4, vm0, $0xb8;
	[tilespmem:$0x1C400] =	vst v63  }
0x1fc: {  	_ = 	snop  }
0x1fd: {  	[tilespmem:s15], [sflag:$0x1] =	stream.indirect_vreg.gather [hbm4b:s1+s4], $0x80, v3, vm0, $0xb8;
	[tilespmem:$0x1C400] =	vst v63  }
0x1fe: {  	_ = 	snop  }
0x1ff: {  	[tilespmem:s16], [sflag:$0x1] =	stream.indirect_vreg.gather [hbm4b:s6+s4], $0x80, v3, vm0, $0xb8;
	[tilespmem:$0x1C400] =	vst v63  }
0x200: {  	_ = 	snop  }
0x201: {  	[tilespmem:s17], [sflag:$0x1] =	stream.indirect_vreg.gather [hbm4b:s7+s4], $0x80, v3, vm0, $0xb8;
	[tilespmem:$0x1C400] =	vst v63  }
0x202: {  	_ = 	snop  }
0x203: {  	[tilespmem:s18], [sflag:$0x1] =	stream.indirect_vreg.gather [hbm4b:s8+s4], $0x80, v3, vm0, $0xb8;
	[tilespmem:$0x1C400] =	vst v63  }
0x204: {  	_ =	swait.ge [sflag:s19], $0x4000  }
0x205: {  	[sflag:s19] =	ssyncset.done $0x0  }
0x206: {  	s23 =	rddreg [dreg:$0x14];
	[sflag:s19] =	ssyncadd.s32 $0xFFFFC000  }
0x207: {  	[hbm4b:s23+s4] =	stream.linear.scatter [tilespmem:s11], [sflag:$0x2], $0x4000, $0x38;
	[tilespmem:$0x1C400] =	vst v63  }
0x208: {  	_ =	swait.ge [sflag:s10], $0x4000  }
0x209: {  	[sflag:s10] =	ssyncset.done $0x0  }
0x20a: {  	[sflag:s10] =	ssyncadd.s32 $0xFFFFC000  }
0x20b: {  	v3 =	vld [tilespmem:$0x1F0];
	_ =	sdelay $0x4  }
0x20c: {  	v47 =	vshll.u32 v3, $0x3  }
0x20d: {  	v3 =	vand.u32 $0x7, v3;
	v4 =	vand.u32 $0xFFFFFFC0, v47  }
0x20e: {  	v3 =	vor.u32 v3, v4  }
0x20f: {  	v4 =	vperm.xlane v3, v0;
	_ =	sdelay $0x1  }
0x210: {  	v4 =	vadd.s32 v1, v4;
	_ =	sdelay $0x4  }
0x211: {  	[tilespmem:s11], [sflag:$0x1] =	stream.indirect_vreg.gather [hbm4b:s1+s4], $0x80, v4, vm0, $0xb8;
	[tilespmem:$0x1C400] =	vst v63  }
0x212: {  	v3 =	vperm.xlane v3, v2  }
0x213: {  	[tilespmem:s12], [sflag:$0x1] =	stream.indirect_vreg.gather [hbm4b:s6+s4], $0x80, v4, vm0, $0xb8;
	[tilespmem:$0x1C400] =	vst v63  }
0x214: {  	v3 =	vadd.s32 v1, v3  }
0x215: {  	[tilespmem:s13], [sflag:$0x1] =	stream.indirect_vreg.gather [hbm4b:s7+s4], $0x80, v4, vm0, $0xb8;
	[tilespmem:$0x1C400] =	vst v63  }
0x216: {  	_ = 	snop  }
0x217: {  	[tilespmem:s14], [sflag:$0x1] =	stream.indirect_vreg.gather [hbm4b:s8+s4], $0x80, v4, vm0, $0xb8;
	[tilespmem:$0x1C400] =	vst v63  }
0x218: {  	_ = 	snop  }
0x219: {  	[tilespmem:s15], [sflag:$0x1] =	stream.indirect_vreg.gather [hbm4b:s1+s4], $0x80, v3, vm0, $0xb8;
	[tilespmem:$0x1C400] =	vst v63  }
0x21a: {  	_ = 	snop  }
0x21b: {  	[tilespmem:s16], [sflag:$0x1] =	stream.indirect_vreg.gather [hbm4b:s6+s4], $0x80, v3, vm0, $0xb8;
	[tilespmem:$0x1C400] =	vst v63  }
0x21c: {  	_ = 	snop  }
0x21d: {  	[tilespmem:s17], [sflag:$0x1] =	stream.indirect_vreg.gather [hbm4b:s7+s4], $0x80, v3, vm0, $0xb8;
	[tilespmem:$0x1C400] =	vst v63  }
0x21e: {  	_ = 	snop  }
0x21f: {  	[tilespmem:s18], [sflag:$0x1] =	stream.indirect_vreg.gather [hbm4b:s8+s4], $0x80, v3, vm0, $0xb8;
	[tilespmem:$0x1C400] =	vst v63  }
0x220: {  	_ =	swait.ge [sflag:s19], $0x4000  }
0x221: {  	[sflag:s19] =	ssyncset.done $0x0  }
0x222: {  	s23 =	rddreg [dreg:$0x15];
	[sflag:s19] =	ssyncadd.s32 $0xFFFFC000  }
0x223: {  	[hbm4b:s23+s4] =	stream.linear.scatter [tilespmem:s11], [sflag:$0x2], $0x4000, $0x38;
	[tilespmem:$0x1C400] =	vst v63  }
0x224: {  	_ =	swait.ge [sflag:s10], $0x4000  }
0x225: {  	[sflag:s10] =	ssyncset.done $0x0  }
0x226: {  	[sflag:s10] =	ssyncadd.s32 $0xFFFFC000  }
0x227: {  	v3 =	vld [tilespmem:$0x200];
	_ =	sdelay $0x4  }
0x228: {  	v48 =	vshll.u32 v3, $0x1  }
0x229: {  	v3 =	vand.u32 $0x7, v3;
	v4 =	vand.u32 $0xFFFFFFF0, v48  }
0x22a: {  	v3 =	vor.u32 v3, v4  }
0x22b: {  	v4 =	vperm.xlane v3, v0;
	_ =	sdelay $0x1  }
0x22c: {  	v3 =	vperm.xlane v3, v2;
	v4 =	vadd.s32 v1, v4;
	_ =	sdelay $0x1  }
0x22d: {  	v3 =	vadd.s32 v1, v3;
	_ =	sdelay $0x2  }
0x22e: {  	[tilespmem:s20], [sflag:$0x1] =	stream.indirect_vreg.gather [hbm4b:s3+s4], $0x80, v4, vm0, $0xb8;
	[tilespmem:$0x1C400] =	vst v63  }
0x22f: {  	s23 =	rddreg [dreg:$0x18]  }
0x230: {  	[tilespmem:s23], [sflag:$0x1] =	stream.indirect_vreg.gather [hbm4b:s3+s4], $0x80, v3, vm0, $0xb8;
	[tilespmem:$0x1C400] =	vst v63  }
0x231: {  	v3 =	vld [tilespmem:$0x210];
	_ =	sdelay $0x4  }
0x232: {  	v49 =	vshll.u32 v3, $0x1  }
0x233: {  	v3 =	vand.u32 $0x7, v3;
	v4 =	vand.u32 $0xFFFFFFF0, v49  }
0x234: {  	v3 =	vor.u32 v3, v4  }
0x235: {  	v4 =	vperm.xlane v3, v0;
	_ =	sdelay $0x1  }
0x236: {  	v3 =	vperm.xlane v3, v2;
	v4 =	vadd.s32 v1, v4;
	_ =	sdelay $0x1  }
0x237: {  	v3 =	vadd.s32 v1, v3;
	_ =	sdelay $0x1  }
0x238: {  	s0 =	rddreg [dreg:$0x19]  }
0x239: {  	[tilespmem:s0], [sflag:$0x1] =	stream.indirect_vreg.gather [hbm4b:s3+s4], $0x80, v4, vm0, $0xb8;
	[tilespmem:$0x1C400] =	vst v63  }
0x23a: {  	s23 =	rddreg [dreg:$0x1a]  }
0x23b: {  	[tilespmem:s23], [sflag:$0x1] =	stream.indirect_vreg.gather [hbm4b:s3+s4], $0x80, v3, vm0, $0xb8;
	[tilespmem:$0x1C400] =	vst v63  }
0x23c: {  	v3 =	vld [tilespmem:$0x220];
	_ =	sdelay $0x4  }
0x23d: {  	v50 =	vshll.u32 v3, $0x1  }
0x23e: {  	v3 =	vand.u32 $0x7, v3;
	v4 =	vand.u32 $0xFFFFFFF0, v50  }
0x23f: {  	v3 =	vor.u32 v3, v4  }
0x240: {  	v4 =	vperm.xlane v3, v0;
	_ =	sdelay $0x1  }
0x241: {  	v3 =	vperm.xlane v3, v2;
	v4 =	vadd.s32 v1, v4;
	_ =	sdelay $0x1  }
0x242: {  	v3 =	vadd.s32 v1, v3;
	_ =	sdelay $0x1  }
0x243: {  	s0 =	rddreg [dreg:$0x1b]  }
0x244: {  	[tilespmem:s0], [sflag:$0x1] =	stream.indirect_vreg.gather [hbm4b:s3+s4], $0x80, v4, vm0, $0xb8;
	[tilespmem:$0x1C400] =	vst v63  }
0x245: {  	s23 =	rddreg [dreg:$0x1c]  }
0x246: {  	[tilespmem:s23], [sflag:$0x1] =	stream.indirect_vreg.gather [hbm4b:s3+s4], $0x80, v3, vm0, $0xb8;
	[tilespmem:$0x1C400] =	vst v63  }
0x247: {  	v3 =	vld [tilespmem:$0x230];
	_ =	sdelay $0x4  }
0x248: {  	v51 =	vshll.u32 v3, $0x1  }
0x249: {  	v3 =	vand.u32 $0x7, v3;
	v4 =	vand.u32 $0xFFFFFFF0, v51  }
0x24a: {  	v3 =	vor.u32 v3, v4  }
0x24b: {  	v4 =	vperm.xlane v3, v0;
	_ =	sdelay $0x1  }
0x24c: {  	v3 =	vperm.xlane v3, v2;
	v4 =	vadd.s32 v1, v4;
	_ =	sdelay $0x1  }
0x24d: {  	v3 =	vadd.s32 v1, v3;
	_ =	sdelay $0x1  }
0x24e: {  	s0 =	rddreg [dreg:$0x1d]  }
0x24f: {  	[tilespmem:s0], [sflag:$0x1] =	stream.indirect_vreg.gather [hbm4b:s3+s4], $0x80, v4, vm0, $0xb8;
	[tilespmem:$0x1C400] =	vst v63  }
0x250: {  	s23 =	rddreg [dreg:$0x1e]  }
0x251: {  	[tilespmem:s23], [sflag:$0x1] =	stream.indirect_vreg.gather [hbm4b:s3+s4], $0x80, v3, vm0, $0xb8;
	[tilespmem:$0x1C400] =	vst v63  }
0x252: {  	v3 =	vld [tilespmem:$0x240];
	_ =	sdelay $0x4  }
0x253: {  	v52 =	vshll.u32 v3, $0x1  }
0x254: {  	v3 =	vand.u32 $0x7, v3;
	v4 =	vand.u32 $0xFFFFFFF0, v52  }
0x255: {  	v3 =	vor.u32 v3, v4  }
0x256: {  	v4 =	vperm.xlane v3, v0;
	_ =	sdelay $0x1  }
0x257: {  	v3 =	vperm.xlane v3, v2;
	v4 =	vadd.s32 v1, v4;
	_ =	sdelay $0x1  }
0x258: {  	v3 =	vadd.s32 v1, v3  }
0x259: {  	s0 =	rddreg [dreg:$0x1f]  }
0x25a: {  	s23 =	sld [smem:$0x7ED]  }
0x25b: {  	[tilespmem:s0], [sflag:$0x1] =	stream.indirect_vreg.gather [hbm4b:s3+s4], $0x80, v4, vm0, $0xb8;
	[tilespmem:$0x1C400] =	vst v63  }
0x25c: {  	_ = 	snop  }
0x25d: {  	[tilespmem:s23], [sflag:$0x1] =	stream.indirect_vreg.gather [hbm4b:s3+s4], $0x80, v3, vm0, $0xb8;
	[tilespmem:$0x1C400] =	vst v63  }
0x25e: {  	v3 =	vld [tilespmem:$0x250];
	_ =	sdelay $0x4  }
0x25f: {  	v53 =	vshll.u32 v3, $0x1  }
0x260: {  	v3 =	vand.u32 $0x7, v3;
	v4 =	vand.u32 $0xFFFFFFF0, v53  }
0x261: {  	v3 =	vor.u32 v3, v4  }
0x262: {  	v4 =	vperm.xlane v3, v0;
	_ =	sdelay $0x1  }
0x263: {  	v3 =	vperm.xlane v3, v2;
	v4 =	vadd.s32 v1, v4;
	_ =	sdelay $0x1  }
0x264: {  	s0 =	sld [smem:$0x7EE];
	v3 =	vadd.s32 v1, v3;
	_ =	sdelay $0x1  }
0x265: {  	s23 =	sld [smem:$0x7EF]  }
0x266: {  	[tilespmem:s0], [sflag:$0x1] =	stream.indirect_vreg.gather [hbm4b:s3+s4], $0x80, v4, vm0, $0xb8;
	[tilespmem:$0x1C400] =	vst v63  }
0x267: {  	_ = 	snop  }
0x268: {  	[tilespmem:s23], [sflag:$0x1] =	stream.indirect_vreg.gather [hbm4b:s3+s4], $0x80, v3, vm0, $0xb8;
	[tilespmem:$0x1C400] =	vst v63  }
0x269: {  	v3 =	vld [tilespmem:$0x260];
	_ =	sdelay $0x4  }
0x26a: {  	v54 =	vshll.u32 v3, $0x1  }
0x26b: {  	v3 =	vand.u32 $0x7, v3;
	v4 =	vand.u32 $0xFFFFFFF0, v54  }
0x26c: {  	v3 =	vor.u32 v3, v4  }
0x26d: {  	v4 =	vperm.xlane v3, v0;
	_ =	sdelay $0x1  }
0x26e: {  	v3 =	vperm.xlane v3, v2;
	v4 =	vadd.s32 v1, v4;
	_ =	sdelay $0x1  }
0x26f: {  	s0 =	sld [smem:$0x7F0];
	v3 =	vadd.s32 v1, v3;
	_ =	sdelay $0x1  }
0x270: {  	s23 =	sld [smem:$0x7F1]  }
0x271: {  	[tilespmem:s0], [sflag:$0x1] =	stream.indirect_vreg.gather [hbm4b:s3+s4], $0x80, v4, vm0, $0xb8;
	[tilespmem:$0x1C400] =	vst v63  }
0x272: {  	_ = 	snop  }
0x273: {  	[tilespmem:s23], [sflag:$0x1] =	stream.indirect_vreg.gather [hbm4b:s3+s4], $0x80, v3, vm0, $0xb8;
	[tilespmem:$0x1C400] =	vst v63  }
0x274: {  	v3 =	vld [tilespmem:$0x270];
	_ =	sdelay $0x4  }
0x275: {  	v55 =	vshll.u32 v3, $0x1  }
0x276: {  	v3 =	vand.u32 $0x7, v3;
	v4 =	vand.u32 $0xFFFFFFF0, v55  }
0x277: {  	v3 =	vor.u32 v3, v4  }
0x278: {  	v4 =	vperm.xlane v3, v0;
	_ =	sdelay $0x1  }
0x279: {  	v3 =	vperm.xlane v3, v2;
	v4 =	vadd.s32 v1, v4;
	_ =	sdelay $0x1  }
0x27a: {  	s0 =	sld [smem:$0x7F2];
	v3 =	vadd.s32 v1, v3;
	_ =	sdelay $0x1  }
0x27b: {  	s23 =	sld [smem:$0x7F3]  }
0x27c: {  	[tilespmem:s0], [sflag:$0x1] =	stream.indirect_vreg.gather [hbm4b:s3+s4], $0x80, v4, vm0, $0xb8;
	[tilespmem:$0x1C400] =	vst v63  }
0x27d: {  	_ = 	snop  }
0x27e: {  	[tilespmem:s23], [sflag:$0x1] =	stream.indirect_vreg.gather [hbm4b:s3+s4], $0x80, v3, vm0, $0xb8;
	[tilespmem:$0x1C400] =	vst v63  }
0x27f: {  	_ =	swait.ge [sflag:s19], $0x8000  }
0x280: {  	s23 =	sld [smem:$0x7F4]  }
0x281: {  	[sflag:s19] =	ssyncset.done $0x0  }
0x282: {  	[sflag:s19] =	ssyncadd.s32 $0xFFFF8000  }
0x283: {  	[tilespmem:s22], [sflag:$0x1] =	stream.indirect.gather [hbm4b:s5+s21], $0x80, s23, s21, $0xb8;
	[tilespmem:$0x1C400] =	vst v63  }
0x284: {  	_ =	swait.ge [sflag:s19], $0x4000  }
0x285: {  	[sflag:s19] =	ssyncset.done $0x0  }
0x286: {  	[sflag:s19] =	ssyncadd.s32 $0xFFFFC000  }
0x287: {  	v3 =	vld [tilespmem:$0x280];
	_ =	sdelay $0x4  }
0x288: {  	v56 =	vshll.u32 v3, $0x1  }
0x289: {  	v3 =	vand.u32 $0x7, v3;
	v4 =	vand.u32 $0xFFFFFFF0, v56  }
0x28a: {  	v3 =	vor.u32 v3, v4  }
0x28b: {  	v4 =	vperm.xlane v3, v0;
	_ =	sdelay $0x1  }
0x28c: {  	v3 =	vperm.xlane v3, v2;
	v4 =	vadd.s32 v1, v4;
	_ =	sdelay $0x1  }
0x28d: {  	s0 =	sld [smem:$0x7F5];
	v3 =	vadd.s32 v1, v3;
	_ =	sdelay $0x1  }
0x28e: {  	s23 =	sld [smem:$0x7F6]  }
0x28f: {  	[tilespmem:s0], [sflag:$0x1] =	stream.indirect_vreg.gather [hbm4b:s3+s4], $0x80, v4, vm0, $0xb8;
	[tilespmem:$0x1C400] =	vst v63  }
0x290: {  	_ = 	snop  }
0x291: {  	[tilespmem:s23], [sflag:$0x1] =	stream.indirect_vreg.gather [hbm4b:s3+s4], $0x80, v3, vm0, $0xb8;
	[tilespmem:$0x1C400] =	vst v63  }
0x292: {  	v3 =	vld [tilespmem:$0x290];
	_ =	sdelay $0x4  }
0x293: {  	v57 =	vshll.u32 v3, $0x1  }
0x294: {  	v3 =	vand.u32 $0x7, v3;
	v4 =	vand.u32 $0xFFFFFFF0, v57  }
0x295: {  	v3 =	vor.u32 v3, v4  }
0x296: {  	v4 =	vperm.xlane v3, v0;
	_ =	sdelay $0x1  }
0x297: {  	v3 =	vperm.xlane v3, v2;
	v4 =	vadd.s32 v1, v4;
	_ =	sdelay $0x1  }
0x298: {  	s0 =	sld [smem:$0x7F7];
	v3 =	vadd.s32 v1, v3;
	_ =	sdelay $0x1  }
0x299: {  	s23 =	sld [smem:$0x7F8]  }
0x29a: {  	[tilespmem:s0], [sflag:$0x1] =	stream.indirect_vreg.gather [hbm4b:s3+s4], $0x80, v4, vm0, $0xb8;
	[tilespmem:$0x1C400] =	vst v63  }
0x29b: {  	_ = 	snop  }
0x29c: {  	[tilespmem:s23], [sflag:$0x1] =	stream.indirect_vreg.gather [hbm4b:s3+s4], $0x80, v3, vm0, $0xb8;
	[tilespmem:$0x1C400] =	vst v63  }
0x29d: {  	v3 =	vld [tilespmem:$0x2A0];
	_ =	sdelay $0x4  }
0x29e: {  	v58 =	vshll.u32 v3, $0x1  }
0x29f: {  	v3 =	vand.u32 $0x7, v3;
	v4 =	vand.u32 $0xFFFFFFF0, v58  }
0x2a0: {  	v3 =	vor.u32 v3, v4  }
0x2a1: {  	v4 =	vperm.xlane v3, v0;
	_ =	sdelay $0x1  }
0x2a2: {  	v3 =	vperm.xlane v3, v2;
	v4 =	vadd.s32 v1, v4;
	_ =	sdelay $0x1  }
0x2a3: {  	s0 =	sld [smem:$0x7F9];
	v3 =	vadd.s32 v1, v3;
	_ =	sdelay $0x1  }
0x2a4: {  	s23 =	sld [smem:$0x7FA]  }
0x2a5: {  	[tilespmem:s0], [sflag:$0x1] =	stream.indirect_vreg.gather [hbm4b:s3+s4], $0x80, v4, vm0, $0xb8;
	[tilespmem:$0x1C400] =	vst v63  }
0x2a6: {  	_ = 	snop  }
0x2a7: {  	[tilespmem:s23], [sflag:$0x1] =	stream.indirect_vreg.gather [hbm4b:s3+s4], $0x80, v3, vm0, $0xb8;
	[tilespmem:$0x1C400] =	vst v63  }
0x2a8: {  	v3 =	vld [tilespmem:$0x2B0];
	_ =	sdelay $0x4  }
0x2a9: {  	v59 =	vshll.u32 v3, $0x1  }
0x2aa: {  	v3 =	vand.u32 $0x7, v3;
	v4 =	vand.u32 $0xFFFFFFF0, v59  }
0x2ab: {  	v3 =	vor.u32 v3, v4  }
0x2ac: {  	v4 =	vperm.xlane v3, v0;
	_ =	sdelay $0x1  }
0x2ad: {  	v3 =	vperm.xlane v3, v2;
	v4 =	vadd.s32 v1, v4;
	_ =	sdelay $0x1  }
0x2ae: {  	s0 =	sld [smem:$0x7FB];
	v3 =	vadd.s32 v1, v3;
	_ =	sdelay $0x1  }
0x2af: {  	s23 =	sld [smem:$0x7FC]  }
0x2b0: {  	[tilespmem:s0], [sflag:$0x1] =	stream.indirect_vreg.gather [hbm4b:s3+s4], $0x80, v4, vm0, $0xb8;
	[tilespmem:$0x1C400] =	vst v63  }
0x2b1: {  	_ = 	snop  }
0x2b2: {  	[tilespmem:s23], [sflag:$0x1] =	stream.indirect_vreg.gather [hbm4b:s3+s4], $0x80, v3, vm0, $0xb8;
	[tilespmem:$0x1C400] =	vst v63  }
0x2b3: {  	v3 =	vld [tilespmem:$0x2C0];
	_ =	sdelay $0x4  }
0x2b4: {  	v60 =	vshll.u32 v3, $0x1  }
0x2b5: {  	v3 =	vand.u32 $0x7, v3;
	v4 =	vand.u32 $0xFFFFFFF0, v60  }
0x2b6: {  	v3 =	vor.u32 v3, v4  }
0x2b7: {  	v4 =	vperm.xlane v3, v0;
	_ =	sdelay $0x1  }
0x2b8: {  	v3 =	vperm.xlane v3, v2;
	v4 =	vadd.s32 v1, v4;
	_ =	sdelay $0x1  }
0x2b9: {  	s23 =	sld [smem:$0x7FD];
	v3 =	vadd.s32 v1, v3;
	_ =	sdelay $0x2  }
0x2ba: {  	[tilespmem:s23], [sflag:$0x1] =	stream.indirect_vreg.gather [hbm4b:s3+s4], $0x80, v4, vm0, $0xb8;
	[tilespmem:$0x1C400] =	vst v63  }
0x2bb: {  	s23 =	simm.s32 $0x10C00  }
0x2bc: {  	[tilespmem:s23], [sflag:$0x1] =	stream.indirect_vreg.gather [hbm4b:s3+s4], $0x80, v3, vm0, $0xb8;
	[tilespmem:$0x1C400] =	vst v63  }
0x2bd: {  	v3 =	vld [tilespmem:$0x2D0];
	_ =	sdelay $0x4  }
0x2be: {  	v61 =	vshll.u32 v3, $0x1  }
0x2bf: {  	v3 =	vand.u32 $0x7, v3;
	v4 =	vand.u32 $0xFFFFFFF0, v61  }
0x2c0: {  	v3 =	vor.u32 v3, v4  }
0x2c1: {  	v4 =	vperm.xlane v3, v0;
	_ =	sdelay $0x1  }
0x2c2: {  	v3 =	vperm.xlane v3, v2;
	v4 =	vadd.s32 v1, v4;
	_ =	sdelay $0x1  }
0x2c3: {  	v3 =	vadd.s32 v1, v3;
	_ =	sdelay $0x2  }
0x2c4: {  	[tilespmem:s24], [sflag:$0x1] =	stream.indirect_vreg.gather [hbm4b:s3+s4], $0x80, v4, vm0, $0xb8;
	[tilespmem:$0x1C400] =	vst v63  }
0x2c5: {  	_ = 	snop  }
0x2c6: {  	[tilespmem:s25], [sflag:$0x1] =	stream.indirect_vreg.gather [hbm4b:s3+s4], $0x80, v3, vm0, $0xb8;
	[tilespmem:$0x1C400] =	vst v63  }
0x2c7: {  	v3 =	vld [tilespmem:$0x2E0];
	_ =	sdelay $0x4  }
0x2c8: {  	v62 =	vshll.u32 v3, $0x1  }
0x2c9: {  	v3 =	vand.u32 $0x7, v3;
	v4 =	vand.u32 $0xFFFFFFF0, v62  }
0x2ca: {  	v3 =	vor.u32 v3, v4  }
0x2cb: {  	v4 =	vperm.xlane v3, v0;
	_ =	sdelay $0x1  }
0x2cc: {  	v3 =	vperm.xlane v3, v2;
	v4 =	vadd.s32 v1, v4;
	_ =	sdelay $0x1  }
0x2cd: {  	v3 =	vadd.s32 v1, v3;
	_ =	sdelay $0x2  }
0x2ce: {  	[tilespmem:s26], [sflag:$0x1] =	stream.indirect_vreg.gather [hbm4b:s3+s4], $0x80, v4, vm0, $0xb8;
	[tilespmem:$0x1C400] =	vst v63  }
0x2cf: {  	_ = 	snop  }
0x2d0: {  	[tilespmem:s28], [sflag:$0x1] =	stream.indirect_vreg.gather [hbm4b:s3+s4], $0x80, v3, vm0, $0xb8;
	[tilespmem:$0x1C400] =	vst v63  }
0x2d1: {  	v3 =	vld [tilespmem:$0x2F0];
	_ =	sdelay $0x4  }
0x2d2: {  	v63 =	vshll.u32 v3, $0x1  }
0x2d3: {  	v3 =	vand.u32 $0x7, v3;
	v4 =	vand.u32 $0xFFFFFFF0, v63  }
0x2d4: {  	v3 =	vor.u32 v3, v4  }
0x2d5: {  	v4 =	vperm.xlane v3, v0;
	_ =	sdelay $0x1  }
0x2d6: {  	v3 =	vperm.xlane v3, v2;
	v4 =	vadd.s32 v1, v4;
	_ =	sdelay $0x1  }
0x2d7: {  	v3 =	vadd.s32 v1, v3;
	_ =	sdelay $0x2  }
0x2d8: {  	[tilespmem:s29], [sflag:$0x1] =	stream.indirect_vreg.gather [hbm4b:s3+s4], $0x80, v4, vm0, $0xb8;
	[tilespmem:$0x1C400] =	vst v63  }
0x2d9: {  	_ = 	snop  }
0x2da: {  	[tilespmem:s30], [sflag:$0x1] =	stream.indirect_vreg.gather [hbm4b:s3+s4], $0x80, v3, vm0, $0xb8;
	[tilespmem:$0x1C400] =	vst v63  }
0x2db: {  	_ =	swait.ge [sflag:s19], $0x8000  }
0x2dc: {  	[sflag:s19] =	ssyncset.done $0x0  }
0x2dd: {  	[sflag:s19] =	ssyncadd.s32 $0xFFFF8000  }
0x2de: {  	[tilespmem:s2], [sflag:$0x1] =	stream.indirect.gather [hbm4b:s5+s21], $0x80, s31, s21, $0xb8;
	[tilespmem:$0x1C400] =	vst v63  }
0x2df: {  	_ =	swait.ge [sflag:s19], $0x4000  }
0x2e0: {  	[sflag:s19] =	ssyncset.done $0x0  }
0x2e1: {  	s23 =	rddreg [dreg:$0x16];
	[sflag:s19] =	ssyncadd.s32 $0xFFFFC000  }
0x2e2: {  	[hbm4b:s23+s4] =	stream.linear.scatter [tilespmem:s20], [sflag:$0x2], $0x10000, $0x38;
	[tilespmem:$0x1C400] =	vst v63  }
0x2e3: {  	_ =	swait.ge [sflag:s10], $0x10000  }
0x2e4: {  	p0 =	sne.s32 s9, $0x1;
	[sflag:s10] =	ssyncset.done $0x0  }
.Ltmp0:
0x2e5: {  	s23 =	rddreg [dreg:$0x17];
	[sflag:s10] =	ssyncadd.s32 $0xFFFF0000;
	(pc) =	sbr.rel @p0 .LBB2_1-.Ltmp0, $4  }
0x2e6: {  	[hbm4b:s23+s4] =	stream.linear.scatter [tilespmem:s22], [sflag:$0x2], $0x8000, $0x38;
	[tilespmem:$0x1C400] =	vst v63  }
0x2e7: {  	_ =	swait.ge [sflag:s10], $0x8000  }
0x2e8: {  	[sflag:s10] =	ssyncset.done $0x0  }
0x2e9: {  	s9 =	sadd.s32 $0xFFFFFFFF, s9;
	[sflag:s10] =	ssyncadd.s32 $0xFFFF8000  }
0x2ea: {  	_ =	sfence.sel $0x180000  }
0x2eb: {  	[bflag:$0x0] =	sbarrier.arrive $0xFFFF  }
0x2ec: {  	_ =	strace $0x90000047  }
0x2ed: {  	s0 =	stileid.u32;
	[bflag:$0x2] =	sbarrier.arrive $0xFFFF  }
0x2ee: {  	p0 =	sne.s32 s0, $0x0;
	s0 =	rddreg [dreg:$0x4]  }
0x2ef: {  	s0 =	sadd.s32 @!p0 $0x100000, s0  }
0x2f0: {  	[sflag:s0] =	ssyncadd.tile.s32 @!p0 $0x1;
	_ =	shalt  }
.Lfunc_end2:
_tile_overlayer_lowered:
.L_overlay_start_2:
0x2f1: {  	(tag) =	ssettag $0x2  }
0x2f2: {  	s0 =	rddreg [dreg:$0x0];
	s2 =	stileid.u32  }
0x2f3: {  	s1 =	rddreg [dreg:$0x1];
	p0 =	sne.s32 s2, $0x0  }
0x2f4: {  	s3 =	rddreg [dreg:$0x2];
	[bflag:$0x3] =	sbarrier.arrive $0xFFFF;
	s2 =	simm.s32 @!p0 $0x1C02  }
0x2f5: {  	[timem:s3], [sflag:s2] =	dma.local @!p0 [hbm:s0], s1  }
0x2f6: {  	s0 =	simm.s32 @!p0 $0x2  }
0x2f7: {  	_ =	swait.ge @!p0 [sflag:s0], s1  }
0x2f8: {  	s1 =	ssub.s32 @!p0 $0x0, s1;
	[sflag:s0] =	ssyncset.done @!p0 $0x0  }
0x2f9: {  	[sflag:s0] =	ssyncadd.s32 @!p0 s1  }
0x2fa: {  	[bflag:$0x3] =	sbarrier.arrive $0xFFFF  }
0x2fb: {  	_ =	shalt  }

</sc_bundles>
